<compile_context>
chip_gen: v7x
topology: tpu7x:2x2x1
jax: 0.10.2.dev20260603
libtpu: 0.0.44.dev20260713+nightly
codegen_flags: <defaults>
</compile_context>

<pallas_src>
import functools

import jax
import jax.numpy as jnp
from jax import lax
from jax.experimental import pallas as pl
from jax.experimental.pallas import tpu as pltpu
from jax.experimental.pallas import tpu_sc as plsc

N = 10000
E = 320000
D_IN = 128
H = 64
G = 128

NC = 2
NS = 16
NW = NC * NS
WIN = 160
NWIN = 64
EPAD = NW * NWIN * WIN - E
ROWS_ACC = 10112
ROWS_D = 10240

ACC_PER_SUB = ROWS_ACC // NS
D_PER_SUB = ROWS_D // NS
STRIPE = 640
TAIL = N - STRIPE * (NS - 1)

_MESH = dict(core_axis_name="c", subcore_axis_name="s",
             num_cores=NC, num_subcores=NS)
_SC_PARAMS = pltpu.CompilerParams(use_tc_tiling_on_sc=False)



def _deg_body(dstp, zeros1, out, dacc, didx, ones):
    c = lax.axis_index("c")
    s = lax.axis_index("s")
    wid = s * NC + c
    pltpu.sync_copy(zeros1.at[pl.ds(s * D_PER_SUB, D_PER_SUB)],
                    dacc.at[pl.ds(s * D_PER_SUB, D_PER_SUB)])
    pltpu.sync_copy(dstp.at[wid], didx)
    for i in range(WIN // 16):
        ones[pl.ds(i * 16, 16)] = jnp.ones((16,), jnp.float32)
    plsc.subcore_barrier()

    def win(w, carry):
        pltpu.sync_copy(ones, dacc.at[didx.at[w]], add=True)
        return carry

    lax.fori_loop(0, NWIN, win, 0, unroll=False)
    plsc.subcore_barrier()
    pltpu.sync_copy(dacc.at[pl.ds(s * D_PER_SUB, D_PER_SUB)],
                    out.at[pl.ds(c * ROWS_D + s * D_PER_SUB, D_PER_SUB)])


def _deg_kernel(dstp, zeros1):
    return pl.kernel(
        _deg_body,
        out_type=jax.ShapeDtypeStruct((NC * ROWS_D,), jnp.float32),
        mesh=plsc.VectorSubcoreMesh(**_MESH),
        compiler_params=_SC_PARAMS,
        scratch_types=[
            pltpu.VMEM_SHARED((ROWS_D,), jnp.float32),
            pltpu.VMEM((NWIN, WIN), jnp.int32),
            pltpu.VMEM((WIN,), jnp.float32),
        ],
    )(dstp, zeros1)


def _agg_body(g_hbm, zeros2, srcp, dstp, out, g_tbl, acc, sidx, didx,
              stg_a, stg_b, sem_a, sem_b):
    c = lax.axis_index("c")
    s = lax.axis_index("s")
    wid = s * NC + c
    @pl.when(s < NS - 1)
    def _():
        pltpu.sync_copy(g_hbm.at[pl.ds(s * STRIPE, STRIPE)],
                        g_tbl.at[pl.ds(s * STRIPE, STRIPE)])
        @pl.when(c == 0)
        def _():
            pltpu.sync_copy(g_hbm.at[pl.ds(s * STRIPE, STRIPE)],
                            acc.at[pl.ds(s * STRIPE, STRIPE)])
        @pl.when(c == 1)
        def _():
            pltpu.sync_copy(zeros2.at[pl.ds(s * STRIPE, STRIPE)],
                            acc.at[pl.ds(s * STRIPE, STRIPE)])

    @pl.when(s == NS - 1)
    def _():
        pltpu.sync_copy(g_hbm.at[pl.ds((NS - 1) * STRIPE, TAIL)],
                        g_tbl.at[pl.ds((NS - 1) * STRIPE, TAIL)])
        @pl.when(c == 0)
        def _():
            pltpu.sync_copy(g_hbm.at[pl.ds((NS - 1) * STRIPE, TAIL)],
                            acc.at[pl.ds((NS - 1) * STRIPE, TAIL)])
        @pl.when(c == 1)
        def _():
            pltpu.sync_copy(zeros2.at[pl.ds((NS - 1) * STRIPE, TAIL)],
                            acc.at[pl.ds((NS - 1) * STRIPE, TAIL)])

    pltpu.sync_copy(srcp.at[wid], sidx)
    pltpu.sync_copy(dstp.at[wid], didx)
    plsc.subcore_barrier()

    pltpu.async_copy(g_tbl.at[sidx.at[0]], stg_a, sem_a)

    def pair(k, carry):
        w = 2 * k
        pltpu.make_async_copy(g_tbl.at[sidx.at[w]], stg_a, sem_a).wait()
        pltpu.async_copy(g_tbl.at[sidx.at[w + 1]], stg_b, sem_b)
        pltpu.sync_copy(stg_a, acc.at[didx.at[w]], add=True)
        pltpu.make_async_copy(g_tbl.at[sidx.at[w + 1]], stg_b, sem_b).wait()

        @pl.when(k < NWIN // 2 - 1)
        def _():
            pltpu.async_copy(g_tbl.at[sidx.at[w + 2]], stg_a, sem_a)

        pltpu.sync_copy(stg_b, acc.at[didx.at[w + 1]], add=True)
        return carry

    lax.fori_loop(0, NWIN // 2, pair, 0, unroll=False)
    plsc.subcore_barrier()

    @pl.when(s < NS - 1)
    def _():
        pltpu.sync_copy(acc.at[pl.ds(s * STRIPE, STRIPE)],
                        out.at[c, pl.ds(s * STRIPE, STRIPE)])

    @pl.when(s == NS - 1)
    def _():
        pltpu.sync_copy(acc.at[pl.ds((NS - 1) * STRIPE, TAIL)],
                        out.at[c, pl.ds((NS - 1) * STRIPE, TAIL)])


def _agg_kernel(g, zeros2, srcp, dstp):
    return pl.kernel(
        _agg_body,
        out_type=jax.ShapeDtypeStruct((NC, N, H), jnp.float32),
        mesh=plsc.VectorSubcoreMesh(**_MESH),
        compiler_params=_SC_PARAMS,
        scratch_types=[
            pltpu.VMEM_SHARED((N, H), jnp.float32),
            pltpu.VMEM_SHARED((ROWS_ACC, H), jnp.float32),
            pltpu.VMEM((NWIN, WIN), jnp.int32),
            pltpu.VMEM((NWIN, WIN), jnp.int32),
            pltpu.VMEM((WIN, H), jnp.float32),
            pltpu.VMEM((WIN, H), jnp.float32),
            pltpu.SemaphoreType.DMA,
            pltpu.SemaphoreType.DMA,
        ],
    )(g, zeros2, srcp, dstp)



F = N // 2


def _tc1_body(deg4_ref, degu_ref, x_ref, w1_ref, dis_ref, g1_ref):
    d = deg4_ref[...]
    dis_e = lax.rsqrt(d[:, 0:1] + d[:, 1:2] + 1.0)
    dis_o = lax.rsqrt(d[:, 2:3] + d[:, 3:4] + 1.0)
    lane = lax.broadcasted_iota(jnp.int32, (1, 2 * H), 1)
    m_e = (lane < H).astype(jnp.float32)
    dis_ref[...] = dis_e * m_e + dis_o * (1.0 - m_e)
    du = jnp.sum(degu_ref[...], axis=1, keepdims=True)
    dis_u = lax.rsqrt(du + 1.0)
    g1_ref[...] = jnp.dot(x_ref[...], w1_ref[...],
                          preferred_element_type=jnp.float32) * dis_u


def _tc1(deg4, degu, x, W1):
    return pl.pallas_call(
        _tc1_body,
        out_shape=(jax.ShapeDtypeStruct((F, 2 * H), jnp.float32),
                   jax.ShapeDtypeStruct((N, H), jnp.float32)),
    )(deg4, degu, x, W1)


def _tcmid_body(p_ref, dis_ref, b_ref, wblk_ref, out_ref):
    dis = dis_ref[...]
    t = p_ref[0:F, :] + p_ref[F:2 * F, :]
    h = jnp.maximum(t * dis + b_ref[...], 0.0)
    out_ref[...] = jnp.dot(h, wblk_ref[...],
                           preferred_element_type=jnp.float32) * dis


def _tcmid(pf, dis, bf, Wblk):
    return pl.pallas_call(
        _tcmid_body,
        out_shape=jax.ShapeDtypeStruct((F, 2 * H), jnp.float32),
    )(pf, dis, bf, Wblk)


def _tc4_body(p_ref, dis_ref, b_ref, lblk_ref, lb_ref, be_ref, bo_ref,
              out_ref):
    t = p_ref[0:F, :] + p_ref[F:2 * F, :]
    h = t * dis_ref[...] + b_ref[...]
    s2 = jnp.dot(h, lblk_ref[...], preferred_element_type=jnp.float32)
    gids = lax.broadcasted_iota(jnp.int32, (F, G), 1)
    m_e = (be_ref[...] == gids).astype(jnp.float32)
    m_o = (bo_ref[...] == gids).astype(jnp.float32)
    dn = (((0,), (0,)), ((), ()))
    seg = (lax.dot_general(m_e, s2[:, 0:1], dn,
                           preferred_element_type=jnp.float32,
                           precision=lax.Precision.HIGHEST)
           + lax.dot_general(m_o, s2[:, 1:2], dn,
                             preferred_element_type=jnp.float32,
                             precision=lax.Precision.HIGHEST))
    ones = jnp.ones((F, 1), jnp.float32)
    cnt = (lax.dot_general(m_e, ones, dn, preferred_element_type=jnp.float32)
           + lax.dot_general(m_o, ones, dn,
                             preferred_element_type=jnp.float32))
    out_ref[...] = seg / jnp.maximum(cnt, 1.0) + lb_ref[...]


def _tc4(pf, dis, bf, lin_blk, lin_b, be, bo):
    return pl.pallas_call(
        _tc4_body,
        out_shape=jax.ShapeDtypeStruct((G, 1), jnp.float32),
    )(pf, dis, bf, lin_blk, lin_b, be, bo)



def _fold_bias(b):
    return jnp.concatenate([b, b]).reshape(1, 2 * H)


def kernel(x, edge_index, batch, W1, b1, W2, b2, W3, b3, lin_W, lin_b):
    src = edge_index[0]
    dst = edge_index[1]
    srcp = jnp.concatenate(
        [src, jnp.zeros((EPAD,), jnp.int32)]).reshape(NW, NWIN, WIN)
    dstp = jnp.concatenate(
        [dst, jnp.full((EPAD,), N, jnp.int32)]).reshape(NW, NWIN, WIN)
    zeros1 = jnp.zeros((ROWS_D,), jnp.float32)
    zeros2 = jnp.zeros((N, H), jnp.float32)
    zblk = jnp.zeros((H, H), jnp.float32)
    W2blk = jnp.block([[W2, zblk], [zblk, W2]])
    W3blk = jnp.block([[W3, zblk], [zblk, W3]])
    lin_blk = jnp.block(
        [[lin_W, jnp.zeros((H, 1), jnp.float32)],
         [jnp.zeros((H, 1), jnp.float32), lin_W]])
    batch_i = batch.astype(jnp.int32)
    be = batch_i[0::2].reshape(F, 1)
    bo = batch_i[1::2].reshape(F, 1)

    degp = _deg_kernel(dstp, zeros1).reshape(NC, ROWS_D)
    degu = degp[:, :N].T
    deg4 = degu.reshape(F, 2 * NC)

    dis, g1 = _tc1(deg4, degu, x, W1)
    p1 = _agg_kernel(g1, zeros2, srcp, dstp)
    g2 = _tcmid(p1.reshape(2 * F, 2 * H), dis, _fold_bias(b1), W2blk)
    p2 = _agg_kernel(g2.reshape(N, H), zeros2, srcp, dstp)
    g3 = _tcmid(p2.reshape(2 * F, 2 * H), dis, _fold_bias(b2), W3blk)
    p3 = _agg_kernel(g3.reshape(N, H), zeros2, srcp, dstp)
    return _tc4(p3.reshape(2 * F, 2 * H), dis, _fold_bias(b3),
                lin_blk, lin_b.reshape(1, 1), be, bo)

# --- scband reference (transcript-rebuilt; emitter-appended) ---
"""Pipeline reference for scband-gnnbaseline-46729244181042 (READ-ONLY COPY).

The authoritative reference and input builder live on the scoring server;
editing this copy changes nothing except your own understanding.
"""

import jax, jax.numpy as jnp
import numpy as np

N = 10000
E = 320000
D_IN = 128
H = 64
NUM_GRAPHS = 128


def _gcn_conv(x, W, b, src, dst, num_nodes):
    # h = x @ W, then symmetric-normalized aggregation with self loops (PyG GCNConv)
    h = x @ W
    loop = jnp.arange(num_nodes, dtype=src.dtype)
    row = jnp.concatenate([src, loop])
    col = jnp.concatenate([dst, loop])
    deg = jax.ops.segment_sum(jnp.ones_like(col, dtype=h.dtype), col, num_segments=num_nodes)
    deg_inv_sqrt = jnp.where(deg > 0, 1.0 / jnp.sqrt(deg), 0.0)
    norm = deg_inv_sqrt[row] * deg_inv_sqrt[col]
    msg = h[row] * norm[:, None]
    out = jax.ops.segment_sum(msg, col, num_segments=num_nodes)
    return out + b


def setup_inputs(seed: int = 0) -> dict:
    key = jax.random.key(seed)
    ks = jax.random.split(key, 12)
    x = jax.random.normal(ks[0], (N, D_IN), dtype=jnp.float32)
    edge_index = jax.random.randint(ks[1], (2, E), 0, N, dtype=jnp.int32)
    batch = jnp.sort(jax.random.randint(ks[2], (N,), 0, NUM_GRAPHS, dtype=jnp.int32))
    W1 = jax.random.normal(ks[3], (D_IN, H), dtype=jnp.float32) * (1.0 / np.sqrt(D_IN))
    b1 = jnp.zeros((H,), dtype=jnp.float32)
    W2 = jax.random.normal(ks[4], (H, H), dtype=jnp.float32) * (1.0 / np.sqrt(H))
    b2 = jnp.zeros((H,), dtype=jnp.float32)
    W3 = jax.random.normal(ks[5], (H, H), dtype=jnp.float32) * (1.0 / np.sqrt(H))
    b3 = jnp.zeros((H,), dtype=jnp.float32)
    lin_W = jax.random.normal(ks[6], (H, 1), dtype=jnp.float32) * (1.0 / np.sqrt(H))
    lin_b = jnp.zeros((1,), dtype=jnp.float32)
    return {"x": x, "edge_index": edge_index, "batch": batch,
            "W1": W1, "b1": b1, "W2": W2, "b2": b2, "W3": W3, "b3": b3,
            "lin_W": lin_W, "lin_b": lin_b}


def reference(x, edge_index, batch, W1, b1, W2, b2, W3, b3, lin_W, lin_b):
    src = edge_index[0]
    dst = edge_index[1]
    h = jax.nn.relu(_gcn_conv(x, W1, b1, src, dst, N))
    h = jax.nn.relu(_gcn_conv(h, W2, b2, src, dst, N))
    h = _gcn_conv(h, W3, b3, src, dst, N)
    # global mean pool over graph ids
    sums = jax.ops.segment_sum(h, batch, num_segments=NUM_GRAPHS)
    counts = jax.ops.segment_sum(jnp.ones((N,), dtype=h.dtype), batch, num_segments=NUM_GRAPHS)
    pooled = sums / jnp.clip(counts, 1.0)[:, None]
    # dropout is identity in eval mode
    return pooled @ lin_W + lin_b

if __name__ == "__main__":
    import jax
    _d = setup_inputs()
    print(jax.jit(kernel)(*tuple(_d.values())))

</pallas_src>

<mosaic_0001>
#map = affine_map<(d0, d1) -> (0, 0)>
#map1 = affine_map<(d0, d1) -> (0, 0, 0)>
module attributes {stable_mosaic.version = 14 : i64} {
  func.func @_agg_body(%arg0: i32, %arg1: i32, %arg2: memref<10000x64xf32, #tpu.memory_space<hbm>>, %arg3: memref<10000x64xf32, #tpu.memory_space<hbm>>, %arg4: memref<32x64x160xi32, #tpu.memory_space<hbm>>, %arg5: memref<32x64x160xi32, #tpu.memory_space<hbm>>, %arg6: memref<2x10000x64xf32, #tpu.memory_space<hbm>>, %arg7: memref<10000x64xf32, #tpu.memory_space<vmem_shared>>, %arg8: memref<10112x64xf32, #tpu.memory_space<vmem_shared>>, %arg9: memref<64x160xi32, #tpu.memory_space<vmem>>, %arg10: memref<64x160xi32, #tpu.memory_space<vmem>>, %arg11: memref<160x64xf32, #tpu.memory_space<vmem>>, %arg12: memref<160x64xf32, #tpu.memory_space<vmem>>, %arg13: memref<!tpu.dma_semaphore, #tpu.memory_space<semaphore_mem>>, %arg14: memref<!tpu.dma_semaphore, #tpu.memory_space<semaphore_mem>>) attributes {dimension_semantics = [#tpu.dimension_semantics<core_parallel>, #tpu.dimension_semantics<subcore_parallel>], iteration_bounds = array<i64: 2, 16>, scalar_prefetch = 0 : i64, scratch_operands = 8 : i64, tpu.core_type = #tpu.core_type<sc_vector_subcore>, window_params = [{transform_indices = #map}, {transform_indices = #map}, {transform_indices = #map1}, {transform_indices = #map1}, {transform_indices = #map1}]} {
    %mul3A = arith.constant 2 : i32
    %mul3A_0 = arith.muli %arg1, %mul3A : i32
    %add3A = arith.addi %mul3A_0, %arg0 : i32
    %lt3A = arith.constant 15 : i32
    %lt3A_1 = arith.cmpi slt, %arg1, %lt3A : i32
    %convert_element_type3A = arith.extui %lt3A_1 : i1 to i32
    %cond3A = arith.constant 0 : i32
    %cond3A_2 = arith.cmpi ne, %convert_element_type3A, %cond3A : i32
    scf.if %cond3A_2 {
      %mul3A_29 = arith.constant 640 : i32
      %mul3A_30 = arith.muli %arg1, %mul3A_29 : i32
      %mul3A_31 = arith.constant 640 : i32
      %mul3A_32 = arith.muli %arg1, %mul3A_31 : i32
      "tpu.region"() ({
        %run_scoped3A = tpu.sem_alloc : memref<!tpu.dma_semaphore, #tpu.memory_space<semaphore_mem>>
        %dma_start3A_43 = arith.constant 0 : i32
        %dma_start3A_44 = tpu.memref_slice %arg7[%mul3A_32, %dma_start3A_43] : memref<10000x64xf32, #tpu.memory_space<vmem_shared>> -> memref<640x64xf32, #tpu.memory_space<vmem_shared>>
        %dma_start3A_45 = arith.constant 0 : i32
        %dma_start3A_46 = tpu.memref_slice %arg2[%mul3A_30, %dma_start3A_45] : memref<10000x64xf32, #tpu.memory_space<hbm>> -> memref<640x64xf32, #tpu.memory_space<hbm>>
        tpu.enqueue_dma source(%dma_start3A_46 : memref<640x64xf32, #tpu.memory_space<hbm>>) target(%dma_start3A_44 : memref<640x64xf32, #tpu.memory_space<vmem_shared>>) target_semaphore(%run_scoped3A : memref<!tpu.dma_semaphore, #tpu.memory_space<semaphore_mem>>)
        %dma_wait3A = arith.constant 0 : i32
        %dma_wait3A_47 = tpu.memref_slice %arg7[%mul3A_32, %dma_wait3A] : memref<10000x64xf32, #tpu.memory_space<vmem_shared>> -> memref<640x64xf32, #tpu.memory_space<vmem_shared>>
        %dma_wait3A_48 = arith.constant 0 : i32
        %dma_wait3A_49 = tpu.memref_slice %arg2[%mul3A_30, %dma_wait3A_48] : memref<10000x64xf32, #tpu.memory_space<hbm>> -> memref<640x64xf32, #tpu.memory_space<hbm>>
        tpu.wait_dma2 semaphore(%run_scoped3A : memref<!tpu.dma_semaphore, #tpu.memory_space<semaphore_mem>>) src(%dma_wait3A_49 : memref<640x64xf32, #tpu.memory_space<hbm>>) dst(%dma_wait3A_47 : memref<640x64xf32, #tpu.memory_space<vmem_shared>>)
        tpu.yield
      }) : () -> ()
      %eq3A_33 = arith.constant 0 : i32
      %eq3A_34 = arith.cmpi eq, %arg0, %eq3A_33 : i32
      %convert_element_type3A_35 = arith.extui %eq3A_34 : i1 to i32
      %cond3A_36 = arith.constant 0 : i32
      %cond3A_37 = arith.cmpi ne, %convert_element_type3A_35, %cond3A_36 : i32
      scf.if %cond3A_37 {
        %mul3A_43 = arith.constant 640 : i32
        %mul3A_44 = arith.muli %arg1, %mul3A_43 : i32
        %mul3A_45 = arith.constant 640 : i32
        %mul3A_46 = arith.muli %arg1, %mul3A_45 : i32
        "tpu.region"() ({
          %run_scoped3A = tpu.sem_alloc : memref<!tpu.dma_semaphore, #tpu.memory_space<semaphore_mem>>
          %dma_start3A_47 = arith.constant 0 : i32
          %dma_start3A_48 = tpu.memref_slice %arg8[%mul3A_46, %dma_start3A_47] : memref<10112x64xf32, #tpu.memory_space<vmem_shared>> -> memref<640x64xf32, #tpu.memory_space<vmem_shared>>
          %dma_start3A_49 = arith.constant 0 : i32
          %dma_start3A_50 = tpu.memref_slice %arg2[%mul3A_44, %dma_start3A_49] : memref<10000x64xf32, #tpu.memory_space<hbm>> -> memref<640x64xf32, #tpu.memory_space<hbm>>
          tpu.enqueue_dma source(%dma_start3A_50 : memref<640x64xf32, #tpu.memory_space<hbm>>) target(%dma_start3A_48 : memref<640x64xf32, #tpu.memory_space<vmem_shared>>) target_semaphore(%run_scoped3A : memref<!tpu.dma_semaphore, #tpu.memory_space<semaphore_mem>>)
          %dma_wait3A = arith.constant 0 : i32
          %dma_wait3A_51 = tpu.memref_slice %arg8[%mul3A_46, %dma_wait3A] : memref<10112x64xf32, #tpu.memory_space<vmem_shared>> -> memref<640x64xf32, #tpu.memory_space<vmem_shared>>
          %dma_wait3A_52 = arith.constant 0 : i32
          %dma_wait3A_53 = tpu.memref_slice %arg2[%mul3A_44, %dma_wait3A_52] : memref<10000x64xf32, #tpu.memory_space<hbm>> -> memref<640x64xf32, #tpu.memory_space<hbm>>
          tpu.wait_dma2 semaphore(%run_scoped3A : memref<!tpu.dma_semaphore, #tpu.memory_space<semaphore_mem>>) src(%dma_wait3A_53 : memref<640x64xf32, #tpu.memory_space<hbm>>) dst(%dma_wait3A_51 : memref<640x64xf32, #tpu.memory_space<vmem_shared>>)
          tpu.yield
        }) : () -> ()
      } else {
      }
      %eq3A_38 = arith.constant 1 : i32
      %eq3A_39 = arith.cmpi eq, %arg0, %eq3A_38 : i32
      %convert_element_type3A_40 = arith.extui %eq3A_39 : i1 to i32
      %cond3A_41 = arith.constant 0 : i32
      %cond3A_42 = arith.cmpi ne, %convert_element_type3A_40, %cond3A_41 : i32
      scf.if %cond3A_42 {
        %mul3A_43 = arith.constant 640 : i32
        %mul3A_44 = arith.muli %arg1, %mul3A_43 : i32
        %mul3A_45 = arith.constant 640 : i32
        %mul3A_46 = arith.muli %arg1, %mul3A_45 : i32
        "tpu.region"() ({
          %run_scoped3A = tpu.sem_alloc : memref<!tpu.dma_semaphore, #tpu.memory_space<semaphore_mem>>
          %dma_start3A_47 = arith.constant 0 : i32
          %dma_start3A_48 = tpu.memref_slice %arg8[%mul3A_46, %dma_start3A_47] : memref<10112x64xf32, #tpu.memory_space<vmem_shared>> -> memref<640x64xf32, #tpu.memory_space<vmem_shared>>
          %dma_start3A_49 = arith.constant 0 : i32
          %dma_start3A_50 = tpu.memref_slice %arg3[%mul3A_44, %dma_start3A_49] : memref<10000x64xf32, #tpu.memory_space<hbm>> -> memref<640x64xf32, #tpu.memory_space<hbm>>
          tpu.enqueue_dma source(%dma_start3A_50 : memref<640x64xf32, #tpu.memory_space<hbm>>) target(%dma_start3A_48 : memref<640x64xf32, #tpu.memory_space<vmem_shared>>) target_semaphore(%run_scoped3A : memref<!tpu.dma_semaphore, #tpu.memory_space<semaphore_mem>>)
          %dma_wait3A = arith.constant 0 : i32
          %dma_wait3A_51 = tpu.memref_slice %arg8[%mul3A_46, %dma_wait3A] : memref<10112x64xf32, #tpu.memory_space<vmem_shared>> -> memref<640x64xf32, #tpu.memory_space<vmem_shared>>
          %dma_wait3A_52 = arith.constant 0 : i32
          %dma_wait3A_53 = tpu.memref_slice %arg3[%mul3A_44, %dma_wait3A_52] : memref<10000x64xf32, #tpu.memory_space<hbm>> -> memref<640x64xf32, #tpu.memory_space<hbm>>
          tpu.wait_dma2 semaphore(%run_scoped3A : memref<!tpu.dma_semaphore, #tpu.memory_space<semaphore_mem>>) src(%dma_wait3A_53 : memref<640x64xf32, #tpu.memory_space<hbm>>) dst(%dma_wait3A_51 : memref<640x64xf32, #tpu.memory_space<vmem_shared>>)
          tpu.yield
        }) : () -> ()
      } else {
      }
    } else {
    }
    %eq3A = arith.constant 15 : i32
    %eq3A_3 = arith.cmpi eq, %arg1, %eq3A : i32
    %convert_element_type3A_4 = arith.extui %eq3A_3 : i1 to i32
    %cond3A_5 = arith.constant 0 : i32
    %cond3A_6 = arith.cmpi ne, %convert_element_type3A_4, %cond3A_5 : i32
    scf.if %cond3A_6 {
      "tpu.region"() ({
        %run_scoped3A = tpu.sem_alloc : memref<!tpu.dma_semaphore, #tpu.memory_space<semaphore_mem>>
        %dma_start3A_39 = arith.constant 9600 : i32
        %dma_start3A_40 = arith.constant 0 : i32
        %dma_start3A_41 = tpu.memref_slice %arg7[%dma_start3A_39, %dma_start3A_40] : memref<10000x64xf32, #tpu.memory_space<vmem_shared>> -> memref<400x64xf32, #tpu.memory_space<vmem_shared>>
        %dma_start3A_42 = arith.constant 9600 : i32
        %dma_start3A_43 = arith.constant 0 : i32
        %dma_start3A_44 = tpu.memref_slice %arg2[%dma_start3A_42, %dma_start3A_43] : memref<10000x64xf32, #tpu.memory_space<hbm>> -> memref<400x64xf32, #tpu.memory_space<hbm>>
        tpu.enqueue_dma source(%dma_start3A_44 : memref<400x64xf32, #tpu.memory_space<hbm>>) target(%dma_start3A_41 : memref<400x64xf32, #tpu.memory_space<vmem_shared>>) target_semaphore(%run_scoped3A : memref<!tpu.dma_semaphore, #tpu.memory_space<semaphore_mem>>)
        %dma_wait3A = arith.constant 9600 : i32
        %dma_wait3A_45 = arith.constant 0 : i32
        %dma_wait3A_46 = tpu.memref_slice %arg7[%dma_wait3A, %dma_wait3A_45] : memref<10000x64xf32, #tpu.memory_space<vmem_shared>> -> memref<400x64xf32, #tpu.memory_space<vmem_shared>>
        %dma_wait3A_47 = arith.constant 9600 : i32
        %dma_wait3A_48 = arith.constant 0 : i32
        %dma_wait3A_49 = tpu.memref_slice %arg2[%dma_wait3A_47, %dma_wait3A_48] : memref<10000x64xf32, #tpu.memory_space<hbm>> -> memref<400x64xf32, #tpu.memory_space<hbm>>
        tpu.wait_dma2 semaphore(%run_scoped3A : memref<!tpu.dma_semaphore, #tpu.memory_space<semaphore_mem>>) src(%dma_wait3A_49 : memref<400x64xf32, #tpu.memory_space<hbm>>) dst(%dma_wait3A_46 : memref<400x64xf32, #tpu.memory_space<vmem_shared>>)
        tpu.yield
      }) : () -> ()
      %eq3A_29 = arith.constant 0 : i32
      %eq3A_30 = arith.cmpi eq, %arg0, %eq3A_29 : i32
      %convert_element_type3A_31 = arith.extui %eq3A_30 : i1 to i32
      %cond3A_32 = arith.constant 0 : i32
      %cond3A_33 = arith.cmpi ne, %convert_element_type3A_31, %cond3A_32 : i32
      scf.if %cond3A_33 {
        "tpu.region"() ({
          %run_scoped3A = tpu.sem_alloc : memref<!tpu.dma_semaphore, #tpu.memory_space<semaphore_mem>>
          %dma_start3A_39 = arith.constant 9600 : i32
          %dma_start3A_40 = arith.constant 0 : i32
          %dma_start3A_41 = tpu.memref_slice %arg8[%dma_start3A_39, %dma_start3A_40] : memref<10112x64xf32, #tpu.memory_space<vmem_shared>> -> memref<400x64xf32, #tpu.memory_space<vmem_shared>>
          %dma_start3A_42 = arith.constant 9600 : i32
          %dma_start3A_43 = arith.constant 0 : i32
          %dma_start3A_44 = tpu.memref_slice %arg2[%dma_start3A_42, %dma_start3A_43] : memref<10000x64xf32, #tpu.memory_space<hbm>> -> memref<400x64xf32, #tpu.memory_space<hbm>>
          tpu.enqueue_dma source(%dma_start3A_44 : memref<400x64xf32, #tpu.memory_space<hbm>>) target(%dma_start3A_41 : memref<400x64xf32, #tpu.memory_space<vmem_shared>>) target_semaphore(%run_scoped3A : memref<!tpu.dma_semaphore, #tpu.memory_space<semaphore_mem>>)
          %dma_wait3A = arith.constant 9600 : i32
          %dma_wait3A_45 = arith.constant 0 : i32
          %dma_wait3A_46 = tpu.memref_slice %arg8[%dma_wait3A, %dma_wait3A_45] : memref<10112x64xf32, #tpu.memory_space<vmem_shared>> -> memref<400x64xf32, #tpu.memory_space<vmem_shared>>
          %dma_wait3A_47 = arith.constant 9600 : i32
          %dma_wait3A_48 = arith.constant 0 : i32
          %dma_wait3A_49 = tpu.memref_slice %arg2[%dma_wait3A_47, %dma_wait3A_48] : memref<10000x64xf32, #tpu.memory_space<hbm>> -> memref<400x64xf32, #tpu.memory_space<hbm>>
          tpu.wait_dma2 semaphore(%run_scoped3A : memref<!tpu.dma_semaphore, #tpu.memory_space<semaphore_mem>>) src(%dma_wait3A_49 : memref<400x64xf32, #tpu.memory_space<hbm>>) dst(%dma_wait3A_46 : memref<400x64xf32, #tpu.memory_space<vmem_shared>>)
          tpu.yield
        }) : () -> ()
      } else {
      }
      %eq3A_34 = arith.constant 1 : i32
      %eq3A_35 = arith.cmpi eq, %arg0, %eq3A_34 : i32
      %convert_element_type3A_36 = arith.extui %eq3A_35 : i1 to i32
      %cond3A_37 = arith.constant 0 : i32
      %cond3A_38 = arith.cmpi ne, %convert_element_type3A_36, %cond3A_37 : i32
      scf.if %cond3A_38 {
        "tpu.region"() ({
          %run_scoped3A = tpu.sem_alloc : memref<!tpu.dma_semaphore, #tpu.memory_space<semaphore_mem>>
          %dma_start3A_39 = arith.constant 9600 : i32
          %dma_start3A_40 = arith.constant 0 : i32
          %dma_start3A_41 = tpu.memref_slice %arg8[%dma_start3A_39, %dma_start3A_40] : memref<10112x64xf32, #tpu.memory_space<vmem_shared>> -> memref<400x64xf32, #tpu.memory_space<vmem_shared>>
          %dma_start3A_42 = arith.constant 9600 : i32
          %dma_start3A_43 = arith.constant 0 : i32
          %dma_start3A_44 = tpu.memref_slice %arg3[%dma_start3A_42, %dma_start3A_43] : memref<10000x64xf32, #tpu.memory_space<hbm>> -> memref<400x64xf32, #tpu.memory_space<hbm>>
          tpu.enqueue_dma source(%dma_start3A_44 : memref<400x64xf32, #tpu.memory_space<hbm>>) target(%dma_start3A_41 : memref<400x64xf32, #tpu.memory_space<vmem_shared>>) target_semaphore(%run_scoped3A : memref<!tpu.dma_semaphore, #tpu.memory_space<semaphore_mem>>)
          %dma_wait3A = arith.constant 9600 : i32
          %dma_wait3A_45 = arith.constant 0 : i32
          %dma_wait3A_46 = tpu.memref_slice %arg8[%dma_wait3A, %dma_wait3A_45] : memref<10112x64xf32, #tpu.memory_space<vmem_shared>> -> memref<400x64xf32, #tpu.memory_space<vmem_shared>>
          %dma_wait3A_47 = arith.constant 9600 : i32
          %dma_wait3A_48 = arith.constant 0 : i32
          %dma_wait3A_49 = tpu.memref_slice %arg3[%dma_wait3A_47, %dma_wait3A_48] : memref<10000x64xf32, #tpu.memory_space<hbm>> -> memref<400x64xf32, #tpu.memory_space<hbm>>
          tpu.wait_dma2 semaphore(%run_scoped3A : memref<!tpu.dma_semaphore, #tpu.memory_space<semaphore_mem>>) src(%dma_wait3A_49 : memref<400x64xf32, #tpu.memory_space<hbm>>) dst(%dma_wait3A_46 : memref<400x64xf32, #tpu.memory_space<vmem_shared>>)
          tpu.yield
        }) : () -> ()
      } else {
      }
    } else {
    }
    "tpu.region"() ({
      %run_scoped3A = tpu.sem_alloc : memref<!tpu.dma_semaphore, #tpu.memory_space<semaphore_mem>>
      %dma_start3A_29 = arith.constant 0 : i32
      %dma_start3A_30 = arith.constant 0 : i32
      %dma_start3A_31 = tpu.memref_slice %arg4[%add3A, %dma_start3A_29, %dma_start3A_30] : memref<32x64x160xi32, #tpu.memory_space<hbm>> -> memref<1x64x160xi32, #tpu.memory_space<hbm>>
      %dma_start3A_32 = tpu.memref_squeeze %dma_start3A_31 : memref<1x64x160xi32, #tpu.memory_space<hbm>> -> memref<64x160xi32, #tpu.memory_space<hbm>>
      %dma_start3A_33 = arith.constant 0 : i32
      %dma_start3A_34 = arith.constant 0 : i32
      %dma_start3A_35 = tpu.memref_slice %arg4[%add3A, %dma_start3A_33, %dma_start3A_34] : memref<32x64x160xi32, #tpu.memory_space<hbm>> -> memref<1x64x160xi32, #tpu.memory_space<hbm>>
      %dma_start3A_36 = tpu.memref_squeeze %dma_start3A_35 : memref<1x64x160xi32, #tpu.memory_space<hbm>> -> memref<64x160xi32, #tpu.memory_space<hbm>>
      tpu.enqueue_dma source(%dma_start3A_36 : memref<64x160xi32, #tpu.memory_space<hbm>>) target(%arg9 : memref<64x160xi32, #tpu.memory_space<vmem>>) target_semaphore(%run_scoped3A : memref<!tpu.dma_semaphore, #tpu.memory_space<semaphore_mem>>)
      %dma_wait3A = arith.constant 0 : i32
      %dma_wait3A_37 = arith.constant 0 : i32
      %dma_wait3A_38 = tpu.memref_slice %arg4[%add3A, %dma_wait3A, %dma_wait3A_37] : memref<32x64x160xi32, #tpu.memory_space<hbm>> -> memref<1x64x160xi32, #tpu.memory_space<hbm>>
      %dma_wait3A_39 = tpu.memref_squeeze %dma_wait3A_38 : memref<1x64x160xi32, #tpu.memory_space<hbm>> -> memref<64x160xi32, #tpu.memory_space<hbm>>
      %dma_wait3A_40 = arith.constant 0 : i32
      %dma_wait3A_41 = arith.constant 0 : i32
      %dma_wait3A_42 = tpu.memref_slice %arg4[%add3A, %dma_wait3A_40, %dma_wait3A_41] : memref<32x64x160xi32, #tpu.memory_space<hbm>> -> memref<1x64x160xi32, #tpu.memory_space<hbm>>
      %dma_wait3A_43 = tpu.memref_squeeze %dma_wait3A_42 : memref<1x64x160xi32, #tpu.memory_space<hbm>> -> memref<64x160xi32, #tpu.memory_space<hbm>>
      tpu.wait_dma2 semaphore(%run_scoped3A : memref<!tpu.dma_semaphore, #tpu.memory_space<semaphore_mem>>) src(%dma_wait3A_43 : memref<64x160xi32, #tpu.memory_space<hbm>>) dst(%arg9 : memref<64x160xi32, #tpu.memory_space<vmem>>)
      tpu.yield
    }) : () -> ()
    "tpu.region"() ({
      %run_scoped3A = tpu.sem_alloc : memref<!tpu.dma_semaphore, #tpu.memory_space<semaphore_mem>>
      %dma_start3A_29 = arith.constant 0 : i32
      %dma_start3A_30 = arith.constant 0 : i32
      %dma_start3A_31 = tpu.memref_slice %arg5[%add3A, %dma_start3A_29, %dma_start3A_30] : memref<32x64x160xi32, #tpu.memory_space<hbm>> -> memref<1x64x160xi32, #tpu.memory_space<hbm>>
      %dma_start3A_32 = tpu.memref_squeeze %dma_start3A_31 : memref<1x64x160xi32, #tpu.memory_space<hbm>> -> memref<64x160xi32, #tpu.memory_space<hbm>>
      %dma_start3A_33 = arith.constant 0 : i32
      %dma_start3A_34 = arith.constant 0 : i32
      %dma_start3A_35 = tpu.memref_slice %arg5[%add3A, %dma_start3A_33, %dma_start3A_34] : memref<32x64x160xi32, #tpu.memory_space<hbm>> -> memref<1x64x160xi32, #tpu.memory_space<hbm>>
      %dma_start3A_36 = tpu.memref_squeeze %dma_start3A_35 : memref<1x64x160xi32, #tpu.memory_space<hbm>> -> memref<64x160xi32, #tpu.memory_space<hbm>>
      tpu.enqueue_dma source(%dma_start3A_36 : memref<64x160xi32, #tpu.memory_space<hbm>>) target(%arg10 : memref<64x160xi32, #tpu.memory_space<vmem>>) target_semaphore(%run_scoped3A : memref<!tpu.dma_semaphore, #tpu.memory_space<semaphore_mem>>)
      %dma_wait3A = arith.constant 0 : i32
      %dma_wait3A_37 = arith.constant 0 : i32
      %dma_wait3A_38 = tpu.memref_slice %arg5[%add3A, %dma_wait3A, %dma_wait3A_37] : memref<32x64x160xi32, #tpu.memory_space<hbm>> -> memref<1x64x160xi32, #tpu.memory_space<hbm>>
      %dma_wait3A_39 = tpu.memref_squeeze %dma_wait3A_38 : memref<1x64x160xi32, #tpu.memory_space<hbm>> -> memref<64x160xi32, #tpu.memory_space<hbm>>
      %dma_wait3A_40 = arith.constant 0 : i32
      %dma_wait3A_41 = arith.constant 0 : i32
      %dma_wait3A_42 = tpu.memref_slice %arg5[%add3A, %dma_wait3A_40, %dma_wait3A_41] : memref<32x64x160xi32, #tpu.memory_space<hbm>> -> memref<1x64x160xi32, #tpu.memory_space<hbm>>
      %dma_wait3A_43 = tpu.memref_squeeze %dma_wait3A_42 : memref<1x64x160xi32, #tpu.memory_space<hbm>> -> memref<64x160xi32, #tpu.memory_space<hbm>>
      tpu.wait_dma2 semaphore(%run_scoped3A : memref<!tpu.dma_semaphore, #tpu.memory_space<semaphore_mem>>) src(%dma_wait3A_43 : memref<64x160xi32, #tpu.memory_space<hbm>>) dst(%arg10 : memref<64x160xi32, #tpu.memory_space<vmem>>)
      tpu.yield
    }) : () -> ()
    %barrier3A = arith.constant 0 : index
    tpu.barrier barrier_id(%barrier3A)
    %dma_start3A = arith.constant 0 : i32
    %dma_start3A_7 = arith.constant 0 : i32
    %dma_start3A_8 = tpu.memref_slice %arg9[%dma_start3A, %dma_start3A_7] : memref<64x160xi32, #tpu.memory_space<vmem>> -> memref<1x160xi32, #tpu.memory_space<vmem>>
    %dma_start3A_9 = tpu.memref_squeeze %dma_start3A_8 : memref<1x160xi32, #tpu.memory_space<vmem>> -> memref<160xi32, #tpu.memory_space<vmem>>
    %dma_start3A_10 = arith.constant 0 : i32
    %dma_start3A_11 = arith.constant 0 : i32
    %dma_start3A_12 = tpu.memref_slice %arg7[%dma_start3A_10, %dma_start3A_11] : memref<10000x64xf32, #tpu.memory_space<vmem_shared>> -> memref<10000x64xf32, #tpu.memory_space<vmem_shared>>
    tpu.enqueue_indirect_dma source(%dma_start3A_12 : memref<10000x64xf32, #tpu.memory_space<vmem_shared>>) target(%arg11 : memref<160x64xf32, #tpu.memory_space<vmem>>) offsets(%dma_start3A_9 : memref<160xi32, #tpu.memory_space<vmem>>) semaphore(%arg13 : memref<!tpu.dma_semaphore, #tpu.memory_space<semaphore_mem>>)
    %scan3A = arith.constant 0 : i32
    %scan3A_13 = arith.constant 0 : i32
    %scan3A_14 = arith.constant 32 : i32
    %scan3A_15 = arith.addi %scan3A_13, %scan3A_14 : i32
    %scan3A_16 = arith.constant 1 : i32
    scf.for %scan3A_29 = %scan3A_13 to %scan3A_15 step %scan3A_16  : i32 {
      %mul3A_30 = arith.constant 2 : i32
      %mul3A_31 = arith.muli %mul3A_30, %scan3A_29 : i32
      %dma_wait3A = arith.constant 0 : i32
      %dma_wait3A_32 = tpu.memref_slice %arg9[%mul3A_31, %dma_wait3A] : memref<64x160xi32, #tpu.memory_space<vmem>> -> memref<1x160xi32, #tpu.memory_space<vmem>>
      %dma_wait3A_33 = tpu.memref_squeeze %dma_wait3A_32 : memref<1x160xi32, #tpu.memory_space<vmem>> -> memref<160xi32, #tpu.memory_space<vmem>>
      %dma_wait3A_34 = arith.constant 0 : i32
      %dma_wait3A_35 = arith.constant 0 : i32
      %dma_wait3A_36 = tpu.memref_slice %arg7[%dma_wait3A_34, %dma_wait3A_35] : memref<10000x64xf32, #tpu.memory_space<vmem_shared>> -> memref<10000x64xf32, #tpu.memory_space<vmem_shared>>
      tpu.wait_indirect_dma semaphore(%arg13 : memref<!tpu.dma_semaphore, #tpu.memory_space<semaphore_mem>>) src(%dma_wait3A_36 : memref<10000x64xf32, #tpu.memory_space<vmem_shared>>) dst(%arg11 : memref<160x64xf32, #tpu.memory_space<vmem>>)
      %add3A_37 = arith.constant 1 : i32
      %add3A_38 = arith.addi %mul3A_31, %add3A_37 : i32
      %dma_start3A_39 = arith.constant 0 : i32
      %dma_start3A_40 = tpu.memref_slice %arg9[%add3A_38, %dma_start3A_39] : memref<64x160xi32, #tpu.memory_space<vmem>> -> memref<1x160xi32, #tpu.memory_space<vmem>>
      %dma_start3A_41 = tpu.memref_squeeze %dma_start3A_40 : memref<1x160xi32, #tpu.memory_space<vmem>> -> memref<160xi32, #tpu.memory_space<vmem>>
      %dma_start3A_42 = arith.constant 0 : i32
      %dma_start3A_43 = arith.constant 0 : i32
      %dma_start3A_44 = tpu.memref_slice %arg7[%dma_start3A_42, %dma_start3A_43] : memref<10000x64xf32, #tpu.memory_space<vmem_shared>> -> memref<10000x64xf32, #tpu.memory_space<vmem_shared>>
      tpu.enqueue_indirect_dma source(%dma_start3A_44 : memref<10000x64xf32, #tpu.memory_space<vmem_shared>>) target(%arg12 : memref<160x64xf32, #tpu.memory_space<vmem>>) offsets(%dma_start3A_41 : memref<160xi32, #tpu.memory_space<vmem>>) semaphore(%arg14 : memref<!tpu.dma_semaphore, #tpu.memory_space<semaphore_mem>>)
      "tpu.region"() ({
        %run_scoped3A = tpu.sem_alloc : memref<!tpu.dma_semaphore, #tpu.memory_space<semaphore_mem>>
        %dma_start3A_60 = arith.constant 0 : i32
        %dma_start3A_61 = tpu.memref_slice %arg10[%mul3A_31, %dma_start3A_60] : memref<64x160xi32, #tpu.memory_space<vmem>> -> memref<1x160xi32, #tpu.memory_space<vmem>>
        %dma_start3A_62 = tpu.memref_squeeze %dma_start3A_61 : memref<1x160xi32, #tpu.memory_space<vmem>> -> memref<160xi32, #tpu.memory_space<vmem>>
        %dma_start3A_63 = arith.constant 0 : i32
        %dma_start3A_64 = arith.constant 0 : i32
        %dma_start3A_65 = tpu.memref_slice %arg8[%dma_start3A_63, %dma_start3A_64] : memref<10112x64xf32, #tpu.memory_space<vmem_shared>> -> memref<10112x64xf32, #tpu.memory_space<vmem_shared>>
        tpu.enqueue_indirect_dma source(%arg11 : memref<160x64xf32, #tpu.memory_space<vmem>>) target(%dma_start3A_65 : memref<10112x64xf32, #tpu.memory_space<vmem_shared>>) offsets(%dma_start3A_62 : memref<160xi32, #tpu.memory_space<vmem>>) semaphore(%run_scoped3A : memref<!tpu.dma_semaphore, #tpu.memory_space<semaphore_mem>>) {add = true}
        %dma_wait3A_66 = arith.constant 0 : i32
        %dma_wait3A_67 = tpu.memref_slice %arg10[%mul3A_31, %dma_wait3A_66] : memref<64x160xi32, #tpu.memory_space<vmem>> -> memref<1x160xi32, #tpu.memory_space<vmem>>
        %dma_wait3A_68 = tpu.memref_squeeze %dma_wait3A_67 : memref<1x160xi32, #tpu.memory_space<vmem>> -> memref<160xi32, #tpu.memory_space<vmem>>
        %dma_wait3A_69 = arith.constant 0 : i32
        %dma_wait3A_70 = arith.constant 0 : i32
        %dma_wait3A_71 = tpu.memref_slice %arg8[%dma_wait3A_69, %dma_wait3A_70] : memref<10112x64xf32, #tpu.memory_space<vmem_shared>> -> memref<10112x64xf32, #tpu.memory_space<vmem_shared>>
        tpu.wait_indirect_dma semaphore(%run_scoped3A : memref<!tpu.dma_semaphore, #tpu.memory_space<semaphore_mem>>) src(%arg11 : memref<160x64xf32, #tpu.memory_space<vmem>>) dst(%dma_wait3A_71 : memref<10112x64xf32, #tpu.memory_space<vmem_shared>>)
        tpu.yield
      }) : () -> ()
      %add3A_45 = arith.constant 1 : i32
      %add3A_46 = arith.addi %mul3A_31, %add3A_45 : i32
      %dma_wait3A_47 = arith.constant 0 : i32
      %dma_wait3A_48 = tpu.memref_slice %arg9[%add3A_46, %dma_wait3A_47] : memref<64x160xi32, #tpu.memory_space<vmem>> -> memref<1x160xi32, #tpu.memory_space<vmem>>
      %dma_wait3A_49 = tpu.memref_squeeze %dma_wait3A_48 : memref<1x160xi32, #tpu.memory_space<vmem>> -> memref<160xi32, #tpu.memory_space<vmem>>
      %dma_wait3A_50 = arith.constant 0 : i32
      %dma_wait3A_51 = arith.constant 0 : i32
      %dma_wait3A_52 = tpu.memref_slice %arg7[%dma_wait3A_50, %dma_wait3A_51] : memref<10000x64xf32, #tpu.memory_space<vmem_shared>> -> memref<10000x64xf32, #tpu.memory_space<vmem_shared>>
      tpu.wait_indirect_dma semaphore(%arg14 : memref<!tpu.dma_semaphore, #tpu.memory_space<semaphore_mem>>) src(%dma_wait3A_52 : memref<10000x64xf32, #tpu.memory_space<vmem_shared>>) dst(%arg12 : memref<160x64xf32, #tpu.memory_space<vmem>>)
      %lt3A_53 = arith.constant 31 : i32
      %lt3A_54 = arith.cmpi slt, %scan3A_29, %lt3A_53 : i32
      %convert_element_type3A_55 = arith.extui %lt3A_54 : i1 to i32
      %cond3A_56 = arith.constant 0 : i32
      %cond3A_57 = arith.cmpi ne, %convert_element_type3A_55, %cond3A_56 : i32
      scf.if %cond3A_57 {
        %add3A_60 = arith.constant 2 : i32
        %add3A_61 = arith.addi %mul3A_31, %add3A_60 : i32
        %dma_start3A_62 = arith.constant 0 : i32
        %dma_start3A_63 = tpu.memref_slice %arg9[%add3A_61, %dma_start3A_62] : memref<64x160xi32, #tpu.memory_space<vmem>> -> memref<1x160xi32, #tpu.memory_space<vmem>>
        %dma_start3A_64 = tpu.memref_squeeze %dma_start3A_63 : memref<1x160xi32, #tpu.memory_space<vmem>> -> memref<160xi32, #tpu.memory_space<vmem>>
        %dma_start3A_65 = arith.constant 0 : i32
        %dma_start3A_66 = arith.constant 0 : i32
        %dma_start3A_67 = tpu.memref_slice %arg7[%dma_start3A_65, %dma_start3A_66] : memref<10000x64xf32, #tpu.memory_space<vmem_shared>> -> memref<10000x64xf32, #tpu.memory_space<vmem_shared>>
        tpu.enqueue_indirect_dma source(%dma_start3A_67 : memref<10000x64xf32, #tpu.memory_space<vmem_shared>>) target(%arg11 : memref<160x64xf32, #tpu.memory_space<vmem>>) offsets(%dma_start3A_64 : memref<160xi32, #tpu.memory_space<vmem>>) semaphore(%arg13 : memref<!tpu.dma_semaphore, #tpu.memory_space<semaphore_mem>>)
      } else {
      }
      %add3A_58 = arith.constant 1 : i32
      %add3A_59 = arith.addi %mul3A_31, %add3A_58 : i32
      "tpu.region"() ({
        %run_scoped3A = tpu.sem_alloc : memref<!tpu.dma_semaphore, #tpu.memory_space<semaphore_mem>>
        %dma_start3A_60 = arith.constant 0 : i32
        %dma_start3A_61 = tpu.memref_slice %arg10[%add3A_59, %dma_start3A_60] : memref<64x160xi32, #tpu.memory_space<vmem>> -> memref<1x160xi32, #tpu.memory_space<vmem>>
        %dma_start3A_62 = tpu.memref_squeeze %dma_start3A_61 : memref<1x160xi32, #tpu.memory_space<vmem>> -> memref<160xi32, #tpu.memory_space<vmem>>
        %dma_start3A_63 = arith.constant 0 : i32
        %dma_start3A_64 = arith.constant 0 : i32
        %dma_start3A_65 = tpu.memref_slice %arg8[%dma_start3A_63, %dma_start3A_64] : memref<10112x64xf32, #tpu.memory_space<vmem_shared>> -> memref<10112x64xf32, #tpu.memory_space<vmem_shared>>
        tpu.enqueue_indirect_dma source(%arg12 : memref<160x64xf32, #tpu.memory_space<vmem>>) target(%dma_start3A_65 : memref<10112x64xf32, #tpu.memory_space<vmem_shared>>) offsets(%dma_start3A_62 : memref<160xi32, #tpu.memory_space<vmem>>) semaphore(%run_scoped3A : memref<!tpu.dma_semaphore, #tpu.memory_space<semaphore_mem>>) {add = true}
        %dma_wait3A_66 = arith.constant 0 : i32
        %dma_wait3A_67 = tpu.memref_slice %arg10[%add3A_59, %dma_wait3A_66] : memref<64x160xi32, #tpu.memory_space<vmem>> -> memref<1x160xi32, #tpu.memory_space<vmem>>
        %dma_wait3A_68 = tpu.memref_squeeze %dma_wait3A_67 : memref<1x160xi32, #tpu.memory_space<vmem>> -> memref<160xi32, #tpu.memory_space<vmem>>
        %dma_wait3A_69 = arith.constant 0 : i32
        %dma_wait3A_70 = arith.constant 0 : i32
        %dma_wait3A_71 = tpu.memref_slice %arg8[%dma_wait3A_69, %dma_wait3A_70] : memref<10112x64xf32, #tpu.memory_space<vmem_shared>> -> memref<10112x64xf32, #tpu.memory_space<vmem_shared>>
        tpu.wait_indirect_dma semaphore(%run_scoped3A : memref<!tpu.dma_semaphore, #tpu.memory_space<semaphore_mem>>) src(%arg12 : memref<160x64xf32, #tpu.memory_space<vmem>>) dst(%dma_wait3A_71 : memref<10112x64xf32, #tpu.memory_space<vmem_shared>>)
        tpu.yield
      }) : () -> ()
    }
    %scan3A_17 = arith.constant 32 : i32
    %barrier3A_18 = arith.constant 0 : index
    tpu.barrier barrier_id(%barrier3A_18)
    %lt3A_19 = arith.constant 15 : i32
    %lt3A_20 = arith.cmpi slt, %arg1, %lt3A_19 : i32
    %convert_element_type3A_21 = arith.extui %lt3A_20 : i1 to i32
    %cond3A_22 = arith.constant 0 : i32
    %cond3A_23 = arith.cmpi ne, %convert_element_type3A_21, %cond3A_22 : i32
    scf.if %cond3A_23 {
      %mul3A_29 = arith.constant 640 : i32
      %mul3A_30 = arith.muli %arg1, %mul3A_29 : i32
      %mul3A_31 = arith.constant 640 : i32
      %mul3A_32 = arith.muli %arg1, %mul3A_31 : i32
      "tpu.region"() ({
        %run_scoped3A = tpu.sem_alloc : memref<!tpu.dma_semaphore, #tpu.memory_space<semaphore_mem>>
        %dma_start3A_33 = arith.constant 0 : i32
        %dma_start3A_34 = tpu.memref_slice %arg6[%arg0, %mul3A_32, %dma_start3A_33] : memref<2x10000x64xf32, #tpu.memory_space<hbm>> -> memref<1x640x64xf32, #tpu.memory_space<hbm>>
        %dma_start3A_35 = tpu.memref_squeeze %dma_start3A_34 : memref<1x640x64xf32, #tpu.memory_space<hbm>> -> memref<640x64xf32, #tpu.memory_space<hbm>>
        %dma_start3A_36 = arith.constant 0 : i32
        %dma_start3A_37 = tpu.memref_slice %arg8[%mul3A_30, %dma_start3A_36] : memref<10112x64xf32, #tpu.memory_space<vmem_shared>> -> memref<640x64xf32, #tpu.memory_space<vmem_shared>>
        tpu.enqueue_dma source(%dma_start3A_37 : memref<640x64xf32, #tpu.memory_space<vmem_shared>>) target(%dma_start3A_35 : memref<640x64xf32, #tpu.memory_space<hbm>>) target_semaphore(%run_scoped3A : memref<!tpu.dma_semaphore, #tpu.memory_space<semaphore_mem>>)
        %dma_wait3A = arith.constant 0 : i32
        %dma_wait3A_38 = tpu.memref_slice %arg6[%arg0, %mul3A_32, %dma_wait3A] : memref<2x10000x64xf32, #tpu.memory_space<hbm>> -> memref<1x640x64xf32, #tpu.memory_space<hbm>>
        %dma_wait3A_39 = tpu.memref_squeeze %dma_wait3A_38 : memref<1x640x64xf32, #tpu.memory_space<hbm>> -> memref<640x64xf32, #tpu.memory_space<hbm>>
        %dma_wait3A_40 = arith.constant 0 : i32
        %dma_wait3A_41 = tpu.memref_slice %arg8[%mul3A_30, %dma_wait3A_40] : memref<10112x64xf32, #tpu.memory_space<vmem_shared>> -> memref<640x64xf32, #tpu.memory_space<vmem_shared>>
        tpu.wait_dma2 semaphore(%run_scoped3A : memref<!tpu.dma_semaphore, #tpu.memory_space<semaphore_mem>>) src(%dma_wait3A_41 : memref<640x64xf32, #tpu.memory_space<vmem_shared>>) dst(%dma_wait3A_39 : memref<640x64xf32, #tpu.memory_space<hbm>>)
        tpu.yield
      }) : () -> ()
    } else {
    }
    %eq3A_24 = arith.constant 15 : i32
    %eq3A_25 = arith.cmpi eq, %arg1, %eq3A_24 : i32
    %convert_element_type3A_26 = arith.extui %eq3A_25 : i1 to i32
    %cond3A_27 = arith.constant 0 : i32
    %cond3A_28 = arith.cmpi ne, %convert_element_type3A_26, %cond3A_27 : i32
    scf.if %cond3A_28 {
      "tpu.region"() ({
        %run_scoped3A = tpu.sem_alloc : memref<!tpu.dma_semaphore, #tpu.memory_space<semaphore_mem>>
        %dma_start3A_29 = arith.constant 9600 : i32
        %dma_start3A_30 = arith.constant 0 : i32
        %dma_start3A_31 = tpu.memref_slice %arg6[%arg0, %dma_start3A_29, %dma_start3A_30] : memref<2x10000x64xf32, #tpu.memory_space<hbm>> -> memref<1x400x64xf32, #tpu.memory_space<hbm>>
        %dma_start3A_32 = tpu.memref_squeeze %dma_start3A_31 : memref<1x400x64xf32, #tpu.memory_space<hbm>> -> memref<400x64xf32, #tpu.memory_space<hbm>>
        %dma_start3A_33 = arith.constant 9600 : i32
        %dma_start3A_34 = arith.constant 0 : i32
        %dma_start3A_35 = tpu.memref_slice %arg8[%dma_start3A_33, %dma_start3A_34] : memref<10112x64xf32, #tpu.memory_space<vmem_shared>> -> memref<400x64xf32, #tpu.memory_space<vmem_shared>>
        tpu.enqueue_dma source(%dma_start3A_35 : memref<400x64xf32, #tpu.memory_space<vmem_shared>>) target(%dma_start3A_32 : memref<400x64xf32, #tpu.memory_space<hbm>>) target_semaphore(%run_scoped3A : memref<!tpu.dma_semaphore, #tpu.memory_space<semaphore_mem>>)
        %dma_wait3A = arith.constant 9600 : i32
        %dma_wait3A_36 = arith.constant 0 : i32
        %dma_wait3A_37 = tpu.memref_slice %arg6[%arg0, %dma_wait3A, %dma_wait3A_36] : memref<2x10000x64xf32, #tpu.memory_space<hbm>> -> memref<1x400x64xf32, #tpu.memory_space<hbm>>
        %dma_wait3A_38 = tpu.memref_squeeze %dma_wait3A_37 : memref<1x400x64xf32, #tpu.memory_space<hbm>> -> memref<400x64xf32, #tpu.memory_space<hbm>>
        %dma_wait3A_39 = arith.constant 9600 : i32
        %dma_wait3A_40 = arith.constant 0 : i32
        %dma_wait3A_41 = tpu.memref_slice %arg8[%dma_wait3A_39, %dma_wait3A_40] : memref<10112x64xf32, #tpu.memory_space<vmem_shared>> -> memref<400x64xf32, #tpu.memory_space<vmem_shared>>
        tpu.wait_dma2 semaphore(%run_scoped3A : memref<!tpu.dma_semaphore, #tpu.memory_space<semaphore_mem>>) src(%dma_wait3A_41 : memref<400x64xf32, #tpu.memory_space<vmem_shared>>) dst(%dma_wait3A_38 : memref<400x64xf32, #tpu.memory_space<hbm>>)
        tpu.yield
      }) : () -> ()
    } else {
    }
    return
  }
}

#map = affine_map<(d0, d1) -> (0, 0, 0)>
#map1 = affine_map<(d0, d1) -> (0)>
module attributes {stable_mosaic.version = 14 : i64} {
  func.func @_deg_body(%arg0: i32, %arg1: i32, %arg2: memref<32x64x160xi32, #tpu.memory_space<hbm>>, %arg3: memref<10240xf32, #tpu.memory_space<hbm>>, %arg4: memref<20480xf32, #tpu.memory_space<hbm>>, %arg5: memref<10240xf32, #tpu.memory_space<vmem_shared>>, %arg6: memref<64x160xi32, #tpu.memory_space<vmem>>, %arg7: memref<160xf32, #tpu.memory_space<vmem>>) attributes {dimension_semantics = [#tpu.dimension_semantics<core_parallel>, #tpu.dimension_semantics<subcore_parallel>], iteration_bounds = array<i64: 2, 16>, scalar_prefetch = 0 : i64, scratch_operands = 3 : i64, tpu.core_type = #tpu.core_type<sc_vector_subcore>, window_params = [{transform_indices = #map}, {transform_indices = #map1}, {transform_indices = #map1}]} {
    %mul3A = arith.constant 2 : i32
    %mul3A_0 = arith.muli %arg1, %mul3A : i32
    %add3A = arith.addi %mul3A_0, %arg0 : i32
    %mul3A_1 = arith.constant 640 : i32
    %mul3A_2 = arith.muli %arg1, %mul3A_1 : i32
    %mul3A_3 = arith.constant 640 : i32
    %mul3A_4 = arith.muli %arg1, %mul3A_3 : i32
    "tpu.region"() ({
      %run_scoped3A = tpu.sem_alloc : memref<!tpu.dma_semaphore, #tpu.memory_space<semaphore_mem>>
      %dma_start3A = tpu.memref_slice %arg5[%mul3A_4] : memref<10240xf32, #tpu.memory_space<vmem_shared>> -> memref<640xf32, #tpu.memory_space<vmem_shared>>
      %dma_start3A_76 = tpu.memref_slice %arg3[%mul3A_2] : memref<10240xf32, #tpu.memory_space<hbm>> -> memref<640xf32, #tpu.memory_space<hbm>>
      tpu.enqueue_dma source(%dma_start3A_76 : memref<640xf32, #tpu.memory_space<hbm>>) target(%dma_start3A : memref<640xf32, #tpu.memory_space<vmem_shared>>) target_semaphore(%run_scoped3A : memref<!tpu.dma_semaphore, #tpu.memory_space<semaphore_mem>>)
      %dma_wait3A = tpu.memref_slice %arg5[%mul3A_4] : memref<10240xf32, #tpu.memory_space<vmem_shared>> -> memref<640xf32, #tpu.memory_space<vmem_shared>>
      %dma_wait3A_77 = tpu.memref_slice %arg3[%mul3A_2] : memref<10240xf32, #tpu.memory_space<hbm>> -> memref<640xf32, #tpu.memory_space<hbm>>
      tpu.wait_dma2 semaphore(%run_scoped3A : memref<!tpu.dma_semaphore, #tpu.memory_space<semaphore_mem>>) src(%dma_wait3A_77 : memref<640xf32, #tpu.memory_space<hbm>>) dst(%dma_wait3A : memref<640xf32, #tpu.memory_space<vmem_shared>>)
      tpu.yield
    }) : () -> ()
    "tpu.region"() ({
      %run_scoped3A = tpu.sem_alloc : memref<!tpu.dma_semaphore, #tpu.memory_space<semaphore_mem>>
      %dma_start3A = arith.constant 0 : i32
      %dma_start3A_76 = arith.constant 0 : i32
      %dma_start3A_77 = tpu.memref_slice %arg2[%add3A, %dma_start3A, %dma_start3A_76] : memref<32x64x160xi32, #tpu.memory_space<hbm>> -> memref<1x64x160xi32, #tpu.memory_space<hbm>>
      %dma_start3A_78 = tpu.memref_squeeze %dma_start3A_77 : memref<1x64x160xi32, #tpu.memory_space<hbm>> -> memref<64x160xi32, #tpu.memory_space<hbm>>
      %dma_start3A_79 = arith.constant 0 : i32
      %dma_start3A_80 = arith.constant 0 : i32
      %dma_start3A_81 = tpu.memref_slice %arg2[%add3A, %dma_start3A_79, %dma_start3A_80] : memref<32x64x160xi32, #tpu.memory_space<hbm>> -> memref<1x64x160xi32, #tpu.memory_space<hbm>>
      %dma_start3A_82 = tpu.memref_squeeze %dma_start3A_81 : memref<1x64x160xi32, #tpu.memory_space<hbm>> -> memref<64x160xi32, #tpu.memory_space<hbm>>
      tpu.enqueue_dma source(%dma_start3A_82 : memref<64x160xi32, #tpu.memory_space<hbm>>) target(%arg6 : memref<64x160xi32, #tpu.memory_space<vmem>>) target_semaphore(%run_scoped3A : memref<!tpu.dma_semaphore, #tpu.memory_space<semaphore_mem>>)
      %dma_wait3A = arith.constant 0 : i32
      %dma_wait3A_83 = arith.constant 0 : i32
      %dma_wait3A_84 = tpu.memref_slice %arg2[%add3A, %dma_wait3A, %dma_wait3A_83] : memref<32x64x160xi32, #tpu.memory_space<hbm>> -> memref<1x64x160xi32, #tpu.memory_space<hbm>>
      %dma_wait3A_85 = tpu.memref_squeeze %dma_wait3A_84 : memref<1x64x160xi32, #tpu.memory_space<hbm>> -> memref<64x160xi32, #tpu.memory_space<hbm>>
      %dma_wait3A_86 = arith.constant 0 : i32
      %dma_wait3A_87 = arith.constant 0 : i32
      %dma_wait3A_88 = tpu.memref_slice %arg2[%add3A, %dma_wait3A_86, %dma_wait3A_87] : memref<32x64x160xi32, #tpu.memory_space<hbm>> -> memref<1x64x160xi32, #tpu.memory_space<hbm>>
      %dma_wait3A_89 = tpu.memref_squeeze %dma_wait3A_88 : memref<1x64x160xi32, #tpu.memory_space<hbm>> -> memref<64x160xi32, #tpu.memory_space<hbm>>
      tpu.wait_dma2 semaphore(%run_scoped3A : memref<!tpu.dma_semaphore, #tpu.memory_space<semaphore_mem>>) src(%dma_wait3A_89 : memref<64x160xi32, #tpu.memory_space<hbm>>) dst(%arg6 : memref<64x160xi32, #tpu.memory_space<vmem>>)
      tpu.yield
    }) : () -> ()
    %broadcast_in_dim3A = arith.constant 1.000000e+00 : f32
    %broadcast_in_dim3A_5 = vector.broadcast %broadcast_in_dim3A : f32 to vector<16xf32>
    %swap3A = arith.constant 0 : index
    %swap3A_6 = tpu.vector_load %arg7[%swap3A] {strides = array<i32>} : memref<160xf32, #tpu.memory_space<vmem>>, vector<16xf32>,
    %swap3A_7 = vector.shape_cast %swap3A_6 : vector<16xf32> to vector<16xf32>
    %swap3A_8 = vector.shape_cast %broadcast_in_dim3A_5 : vector<16xf32> to vector<16xf32>
    tpu.vector_store %arg7[%swap3A], %swap3A_8 {strides = array<i32>} : memref<160xf32, #tpu.memory_space<vmem>>, vector<16xf32>,
    %broadcast_in_dim3A_9 = arith.constant 1.000000e+00 : f32
    %broadcast_in_dim3A_10 = vector.broadcast %broadcast_in_dim3A_9 : f32 to vector<16xf32>
    %swap3A_11 = arith.constant 16 : index
    %swap3A_12 = tpu.vector_load %arg7[%swap3A_11] {strides = array<i32>} : memref<160xf32, #tpu.memory_space<vmem>>, vector<16xf32>,
    %swap3A_13 = vector.shape_cast %swap3A_12 : vector<16xf32> to vector<16xf32>
    %swap3A_14 = vector.shape_cast %broadcast_in_dim3A_10 : vector<16xf32> to vector<16xf32>
    tpu.vector_store %arg7[%swap3A_11], %swap3A_14 {strides = array<i32>} : memref<160xf32, #tpu.memory_space<vmem>>, vector<16xf32>,
    %broadcast_in_dim3A_15 = arith.constant 1.000000e+00 : f32
    %broadcast_in_dim3A_16 = vector.broadcast %broadcast_in_dim3A_15 : f32 to vector<16xf32>
    %swap3A_17 = arith.constant 32 : index
    %swap3A_18 = tpu.vector_load %arg7[%swap3A_17] {strides = array<i32>} : memref<160xf32, #tpu.memory_space<vmem>>, vector<16xf32>,
    %swap3A_19 = vector.shape_cast %swap3A_18 : vector<16xf32> to vector<16xf32>
    %swap3A_20 = vector.shape_cast %broadcast_in_dim3A_16 : vector<16xf32> to vector<16xf32>
    tpu.vector_store %arg7[%swap3A_17], %swap3A_20 {strides = array<i32>} : memref<160xf32, #tpu.memory_space<vmem>>, vector<16xf32>,
    %broadcast_in_dim3A_21 = arith.constant 1.000000e+00 : f32
    %broadcast_in_dim3A_22 = vector.broadcast %broadcast_in_dim3A_21 : f32 to vector<16xf32>
    %swap3A_23 = arith.constant 48 : index
    %swap3A_24 = tpu.vector_load %arg7[%swap3A_23] {strides = array<i32>} : memref<160xf32, #tpu.memory_space<vmem>>, vector<16xf32>,
    %swap3A_25 = vector.shape_cast %swap3A_24 : vector<16xf32> to vector<16xf32>
    %swap3A_26 = vector.shape_cast %broadcast_in_dim3A_22 : vector<16xf32> to vector<16xf32>
    tpu.vector_store %arg7[%swap3A_23], %swap3A_26 {strides = array<i32>} : memref<160xf32, #tpu.memory_space<vmem>>, vector<16xf32>,
    %broadcast_in_dim3A_27 = arith.constant 1.000000e+00 : f32
    %broadcast_in_dim3A_28 = vector.broadcast %broadcast_in_dim3A_27 : f32 to vector<16xf32>
    %swap3A_29 = arith.constant 64 : index
    %swap3A_30 = tpu.vector_load %arg7[%swap3A_29] {strides = array<i32>} : memref<160xf32, #tpu.memory_space<vmem>>, vector<16xf32>,
    %swap3A_31 = vector.shape_cast %swap3A_30 : vector<16xf32> to vector<16xf32>
    %swap3A_32 = vector.shape_cast %broadcast_in_dim3A_28 : vector<16xf32> to vector<16xf32>
    tpu.vector_store %arg7[%swap3A_29], %swap3A_32 {strides = array<i32>} : memref<160xf32, #tpu.memory_space<vmem>>, vector<16xf32>,
    %broadcast_in_dim3A_33 = arith.constant 1.000000e+00 : f32
    %broadcast_in_dim3A_34 = vector.broadcast %broadcast_in_dim3A_33 : f32 to vector<16xf32>
    %swap3A_35 = arith.constant 80 : index
    %swap3A_36 = tpu.vector_load %arg7[%swap3A_35] {strides = array<i32>} : memref<160xf32, #tpu.memory_space<vmem>>, vector<16xf32>,
    %swap3A_37 = vector.shape_cast %swap3A_36 : vector<16xf32> to vector<16xf32>
    %swap3A_38 = vector.shape_cast %broadcast_in_dim3A_34 : vector<16xf32> to vector<16xf32>
    tpu.vector_store %arg7[%swap3A_35], %swap3A_38 {strides = array<i32>} : memref<160xf32, #tpu.memory_space<vmem>>, vector<16xf32>,
    %broadcast_in_dim3A_39 = arith.constant 1.000000e+00 : f32
    %broadcast_in_dim3A_40 = vector.broadcast %broadcast_in_dim3A_39 : f32 to vector<16xf32>
    %swap3A_41 = arith.constant 96 : index
    %swap3A_42 = tpu.vector_load %arg7[%swap3A_41] {strides = array<i32>} : memref<160xf32, #tpu.memory_space<vmem>>, vector<16xf32>,
    %swap3A_43 = vector.shape_cast %swap3A_42 : vector<16xf32> to vector<16xf32>
    %swap3A_44 = vector.shape_cast %broadcast_in_dim3A_40 : vector<16xf32> to vector<16xf32>
    tpu.vector_store %arg7[%swap3A_41], %swap3A_44 {strides = array<i32>} : memref<160xf32, #tpu.memory_space<vmem>>, vector<16xf32>,
    %broadcast_in_dim3A_45 = arith.constant 1.000000e+00 : f32
    %broadcast_in_dim3A_46 = vector.broadcast %broadcast_in_dim3A_45 : f32 to vector<16xf32>
    %swap3A_47 = arith.constant 112 : index
    %swap3A_48 = tpu.vector_load %arg7[%swap3A_47] {strides = array<i32>} : memref<160xf32, #tpu.memory_space<vmem>>, vector<16xf32>,
    %swap3A_49 = vector.shape_cast %swap3A_48 : vector<16xf32> to vector<16xf32>
    %swap3A_50 = vector.shape_cast %broadcast_in_dim3A_46 : vector<16xf32> to vector<16xf32>
    tpu.vector_store %arg7[%swap3A_47], %swap3A_50 {strides = array<i32>} : memref<160xf32, #tpu.memory_space<vmem>>, vector<16xf32>,
    %broadcast_in_dim3A_51 = arith.constant 1.000000e+00 : f32
    %broadcast_in_dim3A_52 = vector.broadcast %broadcast_in_dim3A_51 : f32 to vector<16xf32>
    %swap3A_53 = arith.constant 128 : index
    %swap3A_54 = tpu.vector_load %arg7[%swap3A_53] {strides = array<i32>} : memref<160xf32, #tpu.memory_space<vmem>>, vector<16xf32>,
    %swap3A_55 = vector.shape_cast %swap3A_54 : vector<16xf32> to vector<16xf32>
    %swap3A_56 = vector.shape_cast %broadcast_in_dim3A_52 : vector<16xf32> to vector<16xf32>
    tpu.vector_store %arg7[%swap3A_53], %swap3A_56 {strides = array<i32>} : memref<160xf32, #tpu.memory_space<vmem>>, vector<16xf32>,
    %broadcast_in_dim3A_57 = arith.constant 1.000000e+00 : f32
    %broadcast_in_dim3A_58 = vector.broadcast %broadcast_in_dim3A_57 : f32 to vector<16xf32>
    %swap3A_59 = arith.constant 144 : index
    %swap3A_60 = tpu.vector_load %arg7[%swap3A_59] {strides = array<i32>} : memref<160xf32, #tpu.memory_space<vmem>>, vector<16xf32>,
    %swap3A_61 = vector.shape_cast %swap3A_60 : vector<16xf32> to vector<16xf32>
    %swap3A_62 = vector.shape_cast %broadcast_in_dim3A_58 : vector<16xf32> to vector<16xf32>
    tpu.vector_store %arg7[%swap3A_59], %swap3A_62 {strides = array<i32>} : memref<160xf32, #tpu.memory_space<vmem>>, vector<16xf32>,
    %barrier3A = arith.constant 0 : index
    tpu.barrier barrier_id(%barrier3A)
    %scan3A = arith.constant 0 : i32
    %scan3A_63 = arith.constant 0 : i32
    %scan3A_64 = arith.constant 64 : i32
    %scan3A_65 = arith.addi %scan3A_63, %scan3A_64 : i32
    %scan3A_66 = arith.constant 1 : i32
    scf.for %scan3A_76 = %scan3A_63 to %scan3A_65 step %scan3A_66  : i32 {
      "tpu.region"() ({
        %run_scoped3A = tpu.sem_alloc : memref<!tpu.dma_semaphore, #tpu.memory_space<semaphore_mem>>
        %dma_start3A = arith.constant 0 : i32
        %dma_start3A_77 = tpu.memref_slice %arg6[%scan3A_76, %dma_start3A] : memref<64x160xi32, #tpu.memory_space<vmem>> -> memref<1x160xi32, #tpu.memory_space<vmem>>
        %dma_start3A_78 = tpu.memref_squeeze %dma_start3A_77 : memref<1x160xi32, #tpu.memory_space<vmem>> -> memref<160xi32, #tpu.memory_space<vmem>>
        %dma_start3A_79 = arith.constant 0 : i32
        %dma_start3A_80 = tpu.memref_slice %arg5[%dma_start3A_79] : memref<10240xf32, #tpu.memory_space<vmem_shared>> -> memref<10240xf32, #tpu.memory_space<vmem_shared>>
        tpu.enqueue_indirect_dma source(%arg7 : memref<160xf32, #tpu.memory_space<vmem>>) target(%dma_start3A_80 : memref<10240xf32, #tpu.memory_space<vmem_shared>>) offsets(%dma_start3A_78 : memref<160xi32, #tpu.memory_space<vmem>>) semaphore(%run_scoped3A : memref<!tpu.dma_semaphore, #tpu.memory_space<semaphore_mem>>) {add = true}
        %dma_wait3A = arith.constant 0 : i32
        %dma_wait3A_81 = tpu.memref_slice %arg6[%scan3A_76, %dma_wait3A] : memref<64x160xi32, #tpu.memory_space<vmem>> -> memref<1x160xi32, #tpu.memory_space<vmem>>
        %dma_wait3A_82 = tpu.memref_squeeze %dma_wait3A_81 : memref<1x160xi32, #tpu.memory_space<vmem>> -> memref<160xi32, #tpu.memory_space<vmem>>
        %dma_wait3A_83 = arith.constant 0 : i32
        %dma_wait3A_84 = tpu.memref_slice %arg5[%dma_wait3A_83] : memref<10240xf32, #tpu.memory_space<vmem_shared>> -> memref<10240xf32, #tpu.memory_space<vmem_shared>>
        tpu.wait_indirect_dma semaphore(%run_scoped3A : memref<!tpu.dma_semaphore, #tpu.memory_space<semaphore_mem>>) src(%arg7 : memref<160xf32, #tpu.memory_space<vmem>>) dst(%dma_wait3A_84 : memref<10240xf32, #tpu.memory_space<vmem_shared>>)
        tpu.yield
      }) : () -> ()
    }
    %scan3A_67 = arith.constant 64 : i32
    %barrier3A_68 = arith.constant 0 : index
    tpu.barrier barrier_id(%barrier3A_68)
    %mul3A_69 = arith.constant 640 : i32
    %mul3A_70 = arith.muli %arg1, %mul3A_69 : i32
    %mul3A_71 = arith.constant 10240 : i32
    %mul3A_72 = arith.muli %arg0, %mul3A_71 : i32
    %mul3A_73 = arith.constant 640 : i32
    %mul3A_74 = arith.muli %arg1, %mul3A_73 : i32
    %add3A_75 = arith.addi %mul3A_72, %mul3A_74 : i32
    "tpu.region"() ({
      %run_scoped3A = tpu.sem_alloc : memref<!tpu.dma_semaphore, #tpu.memory_space<semaphore_mem>>
      %dma_start3A = tpu.memref_slice %arg4[%add3A_75] : memref<20480xf32, #tpu.memory_space<hbm>> -> memref<640xf32, #tpu.memory_space<hbm>>
      %dma_start3A_76 = tpu.memref_slice %arg5[%mul3A_70] : memref<10240xf32, #tpu.memory_space<vmem_shared>> -> memref<640xf32, #tpu.memory_space<vmem_shared>>
      tpu.enqueue_dma source(%dma_start3A_76 : memref<640xf32, #tpu.memory_space<vmem_shared>>) target(%dma_start3A : memref<640xf32, #tpu.memory_space<hbm>>) target_semaphore(%run_scoped3A : memref<!tpu.dma_semaphore, #tpu.memory_space<semaphore_mem>>)
      %dma_wait3A = tpu.memref_slice %arg4[%add3A_75] : memref<20480xf32, #tpu.memory_space<hbm>> -> memref<640xf32, #tpu.memory_space<hbm>>
      %dma_wait3A_77 = tpu.memref_slice %arg5[%mul3A_70] : memref<10240xf32, #tpu.memory_space<vmem_shared>> -> memref<640xf32, #tpu.memory_space<vmem_shared>>
      tpu.wait_dma2 semaphore(%run_scoped3A : memref<!tpu.dma_semaphore, #tpu.memory_space<semaphore_mem>>) src(%dma_wait3A_77 : memref<640xf32, #tpu.memory_space<vmem_shared>>) dst(%dma_wait3A : memref<640xf32, #tpu.memory_space<hbm>>)
      tpu.yield
    }) : () -> ()
    return
  }
}

#map = affine_map<(d0, d1) -> (0, 0)>
#map1 = affine_map<(d0, d1) -> (0, 0, 0)>
module attributes {stable_mosaic.version = 14 : i64} {
  func.func @_agg_body(%arg0: i32, %arg1: i32, %arg2: memref<10000x64xf32, #tpu.memory_space<hbm>>, %arg3: memref<10000x64xf32, #tpu.memory_space<hbm>>, %arg4: memref<32x64x160xi32, #tpu.memory_space<hbm>>, %arg5: memref<32x64x160xi32, #tpu.memory_space<hbm>>, %arg6: memref<2x10000x64xf32, #tpu.memory_space<hbm>>, %arg7: memref<10000x64xf32, #tpu.memory_space<vmem_shared>>, %arg8: memref<10112x64xf32, #tpu.memory_space<vmem_shared>>, %arg9: memref<64x160xi32, #tpu.memory_space<vmem>>, %arg10: memref<64x160xi32, #tpu.memory_space<vmem>>, %arg11: memref<160x64xf32, #tpu.memory_space<vmem>>, %arg12: memref<160x64xf32, #tpu.memory_space<vmem>>, %arg13: memref<!tpu.dma_semaphore, #tpu.memory_space<semaphore_mem>>, %arg14: memref<!tpu.dma_semaphore, #tpu.memory_space<semaphore_mem>>) attributes {dimension_semantics = [#tpu.dimension_semantics<core_parallel>, #tpu.dimension_semantics<subcore_parallel>], iteration_bounds = array<i64: 2, 16>, scalar_prefetch = 0 : i64, scratch_operands = 8 : i64, tpu.core_type = #tpu.core_type<sc_vector_subcore>, window_params = [{transform_indices = #map}, {transform_indices = #map}, {transform_indices = #map1}, {transform_indices = #map1}, {transform_indices = #map1}]} {
    %mul3A = arith.constant 2 : i32
    %mul3A_0 = arith.muli %arg1, %mul3A : i32
    %add3A = arith.addi %mul3A_0, %arg0 : i32
    %lt3A = arith.constant 15 : i32
    %lt3A_1 = arith.cmpi slt, %arg1, %lt3A : i32
    %convert_element_type3A = arith.extui %lt3A_1 : i1 to i32
    %cond3A = arith.constant 0 : i32
    %cond3A_2 = arith.cmpi ne, %convert_element_type3A, %cond3A : i32
    scf.if %cond3A_2 {
      %mul3A_29 = arith.constant 640 : i32
      %mul3A_30 = arith.muli %arg1, %mul3A_29 : i32
      %mul3A_31 = arith.constant 640 : i32
      %mul3A_32 = arith.muli %arg1, %mul3A_31 : i32
      "tpu.region"() ({
        %run_scoped3A = tpu.sem_alloc : memref<!tpu.dma_semaphore, #tpu.memory_space<semaphore_mem>>
        %dma_start3A_43 = arith.constant 0 : i32
        %dma_start3A_44 = tpu.memref_slice %arg7[%mul3A_32, %dma_start3A_43] : memref<10000x64xf32, #tpu.memory_space<vmem_shared>> -> memref<640x64xf32, #tpu.memory_space<vmem_shared>>
        %dma_start3A_45 = arith.constant 0 : i32
        %dma_start3A_46 = tpu.memref_slice %arg2[%mul3A_30, %dma_start3A_45] : memref<10000x64xf32, #tpu.memory_space<hbm>> -> memref<640x64xf32, #tpu.memory_space<hbm>>
        tpu.enqueue_dma source(%dma_start3A_46 : memref<640x64xf32, #tpu.memory_space<hbm>>) target(%dma_start3A_44 : memref<640x64xf32, #tpu.memory_space<vmem_shared>>) target_semaphore(%run_scoped3A : memref<!tpu.dma_semaphore, #tpu.memory_space<semaphore_mem>>)
        %dma_wait3A = arith.constant 0 : i32
        %dma_wait3A_47 = tpu.memref_slice %arg7[%mul3A_32, %dma_wait3A] : memref<10000x64xf32, #tpu.memory_space<vmem_shared>> -> memref<640x64xf32, #tpu.memory_space<vmem_shared>>
        %dma_wait3A_48 = arith.constant 0 : i32
        %dma_wait3A_49 = tpu.memref_slice %arg2[%mul3A_30, %dma_wait3A_48] : memref<10000x64xf32, #tpu.memory_space<hbm>> -> memref<640x64xf32, #tpu.memory_space<hbm>>
        tpu.wait_dma2 semaphore(%run_scoped3A : memref<!tpu.dma_semaphore, #tpu.memory_space<semaphore_mem>>) src(%dma_wait3A_49 : memref<640x64xf32, #tpu.memory_space<hbm>>) dst(%dma_wait3A_47 : memref<640x64xf32, #tpu.memory_space<vmem_shared>>)
        tpu.yield
      }) : () -> ()
      %eq3A_33 = arith.constant 0 : i32
      %eq3A_34 = arith.cmpi eq, %arg0, %eq3A_33 : i32
      %convert_element_type3A_35 = arith.extui %eq3A_34 : i1 to i32
      %cond3A_36 = arith.constant 0 : i32
      %cond3A_37 = arith.cmpi ne, %convert_element_type3A_35, %cond3A_36 : i32
      scf.if %cond3A_37 {
        %mul3A_43 = arith.constant 640 : i32
        %mul3A_44 = arith.muli %arg1, %mul3A_43 : i32
        %mul3A_45 = arith.constant 640 : i32
        %mul3A_46 = arith.muli %arg1, %mul3A_45 : i32
        "tpu.region"() ({
          %run_scoped3A = tpu.sem_alloc : memref<!tpu.dma_semaphore, #tpu.memory_space<semaphore_mem>>
          %dma_start3A_47 = arith.constant 0 : i32
          %dma_start3A_48 = tpu.memref_slice %arg8[%mul3A_46, %dma_start3A_47] : memref<10112x64xf32, #tpu.memory_space<vmem_shared>> -> memref<640x64xf32, #tpu.memory_space<vmem_shared>>
          %dma_start3A_49 = arith.constant 0 : i32
          %dma_start3A_50 = tpu.memref_slice %arg2[%mul3A_44, %dma_start3A_49] : memref<10000x64xf32, #tpu.memory_space<hbm>> -> memref<640x64xf32, #tpu.memory_space<hbm>>
          tpu.enqueue_dma source(%dma_start3A_50 : memref<640x64xf32, #tpu.memory_space<hbm>>) target(%dma_start3A_48 : memref<640x64xf32, #tpu.memory_space<vmem_shared>>) target_semaphore(%run_scoped3A : memref<!tpu.dma_semaphore, #tpu.memory_space<semaphore_mem>>)
          %dma_wait3A = arith.constant 0 : i32
          %dma_wait3A_51 = tpu.memref_slice %arg8[%mul3A_46, %dma_wait3A] : memref<10112x64xf32, #tpu.memory_space<vmem_shared>> -> memref<640x64xf32, #tpu.memory_space<vmem_shared>>
          %dma_wait3A_52 = arith.constant 0 : i32
          %dma_wait3A_53 = tpu.memref_slice %arg2[%mul3A_44, %dma_wait3A_52] : memref<10000x64xf32, #tpu.memory_space<hbm>> -> memref<640x64xf32, #tpu.memory_space<hbm>>
          tpu.wait_dma2 semaphore(%run_scoped3A : memref<!tpu.dma_semaphore, #tpu.memory_space<semaphore_mem>>) src(%dma_wait3A_53 : memref<640x64xf32, #tpu.memory_space<hbm>>) dst(%dma_wait3A_51 : memref<640x64xf32, #tpu.memory_space<vmem_shared>>)
          tpu.yield
        }) : () -> ()
      } else {
      }
      %eq3A_38 = arith.constant 1 : i32
      %eq3A_39 = arith.cmpi eq, %arg0, %eq3A_38 : i32
      %convert_element_type3A_40 = arith.extui %eq3A_39 : i1 to i32
      %cond3A_41 = arith.constant 0 : i32
      %cond3A_42 = arith.cmpi ne, %convert_element_type3A_40, %cond3A_41 : i32
      scf.if %cond3A_42 {
        %mul3A_43 = arith.constant 640 : i32
        %mul3A_44 = arith.muli %arg1, %mul3A_43 : i32
        %mul3A_45 = arith.constant 640 : i32
        %mul3A_46 = arith.muli %arg1, %mul3A_45 : i32
        "tpu.region"() ({
          %run_scoped3A = tpu.sem_alloc : memref<!tpu.dma_semaphore, #tpu.memory_space<semaphore_mem>>
          %dma_start3A_47 = arith.constant 0 : i32
          %dma_start3A_48 = tpu.memref_slice %arg8[%mul3A_46, %dma_start3A_47] : memref<10112x64xf32, #tpu.memory_space<vmem_shared>> -> memref<640x64xf32, #tpu.memory_space<vmem_shared>>
          %dma_start3A_49 = arith.constant 0 : i32
          %dma_start3A_50 = tpu.memref_slice %arg3[%mul3A_44, %dma_start3A_49] : memref<10000x64xf32, #tpu.memory_space<hbm>> -> memref<640x64xf32, #tpu.memory_space<hbm>>
          tpu.enqueue_dma source(%dma_start3A_50 : memref<640x64xf32, #tpu.memory_space<hbm>>) target(%dma_start3A_48 : memref<640x64xf32, #tpu.memory_space<vmem_shared>>) target_semaphore(%run_scoped3A : memref<!tpu.dma_semaphore, #tpu.memory_space<semaphore_mem>>)
          %dma_wait3A = arith.constant 0 : i32
          %dma_wait3A_51 = tpu.memref_slice %arg8[%mul3A_46, %dma_wait3A] : memref<10112x64xf32, #tpu.memory_space<vmem_shared>> -> memref<640x64xf32, #tpu.memory_space<vmem_shared>>
          %dma_wait3A_52 = arith.constant 0 : i32
          %dma_wait3A_53 = tpu.memref_slice %arg3[%mul3A_44, %dma_wait3A_52] : memref<10000x64xf32, #tpu.memory_space<hbm>> -> memref<640x64xf32, #tpu.memory_space<hbm>>
          tpu.wait_dma2 semaphore(%run_scoped3A : memref<!tpu.dma_semaphore, #tpu.memory_space<semaphore_mem>>) src(%dma_wait3A_53 : memref<640x64xf32, #tpu.memory_space<hbm>>) dst(%dma_wait3A_51 : memref<640x64xf32, #tpu.memory_space<vmem_shared>>)
          tpu.yield
        }) : () -> ()
      } else {
      }
    } else {
    }
    %eq3A = arith.constant 15 : i32
    %eq3A_3 = arith.cmpi eq, %arg1, %eq3A : i32
    %convert_element_type3A_4 = arith.extui %eq3A_3 : i1 to i32
    %cond3A_5 = arith.constant 0 : i32
    %cond3A_6 = arith.cmpi ne, %convert_element_type3A_4, %cond3A_5 : i32
    scf.if %cond3A_6 {
      "tpu.region"() ({
        %run_scoped3A = tpu.sem_alloc : memref<!tpu.dma_semaphore, #tpu.memory_space<semaphore_mem>>
        %dma_start3A_39 = arith.constant 9600 : i32
        %dma_start3A_40 = arith.constant 0 : i32
        %dma_start3A_41 = tpu.memref_slice %arg7[%dma_start3A_39, %dma_start3A_40] : memref<10000x64xf32, #tpu.memory_space<vmem_shared>> -> memref<400x64xf32, #tpu.memory_space<vmem_shared>>
        %dma_start3A_42 = arith.constant 9600 : i32
        %dma_start3A_43 = arith.constant 0 : i32
        %dma_start3A_44 = tpu.memref_slice %arg2[%dma_start3A_42, %dma_start3A_43] : memref<10000x64xf32, #tpu.memory_space<hbm>> -> memref<400x64xf32, #tpu.memory_space<hbm>>
        tpu.enqueue_dma source(%dma_start3A_44 : memref<400x64xf32, #tpu.memory_space<hbm>>) target(%dma_start3A_41 : memref<400x64xf32, #tpu.memory_space<vmem_shared>>) target_semaphore(%run_scoped3A : memref<!tpu.dma_semaphore, #tpu.memory_space<semaphore_mem>>)
        %dma_wait3A = arith.constant 9600 : i32
        %dma_wait3A_45 = arith.constant 0 : i32
        %dma_wait3A_46 = tpu.memref_slice %arg7[%dma_wait3A, %dma_wait3A_45] : memref<10000x64xf32, #tpu.memory_space<vmem_shared>> -> memref<400x64xf32, #tpu.memory_space<vmem_shared>>
        %dma_wait3A_47 = arith.constant 9600 : i32
        %dma_wait3A_48 = arith.constant 0 : i32
        %dma_wait3A_49 = tpu.memref_slice %arg2[%dma_wait3A_47, %dma_wait3A_48] : memref<10000x64xf32, #tpu.memory_space<hbm>> -> memref<400x64xf32, #tpu.memory_space<hbm>>
        tpu.wait_dma2 semaphore(%run_scoped3A : memref<!tpu.dma_semaphore, #tpu.memory_space<semaphore_mem>>) src(%dma_wait3A_49 : memref<400x64xf32, #tpu.memory_space<hbm>>) dst(%dma_wait3A_46 : memref<400x64xf32, #tpu.memory_space<vmem_shared>>)
        tpu.yield
      }) : () -> ()
      %eq3A_29 = arith.constant 0 : i32
      %eq3A_30 = arith.cmpi eq, %arg0, %eq3A_29 : i32
      %convert_element_type3A_31 = arith.extui %eq3A_30 : i1 to i32
      %cond3A_32 = arith.constant 0 : i32
      %cond3A_33 = arith.cmpi ne, %convert_element_type3A_31, %cond3A_32 : i32
      scf.if %cond3A_33 {
        "tpu.region"() ({
          %run_scoped3A = tpu.sem_alloc : memref<!tpu.dma_semaphore, #tpu.memory_space<semaphore_mem>>
          %dma_start3A_39 = arith.constant 9600 : i32
          %dma_start3A_40 = arith.constant 0 : i32
          %dma_start3A_41 = tpu.memref_slice %arg8[%dma_start3A_39, %dma_start3A_40] : memref<10112x64xf32, #tpu.memory_space<vmem_shared>> -> memref<400x64xf32, #tpu.memory_space<vmem_shared>>
          %dma_start3A_42 = arith.constant 9600 : i32
          %dma_start3A_43 = arith.constant 0 : i32
          %dma_start3A_44 = tpu.memref_slice %arg2[%dma_start3A_42, %dma_start3A_43] : memref<10000x64xf32, #tpu.memory_space<hbm>> -> memref<400x64xf32, #tpu.memory_space<hbm>>
          tpu.enqueue_dma source(%dma_start3A_44 : memref<400x64xf32, #tpu.memory_space<hbm>>) target(%dma_start3A_41 : memref<400x64xf32, #tpu.memory_space<vmem_shared>>) target_semaphore(%run_scoped3A : memref<!tpu.dma_semaphore, #tpu.memory_space<semaphore_mem>>)
          %dma_wait3A = arith.constant 9600 : i32
          %dma_wait3A_45 = arith.constant 0 : i32
          %dma_wait3A_46 = tpu.memref_slice %arg8[%dma_wait3A, %dma_wait3A_45] : memref<10112x64xf32, #tpu.memory_space<vmem_shared>> -> memref<400x64xf32, #tpu.memory_space<vmem_shared>>
          %dma_wait3A_47 = arith.constant 9600 : i32
          %dma_wait3A_48 = arith.constant 0 : i32
          %dma_wait3A_49 = tpu.memref_slice %arg2[%dma_wait3A_47, %dma_wait3A_48] : memref<10000x64xf32, #tpu.memory_space<hbm>> -> memref<400x64xf32, #tpu.memory_space<hbm>>
          tpu.wait_dma2 semaphore(%run_scoped3A : memref<!tpu.dma_semaphore, #tpu.memory_space<semaphore_mem>>) src(%dma_wait3A_49 : memref<400x64xf32, #tpu.memory_space<hbm>>) dst(%dma_wait3A_46 : memref<400x64xf32, #tpu.memory_space<vmem_shared>>)
          tpu.yield
        }) : () -> ()
      } else {
      }
      %eq3A_34 = arith.constant 1 : i32
      %eq3A_35 = arith.cmpi eq, %arg0, %eq3A_34 : i32
      %convert_element_type3A_36 = arith.extui %eq3A_35 : i1 to i32
      %cond3A_37 = arith.constant 0 : i32
      %cond3A_38 = arith.cmpi ne, %convert_element_type3A_36, %cond3A_37 : i32
      scf.if %cond3A_38 {
        "tpu.region"() ({
          %run_scoped3A = tpu.sem_alloc : memref<!tpu.dma_semaphore, #tpu.memory_space<semaphore_mem>>
          %dma_start3A_39 = arith.constant 9600 : i32
          %dma_start3A_40 = arith.constant 0 : i32
          %dma_start3A_41 = tpu.memref_slice %arg8[%dma_start3A_39, %dma_start3A_40] : memref<10112x64xf32, #tpu.memory_space<vmem_shared>> -> memref<400x64xf32, #tpu.memory_space<vmem_shared>>
          %dma_start3A_42 = arith.constant 9600 : i32
          %dma_start3A_43 = arith.constant 0 : i32
          %dma_start3A_44 = tpu.memref_slice %arg3[%dma_start3A_42, %dma_start3A_43] : memref<10000x64xf32, #tpu.memory_space<hbm>> -> memref<400x64xf32, #tpu.memory_space<hbm>>
          tpu.enqueue_dma source(%dma_start3A_44 : memref<400x64xf32, #tpu.memory_space<hbm>>) target(%dma_start3A_41 : memref<400x64xf32, #tpu.memory_space<vmem_shared>>) target_semaphore(%run_scoped3A : memref<!tpu.dma_semaphore, #tpu.memory_space<semaphore_mem>>)
          %dma_wait3A = arith.constant 9600 : i32
          %dma_wait3A_45 = arith.constant 0 : i32
          %dma_wait3A_46 = tpu.memref_slice %arg8[%dma_wait3A, %dma_wait3A_45] : memref<10112x64xf32, #tpu.memory_space<vmem_shared>> -> memref<400x64xf32, #tpu.memory_space<vmem_shared>>
          %dma_wait3A_47 = arith.constant 9600 : i32
          %dma_wait3A_48 = arith.constant 0 : i32
          %dma_wait3A_49 = tpu.memref_slice %arg3[%dma_wait3A_47, %dma_wait3A_48] : memref<10000x64xf32, #tpu.memory_space<hbm>> -> memref<400x64xf32, #tpu.memory_space<hbm>>
          tpu.wait_dma2 semaphore(%run_scoped3A : memref<!tpu.dma_semaphore, #tpu.memory_space<semaphore_mem>>) src(%dma_wait3A_49 : memref<400x64xf32, #tpu.memory_space<hbm>>) dst(%dma_wait3A_46 : memref<400x64xf32, #tpu.memory_space<vmem_shared>>)
          tpu.yield
        }) : () -> ()
      } else {
      }
    } else {
    }
    "tpu.region"() ({
      %run_scoped3A = tpu.sem_alloc : memref<!tpu.dma_semaphore, #tpu.memory_space<semaphore_mem>>
      %dma_start3A_29 = arith.constant 0 : i32
      %dma_start3A_30 = arith.constant 0 : i32
      %dma_start3A_31 = tpu.memref_slice %arg4[%add3A, %dma_start3A_29, %dma_start3A_30] : memref<32x64x160xi32, #tpu.memory_space<hbm>> -> memref<1x64x160xi32, #tpu.memory_space<hbm>>
      %dma_start3A_32 = tpu.memref_squeeze %dma_start3A_31 : memref<1x64x160xi32, #tpu.memory_space<hbm>> -> memref<64x160xi32, #tpu.memory_space<hbm>>
      %dma_start3A_33 = arith.constant 0 : i32
      %dma_start3A_34 = arith.constant 0 : i32
      %dma_start3A_35 = tpu.memref_slice %arg4[%add3A, %dma_start3A_33, %dma_start3A_34] : memref<32x64x160xi32, #tpu.memory_space<hbm>> -> memref<1x64x160xi32, #tpu.memory_space<hbm>>
      %dma_start3A_36 = tpu.memref_squeeze %dma_start3A_35 : memref<1x64x160xi32, #tpu.memory_space<hbm>> -> memref<64x160xi32, #tpu.memory_space<hbm>>
      tpu.enqueue_dma source(%dma_start3A_36 : memref<64x160xi32, #tpu.memory_space<hbm>>) target(%arg9 : memref<64x160xi32, #tpu.memory_space<vmem>>) target_semaphore(%run_scoped3A : memref<!tpu.dma_semaphore, #tpu.memory_space<semaphore_mem>>)
      %dma_wait3A = arith.constant 0 : i32
      %dma_wait3A_37 = arith.constant 0 : i32
      %dma_wait3A_38 = tpu.memref_slice %arg4[%add3A, %dma_wait3A, %dma_wait3A_37] : memref<32x64x160xi32, #tpu.memory_space<hbm>> -> memref<1x64x160xi32, #tpu.memory_space<hbm>>
      %dma_wait3A_39 = tpu.memref_squeeze %dma_wait3A_38 : memref<1x64x160xi32, #tpu.memory_space<hbm>> -> memref<64x160xi32, #tpu.memory_space<hbm>>
      %dma_wait3A_40 = arith.constant 0 : i32
      %dma_wait3A_41 = arith.constant 0 : i32
      %dma_wait3A_42 = tpu.memref_slice %arg4[%add3A, %dma_wait3A_40, %dma_wait3A_41] : memref<32x64x160xi32, #tpu.memory_space<hbm>> -> memref<1x64x160xi32, #tpu.memory_space<hbm>>
      %dma_wait3A_43 = tpu.memref_squeeze %dma_wait3A_42 : memref<1x64x160xi32, #tpu.memory_space<hbm>> -> memref<64x160xi32, #tpu.memory_space<hbm>>
      tpu.wait_dma2 semaphore(%run_scoped3A : memref<!tpu.dma_semaphore, #tpu.memory_space<semaphore_mem>>) src(%dma_wait3A_43 : memref<64x160xi32, #tpu.memory_space<hbm>>) dst(%arg9 : memref<64x160xi32, #tpu.memory_space<vmem>>)
      tpu.yield
    }) : () -> ()
    "tpu.region"() ({
      %run_scoped3A = tpu.sem_alloc : memref<!tpu.dma_semaphore, #tpu.memory_space<semaphore_mem>>
      %dma_start3A_29 = arith.constant 0 : i32
      %dma_start3A_30 = arith.constant 0 : i32
      %dma_start3A_31 = tpu.memref_slice %arg5[%add3A, %dma_start3A_29, %dma_start3A_30] : memref<32x64x160xi32, #tpu.memory_space<hbm>> -> memref<1x64x160xi32, #tpu.memory_space<hbm>>
      %dma_start3A_32 = tpu.memref_squeeze %dma_start3A_31 : memref<1x64x160xi32, #tpu.memory_space<hbm>> -> memref<64x160xi32, #tpu.memory_space<hbm>>
      %dma_start3A_33 = arith.constant 0 : i32
      %dma_start3A_34 = arith.constant 0 : i32
      %dma_start3A_35 = tpu.memref_slice %arg5[%add3A, %dma_start3A_33, %dma_start3A_34] : memref<32x64x160xi32, #tpu.memory_space<hbm>> -> memref<1x64x160xi32, #tpu.memory_space<hbm>>
      %dma_start3A_36 = tpu.memref_squeeze %dma_start3A_35 : memref<1x64x160xi32, #tpu.memory_space<hbm>> -> memref<64x160xi32, #tpu.memory_space<hbm>>
      tpu.enqueue_dma source(%dma_start3A_36 : memref<64x160xi32, #tpu.memory_space<hbm>>) target(%arg10 : memref<64x160xi32, #tpu.memory_space<vmem>>) target_semaphore(%run_scoped3A : memref<!tpu.dma_semaphore, #tpu.memory_space<semaphore_mem>>)
      %dma_wait3A = arith.constant 0 : i32
      %dma_wait3A_37 = arith.constant 0 : i32
      %dma_wait3A_38 = tpu.memref_slice %arg5[%add3A, %dma_wait3A, %dma_wait3A_37] : memref<32x64x160xi32, #tpu.memory_space<hbm>> -> memref<1x64x160xi32, #tpu.memory_space<hbm>>
      %dma_wait3A_39 = tpu.memref_squeeze %dma_wait3A_38 : memref<1x64x160xi32, #tpu.memory_space<hbm>> -> memref<64x160xi32, #tpu.memory_space<hbm>>
      %dma_wait3A_40 = arith.constant 0 : i32
      %dma_wait3A_41 = arith.constant 0 : i32
      %dma_wait3A_42 = tpu.memref_slice %arg5[%add3A, %dma_wait3A_40, %dma_wait3A_41] : memref<32x64x160xi32, #tpu.memory_space<hbm>> -> memref<1x64x160xi32, #tpu.memory_space<hbm>>
      %dma_wait3A_43 = tpu.memref_squeeze %dma_wait3A_42 : memref<1x64x160xi32, #tpu.memory_space<hbm>> -> memref<64x160xi32, #tpu.memory_space<hbm>>
      tpu.wait_dma2 semaphore(%run_scoped3A : memref<!tpu.dma_semaphore, #tpu.memory_space<semaphore_mem>>) src(%dma_wait3A_43 : memref<64x160xi32, #tpu.memory_space<hbm>>) dst(%arg10 : memref<64x160xi32, #tpu.memory_space<vmem>>)
      tpu.yield
    }) : () -> ()
    %barrier3A = arith.constant 0 : index
    tpu.barrier barrier_id(%barrier3A)
    %dma_start3A = arith.constant 0 : i32
    %dma_start3A_7 = arith.constant 0 : i32
    %dma_start3A_8 = tpu.memref_slice %arg9[%dma_start3A, %dma_start3A_7] : memref<64x160xi32, #tpu.memory_space<vmem>> -> memref<1x160xi32, #tpu.memory_space<vmem>>
    %dma_start3A_9 = tpu.memref_squeeze %dma_start3A_8 : memref<1x160xi32, #tpu.memory_space<vmem>> -> memref<160xi32, #tpu.memory_space<vmem>>
    %dma_start3A_10 = arith.constant 0 : i32
    %dma_start3A_11 = arith.constant 0 : i32
    %dma_start3A_12 = tpu.memref_slice %arg7[%dma_start3A_10, %dma_start3A_11] : memref<10000x64xf32, #tpu.memory_space<vmem_shared>> -> memref<10000x64xf32, #tpu.memory_space<vmem_shared>>
    tpu.enqueue_indirect_dma source(%dma_start3A_12 : memref<10000x64xf32, #tpu.memory_space<vmem_shared>>) target(%arg11 : memref<160x64xf32, #tpu.memory_space<vmem>>) offsets(%dma_start3A_9 : memref<160xi32, #tpu.memory_space<vmem>>) semaphore(%arg13 : memref<!tpu.dma_semaphore, #tpu.memory_space<semaphore_mem>>)
    %scan3A = arith.constant 0 : i32
    %scan3A_13 = arith.constant 0 : i32
    %scan3A_14 = arith.constant 32 : i32
    %scan3A_15 = arith.addi %scan3A_13, %scan3A_14 : i32
    %scan3A_16 = arith.constant 1 : i32
    scf.for %scan3A_29 = %scan3A_13 to %scan3A_15 step %scan3A_16  : i32 {
      %mul3A_30 = arith.constant 2 : i32
      %mul3A_31 = arith.muli %mul3A_30, %scan3A_29 : i32
      %dma_wait3A = arith.constant 0 : i32
      %dma_wait3A_32 = tpu.memref_slice %arg9[%mul3A_31, %dma_wait3A] : memref<64x160xi32, #tpu.memory_space<vmem>> -> memref<1x160xi32, #tpu.memory_space<vmem>>
      %dma_wait3A_33 = tpu.memref_squeeze %dma_wait3A_32 : memref<1x160xi32, #tpu.memory_space<vmem>> -> memref<160xi32, #tpu.memory_space<vmem>>
      %dma_wait3A_34 = arith.constant 0 : i32
      %dma_wait3A_35 = arith.constant 0 : i32
      %dma_wait3A_36 = tpu.memref_slice %arg7[%dma_wait3A_34, %dma_wait3A_35] : memref<10000x64xf32, #tpu.memory_space<vmem_shared>> -> memref<10000x64xf32, #tpu.memory_space<vmem_shared>>
      tpu.wait_indirect_dma semaphore(%arg13 : memref<!tpu.dma_semaphore, #tpu.memory_space<semaphore_mem>>) src(%dma_wait3A_36 : memref<10000x64xf32, #tpu.memory_space<vmem_shared>>) dst(%arg11 : memref<160x64xf32, #tpu.memory_space<vmem>>)
      %add3A_37 = arith.constant 1 : i32
      %add3A_38 = arith.addi %mul3A_31, %add3A_37 : i32
      %dma_start3A_39 = arith.constant 0 : i32
      %dma_start3A_40 = tpu.memref_slice %arg9[%add3A_38, %dma_start3A_39] : memref<64x160xi32, #tpu.memory_space<vmem>> -> memref<1x160xi32, #tpu.memory_space<vmem>>
      %dma_start3A_41 = tpu.memref_squeeze %dma_start3A_40 : memref<1x160xi32, #tpu.memory_space<vmem>> -> memref<160xi32, #tpu.memory_space<vmem>>
      %dma_start3A_42 = arith.constant 0 : i32
      %dma_start3A_43 = arith.constant 0 : i32
      %dma_start3A_44 = tpu.memref_slice %arg7[%dma_start3A_42, %dma_start3A_43] : memref<10000x64xf32, #tpu.memory_space<vmem_shared>> -> memref<10000x64xf32, #tpu.memory_space<vmem_shared>>
      tpu.enqueue_indirect_dma source(%dma_start3A_44 : memref<10000x64xf32, #tpu.memory_space<vmem_shared>>) target(%arg12 : memref<160x64xf32, #tpu.memory_space<vmem>>) offsets(%dma_start3A_41 : memref<160xi32, #tpu.memory_space<vmem>>) semaphore(%arg14 : memref<!tpu.dma_semaphore, #tpu.memory_space<semaphore_mem>>)
      "tpu.region"() ({
        %run_scoped3A = tpu.sem_alloc : memref<!tpu.dma_semaphore, #tpu.memory_space<semaphore_mem>>
        %dma_start3A_60 = arith.constant 0 : i32
        %dma_start3A_61 = tpu.memref_slice %arg10[%mul3A_31, %dma_start3A_60] : memref<64x160xi32, #tpu.memory_space<vmem>> -> memref<1x160xi32, #tpu.memory_space<vmem>>
        %dma_start3A_62 = tpu.memref_squeeze %dma_start3A_61 : memref<1x160xi32, #tpu.memory_space<vmem>> -> memref<160xi32, #tpu.memory_space<vmem>>
        %dma_start3A_63 = arith.constant 0 : i32
        %dma_start3A_64 = arith.constant 0 : i32
        %dma_start3A_65 = tpu.memref_slice %arg8[%dma_start3A_63, %dma_start3A_64] : memref<10112x64xf32, #tpu.memory_space<vmem_shared>> -> memref<10112x64xf32, #tpu.memory_space<vmem_shared>>
        tpu.enqueue_indirect_dma source(%arg11 : memref<160x64xf32, #tpu.memory_space<vmem>>) target(%dma_start3A_65 : memref<10112x64xf32, #tpu.memory_space<vmem_shared>>) offsets(%dma_start3A_62 : memref<160xi32, #tpu.memory_space<vmem>>) semaphore(%run_scoped3A : memref<!tpu.dma_semaphore, #tpu.memory_space<semaphore_mem>>) {add = true}
        %dma_wait3A_66 = arith.constant 0 : i32
        %dma_wait3A_67 = tpu.memref_slice %arg10[%mul3A_31, %dma_wait3A_66] : memref<64x160xi32, #tpu.memory_space<vmem>> -> memref<1x160xi32, #tpu.memory_space<vmem>>
        %dma_wait3A_68 = tpu.memref_squeeze %dma_wait3A_67 : memref<1x160xi32, #tpu.memory_space<vmem>> -> memref<160xi32, #tpu.memory_space<vmem>>
        %dma_wait3A_69 = arith.constant 0 : i32
        %dma_wait3A_70 = arith.constant 0 : i32
        %dma_wait3A_71 = tpu.memref_slice %arg8[%dma_wait3A_69, %dma_wait3A_70] : memref<10112x64xf32, #tpu.memory_space<vmem_shared>> -> memref<10112x64xf32, #tpu.memory_space<vmem_shared>>
        tpu.wait_indirect_dma semaphore(%run_scoped3A : memref<!tpu.dma_semaphore, #tpu.memory_space<semaphore_mem>>) src(%arg11 : memref<160x64xf32, #tpu.memory_space<vmem>>) dst(%dma_wait3A_71 : memref<10112x64xf32, #tpu.memory_space<vmem_shared>>)
        tpu.yield
      }) : () -> ()
      %add3A_45 = arith.constant 1 : i32
      %add3A_46 = arith.addi %mul3A_31, %add3A_45 : i32
      %dma_wait3A_47 = arith.constant 0 : i32
      %dma_wait3A_48 = tpu.memref_slice %arg9[%add3A_46, %dma_wait3A_47] : memref<64x160xi32, #tpu.memory_space<vmem>> -> memref<1x160xi32, #tpu.memory_space<vmem>>
      %dma_wait3A_49 = tpu.memref_squeeze %dma_wait3A_48 : memref<1x160xi32, #tpu.memory_space<vmem>> -> memref<160xi32, #tpu.memory_space<vmem>>
      %dma_wait3A_50 = arith.constant 0 : i32
      %dma_wait3A_51 = arith.constant 0 : i32
      %dma_wait3A_52 = tpu.memref_slice %arg7[%dma_wait3A_50, %dma_wait3A_51] : memref<10000x64xf32, #tpu.memory_space<vmem_shared>> -> memref<10000x64xf32, #tpu.memory_space<vmem_shared>>
      tpu.wait_indirect_dma semaphore(%arg14 : memref<!tpu.dma_semaphore, #tpu.memory_space<semaphore_mem>>) src(%dma_wait3A_52 : memref<10000x64xf32, #tpu.memory_space<vmem_shared>>) dst(%arg12 : memref<160x64xf32, #tpu.memory_space<vmem>>)
      %lt3A_53 = arith.constant 31 : i32
      %lt3A_54 = arith.cmpi slt, %scan3A_29, %lt3A_53 : i32
      %convert_element_type3A_55 = arith.extui %lt3A_54 : i1 to i32
      %cond3A_56 = arith.constant 0 : i32
      %cond3A_57 = arith.cmpi ne, %convert_element_type3A_55, %cond3A_56 : i32
      scf.if %cond3A_57 {
        %add3A_60 = arith.constant 2 : i32
        %add3A_61 = arith.addi %mul3A_31, %add3A_60 : i32
        %dma_start3A_62 = arith.constant 0 : i32
        %dma_start3A_63 = tpu.memref_slice %arg9[%add3A_61, %dma_start3A_62] : memref<64x160xi32, #tpu.memory_space<vmem>> -> memref<1x160xi32, #tpu.memory_space<vmem>>
        %dma_start3A_64 = tpu.memref_squeeze %dma_start3A_63 : memref<1x160xi32, #tpu.memory_space<vmem>> -> memref<160xi32, #tpu.memory_space<vmem>>
        %dma_start3A_65 = arith.constant 0 : i32
        %dma_start3A_66 = arith.constant 0 : i32
        %dma_start3A_67 = tpu.memref_slice %arg7[%dma_start3A_65, %dma_start3A_66] : memref<10000x64xf32, #tpu.memory_space<vmem_shared>> -> memref<10000x64xf32, #tpu.memory_space<vmem_shared>>
        tpu.enqueue_indirect_dma source(%dma_start3A_67 : memref<10000x64xf32, #tpu.memory_space<vmem_shared>>) target(%arg11 : memref<160x64xf32, #tpu.memory_space<vmem>>) offsets(%dma_start3A_64 : memref<160xi32, #tpu.memory_space<vmem>>) semaphore(%arg13 : memref<!tpu.dma_semaphore, #tpu.memory_space<semaphore_mem>>)
      } else {
      }
      %add3A_58 = arith.constant 1 : i32
      %add3A_59 = arith.addi %mul3A_31, %add3A_58 : i32
      "tpu.region"() ({
        %run_scoped3A = tpu.sem_alloc : memref<!tpu.dma_semaphore, #tpu.memory_space<semaphore_mem>>
        %dma_start3A_60 = arith.constant 0 : i32
        %dma_start3A_61 = tpu.memref_slice %arg10[%add3A_59, %dma_start3A_60] : memref<64x160xi32, #tpu.memory_space<vmem>> -> memref<1x160xi32, #tpu.memory_space<vmem>>
        %dma_start3A_62 = tpu.memref_squeeze %dma_start3A_61 : memref<1x160xi32, #tpu.memory_space<vmem>> -> memref<160xi32, #tpu.memory_space<vmem>>
        %dma_start3A_63 = arith.constant 0 : i32
        %dma_start3A_64 = arith.constant 0 : i32
        %dma_start3A_65 = tpu.memref_slice %arg8[%dma_start3A_63, %dma_start3A_64] : memref<10112x64xf32, #tpu.memory_space<vmem_shared>> -> memref<10112x64xf32, #tpu.memory_space<vmem_shared>>
        tpu.enqueue_indirect_dma source(%arg12 : memref<160x64xf32, #tpu.memory_space<vmem>>) target(%dma_start3A_65 : memref<10112x64xf32, #tpu.memory_space<vmem_shared>>) offsets(%dma_start3A_62 : memref<160xi32, #tpu.memory_space<vmem>>) semaphore(%run_scoped3A : memref<!tpu.dma_semaphore, #tpu.memory_space<semaphore_mem>>) {add = true}
        %dma_wait3A_66 = arith.constant 0 : i32
        %dma_wait3A_67 = tpu.memref_slice %arg10[%add3A_59, %dma_wait3A_66] : memref<64x160xi32, #tpu.memory_space<vmem>> -> memref<1x160xi32, #tpu.memory_space<vmem>>
        %dma_wait3A_68 = tpu.memref_squeeze %dma_wait3A_67 : memref<1x160xi32, #tpu.memory_space<vmem>> -> memref<160xi32, #tpu.memory_space<vmem>>
        %dma_wait3A_69 = arith.constant 0 : i32
        %dma_wait3A_70 = arith.constant 0 : i32
        %dma_wait3A_71 = tpu.memref_slice %arg8[%dma_wait3A_69, %dma_wait3A_70] : memref<10112x64xf32, #tpu.memory_space<vmem_shared>> -> memref<10112x64xf32, #tpu.memory_space<vmem_shared>>
        tpu.wait_indirect_dma semaphore(%run_scoped3A : memref<!tpu.dma_semaphore, #tpu.memory_space<semaphore_mem>>) src(%arg12 : memref<160x64xf32, #tpu.memory_space<vmem>>) dst(%dma_wait3A_71 : memref<10112x64xf32, #tpu.memory_space<vmem_shared>>)
        tpu.yield
      }) : () -> ()
    }
    %scan3A_17 = arith.constant 32 : i32
    %barrier3A_18 = arith.constant 0 : index
    tpu.barrier barrier_id(%barrier3A_18)
    %lt3A_19 = arith.constant 15 : i32
    %lt3A_20 = arith.cmpi slt, %arg1, %lt3A_19 : i32
    %convert_element_type3A_21 = arith.extui %lt3A_20 : i1 to i32
    %cond3A_22 = arith.constant 0 : i32
    %cond3A_23 = arith.cmpi ne, %convert_element_type3A_21, %cond3A_22 : i32
    scf.if %cond3A_23 {
      %mul3A_29 = arith.constant 640 : i32
      %mul3A_30 = arith.muli %arg1, %mul3A_29 : i32
      %mul3A_31 = arith.constant 640 : i32
      %mul3A_32 = arith.muli %arg1, %mul3A_31 : i32
      "tpu.region"() ({
        %run_scoped3A = tpu.sem_alloc : memref<!tpu.dma_semaphore, #tpu.memory_space<semaphore_mem>>
        %dma_start3A_33 = arith.constant 0 : i32
        %dma_start3A_34 = tpu.memref_slice %arg6[%arg0, %mul3A_32, %dma_start3A_33] : memref<2x10000x64xf32, #tpu.memory_space<hbm>> -> memref<1x640x64xf32, #tpu.memory_space<hbm>>
        %dma_start3A_35 = tpu.memref_squeeze %dma_start3A_34 : memref<1x640x64xf32, #tpu.memory_space<hbm>> -> memref<640x64xf32, #tpu.memory_space<hbm>>
        %dma_start3A_36 = arith.constant 0 : i32
        %dma_start3A_37 = tpu.memref_slice %arg8[%mul3A_30, %dma_start3A_36] : memref<10112x64xf32, #tpu.memory_space<vmem_shared>> -> memref<640x64xf32, #tpu.memory_space<vmem_shared>>
        tpu.enqueue_dma source(%dma_start3A_37 : memref<640x64xf32, #tpu.memory_space<vmem_shared>>) target(%dma_start3A_35 : memref<640x64xf32, #tpu.memory_space<hbm>>) target_semaphore(%run_scoped3A : memref<!tpu.dma_semaphore, #tpu.memory_space<semaphore_mem>>)
        %dma_wait3A = arith.constant 0 : i32
        %dma_wait3A_38 = tpu.memref_slice %arg6[%arg0, %mul3A_32, %dma_wait3A] : memref<2x10000x64xf32, #tpu.memory_space<hbm>> -> memref<1x640x64xf32, #tpu.memory_space<hbm>>
        %dma_wait3A_39 = tpu.memref_squeeze %dma_wait3A_38 : memref<1x640x64xf32, #tpu.memory_space<hbm>> -> memref<640x64xf32, #tpu.memory_space<hbm>>
        %dma_wait3A_40 = arith.constant 0 : i32
        %dma_wait3A_41 = tpu.memref_slice %arg8[%mul3A_30, %dma_wait3A_40] : memref<10112x64xf32, #tpu.memory_space<vmem_shared>> -> memref<640x64xf32, #tpu.memory_space<vmem_shared>>
        tpu.wait_dma2 semaphore(%run_scoped3A : memref<!tpu.dma_semaphore, #tpu.memory_space<semaphore_mem>>) src(%dma_wait3A_41 : memref<640x64xf32, #tpu.memory_space<vmem_shared>>) dst(%dma_wait3A_39 : memref<640x64xf32, #tpu.memory_space<hbm>>)
        tpu.yield
      }) : () -> ()
    } else {
    }
    %eq3A_24 = arith.constant 15 : i32
    %eq3A_25 = arith.cmpi eq, %arg1, %eq3A_24 : i32
    %convert_element_type3A_26 = arith.extui %eq3A_25 : i1 to i32
    %cond3A_27 = arith.constant 0 : i32
    %cond3A_28 = arith.cmpi ne, %convert_element_type3A_26, %cond3A_27 : i32
    scf.if %cond3A_28 {
      "tpu.region"() ({
        %run_scoped3A = tpu.sem_alloc : memref<!tpu.dma_semaphore, #tpu.memory_space<semaphore_mem>>
        %dma_start3A_29 = arith.constant 9600 : i32
        %dma_start3A_30 = arith.constant 0 : i32
        %dma_start3A_31 = tpu.memref_slice %arg6[%arg0, %dma_start3A_29, %dma_start3A_30] : memref<2x10000x64xf32, #tpu.memory_space<hbm>> -> memref<1x400x64xf32, #tpu.memory_space<hbm>>
        %dma_start3A_32 = tpu.memref_squeeze %dma_start3A_31 : memref<1x400x64xf32, #tpu.memory_space<hbm>> -> memref<400x64xf32, #tpu.memory_space<hbm>>
        %dma_start3A_33 = arith.constant 9600 : i32
        %dma_start3A_34 = arith.constant 0 : i32
        %dma_start3A_35 = tpu.memref_slice %arg8[%dma_start3A_33, %dma_start3A_34] : memref<10112x64xf32, #tpu.memory_space<vmem_shared>> -> memref<400x64xf32, #tpu.memory_space<vmem_shared>>
        tpu.enqueue_dma source(%dma_start3A_35 : memref<400x64xf32, #tpu.memory_space<vmem_shared>>) target(%dma_start3A_32 : memref<400x64xf32, #tpu.memory_space<hbm>>) target_semaphore(%run_scoped3A : memref<!tpu.dma_semaphore, #tpu.memory_space<semaphore_mem>>)
        %dma_wait3A = arith.constant 9600 : i32
        %dma_wait3A_36 = arith.constant 0 : i32
        %dma_wait3A_37 = tpu.memref_slice %arg6[%arg0, %dma_wait3A, %dma_wait3A_36] : memref<2x10000x64xf32, #tpu.memory_space<hbm>> -> memref<1x400x64xf32, #tpu.memory_space<hbm>>
        %dma_wait3A_38 = tpu.memref_squeeze %dma_wait3A_37 : memref<1x400x64xf32, #tpu.memory_space<hbm>> -> memref<400x64xf32, #tpu.memory_space<hbm>>
        %dma_wait3A_39 = arith.constant 9600 : i32
        %dma_wait3A_40 = arith.constant 0 : i32
        %dma_wait3A_41 = tpu.memref_slice %arg8[%dma_wait3A_39, %dma_wait3A_40] : memref<10112x64xf32, #tpu.memory_space<vmem_shared>> -> memref<400x64xf32, #tpu.memory_space<vmem_shared>>
        tpu.wait_dma2 semaphore(%run_scoped3A : memref<!tpu.dma_semaphore, #tpu.memory_space<semaphore_mem>>) src(%dma_wait3A_41 : memref<400x64xf32, #tpu.memory_space<vmem_shared>>) dst(%dma_wait3A_38 : memref<400x64xf32, #tpu.memory_space<hbm>>)
        tpu.yield
      }) : () -> ()
    } else {
    }
    return
  }
}

#map = affine_map<(d0, d1) -> (0, 0)>
#map1 = affine_map<(d0, d1) -> (0, 0, 0)>
module attributes {stable_mosaic.version = 14 : i64} {
  func.func @_agg_body(%arg0: i32, %arg1: i32, %arg2: memref<10000x64xf32, #tpu.memory_space<hbm>>, %arg3: memref<10000x64xf32, #tpu.memory_space<hbm>>, %arg4: memref<32x64x160xi32, #tpu.memory_space<hbm>>, %arg5: memref<32x64x160xi32, #tpu.memory_space<hbm>>, %arg6: memref<2x10000x64xf32, #tpu.memory_space<hbm>>, %arg7: memref<10000x64xf32, #tpu.memory_space<vmem_shared>>, %arg8: memref<10112x64xf32, #tpu.memory_space<vmem_shared>>, %arg9: memref<64x160xi32, #tpu.memory_space<vmem>>, %arg10: memref<64x160xi32, #tpu.memory_space<vmem>>, %arg11: memref<160x64xf32, #tpu.memory_space<vmem>>, %arg12: memref<160x64xf32, #tpu.memory_space<vmem>>, %arg13: memref<!tpu.dma_semaphore, #tpu.memory_space<semaphore_mem>>, %arg14: memref<!tpu.dma_semaphore, #tpu.memory_space<semaphore_mem>>) attributes {dimension_semantics = [#tpu.dimension_semantics<core_parallel>, #tpu.dimension_semantics<subcore_parallel>], iteration_bounds = array<i64: 2, 16>, scalar_prefetch = 0 : i64, scratch_operands = 8 : i64, tpu.core_type = #tpu.core_type<sc_vector_subcore>, window_params = [{transform_indices = #map}, {transform_indices = #map}, {transform_indices = #map1}, {transform_indices = #map1}, {transform_indices = #map1}]} {
    %mul3A = arith.constant 2 : i32
    %mul3A_0 = arith.muli %arg1, %mul3A : i32
    %add3A = arith.addi %mul3A_0, %arg0 : i32
    %lt3A = arith.constant 15 : i32
    %lt3A_1 = arith.cmpi slt, %arg1, %lt3A : i32
    %convert_element_type3A = arith.extui %lt3A_1 : i1 to i32
    %cond3A = arith.constant 0 : i32
    %cond3A_2 = arith.cmpi ne, %convert_element_type3A, %cond3A : i32
    scf.if %cond3A_2 {
      %mul3A_29 = arith.constant 640 : i32
      %mul3A_30 = arith.muli %arg1, %mul3A_29 : i32
      %mul3A_31 = arith.constant 640 : i32
      %mul3A_32 = arith.muli %arg1, %mul3A_31 : i32
      "tpu.region"() ({
        %run_scoped3A = tpu.sem_alloc : memref<!tpu.dma_semaphore, #tpu.memory_space<semaphore_mem>>
        %dma_start3A_43 = arith.constant 0 : i32
        %dma_start3A_44 = tpu.memref_slice %arg7[%mul3A_32, %dma_start3A_43] : memref<10000x64xf32, #tpu.memory_space<vmem_shared>> -> memref<640x64xf32, #tpu.memory_space<vmem_shared>>
        %dma_start3A_45 = arith.constant 0 : i32
        %dma_start3A_46 = tpu.memref_slice %arg2[%mul3A_30, %dma_start3A_45] : memref<10000x64xf32, #tpu.memory_space<hbm>> -> memref<640x64xf32, #tpu.memory_space<hbm>>
        tpu.enqueue_dma source(%dma_start3A_46 : memref<640x64xf32, #tpu.memory_space<hbm>>) target(%dma_start3A_44 : memref<640x64xf32, #tpu.memory_space<vmem_shared>>) target_semaphore(%run_scoped3A : memref<!tpu.dma_semaphore, #tpu.memory_space<semaphore_mem>>)
        %dma_wait3A = arith.constant 0 : i32
        %dma_wait3A_47 = tpu.memref_slice %arg7[%mul3A_32, %dma_wait3A] : memref<10000x64xf32, #tpu.memory_space<vmem_shared>> -> memref<640x64xf32, #tpu.memory_space<vmem_shared>>
        %dma_wait3A_48 = arith.constant 0 : i32
        %dma_wait3A_49 = tpu.memref_slice %arg2[%mul3A_30, %dma_wait3A_48] : memref<10000x64xf32, #tpu.memory_space<hbm>> -> memref<640x64xf32, #tpu.memory_space<hbm>>
        tpu.wait_dma2 semaphore(%run_scoped3A : memref<!tpu.dma_semaphore, #tpu.memory_space<semaphore_mem>>) src(%dma_wait3A_49 : memref<640x64xf32, #tpu.memory_space<hbm>>) dst(%dma_wait3A_47 : memref<640x64xf32, #tpu.memory_space<vmem_shared>>)
        tpu.yield
      }) : () -> ()
      %eq3A_33 = arith.constant 0 : i32
      %eq3A_34 = arith.cmpi eq, %arg0, %eq3A_33 : i32
      %convert_element_type3A_35 = arith.extui %eq3A_34 : i1 to i32
      %cond3A_36 = arith.constant 0 : i32
      %cond3A_37 = arith.cmpi ne, %convert_element_type3A_35, %cond3A_36 : i32
      scf.if %cond3A_37 {
        %mul3A_43 = arith.constant 640 : i32
        %mul3A_44 = arith.muli %arg1, %mul3A_43 : i32
        %mul3A_45 = arith.constant 640 : i32
        %mul3A_46 = arith.muli %arg1, %mul3A_45 : i32
        "tpu.region"() ({
          %run_scoped3A = tpu.sem_alloc : memref<!tpu.dma_semaphore, #tpu.memory_space<semaphore_mem>>
          %dma_start3A_47 = arith.constant 0 : i32
          %dma_start3A_48 = tpu.memref_slice %arg8[%mul3A_46, %dma_start3A_47] : memref<10112x64xf32, #tpu.memory_space<vmem_shared>> -> memref<640x64xf32, #tpu.memory_space<vmem_shared>>
          %dma_start3A_49 = arith.constant 0 : i32
          %dma_start3A_50 = tpu.memref_slice %arg2[%mul3A_44, %dma_start3A_49] : memref<10000x64xf32, #tpu.memory_space<hbm>> -> memref<640x64xf32, #tpu.memory_space<hbm>>
          tpu.enqueue_dma source(%dma_start3A_50 : memref<640x64xf32, #tpu.memory_space<hbm>>) target(%dma_start3A_48 : memref<640x64xf32, #tpu.memory_space<vmem_shared>>) target_semaphore(%run_scoped3A : memref<!tpu.dma_semaphore, #tpu.memory_space<semaphore_mem>>)
          %dma_wait3A = arith.constant 0 : i32
          %dma_wait3A_51 = tpu.memref_slice %arg8[%mul3A_46, %dma_wait3A] : memref<10112x64xf32, #tpu.memory_space<vmem_shared>> -> memref<640x64xf32, #tpu.memory_space<vmem_shared>>
          %dma_wait3A_52 = arith.constant 0 : i32
          %dma_wait3A_53 = tpu.memref_slice %arg2[%mul3A_44, %dma_wait3A_52] : memref<10000x64xf32, #tpu.memory_space<hbm>> -> memref<640x64xf32, #tpu.memory_space<hbm>>
          tpu.wait_dma2 semaphore(%run_scoped3A : memref<!tpu.dma_semaphore, #tpu.memory_space<semaphore_mem>>) src(%dma_wait3A_53 : memref<640x64xf32, #tpu.memory_space<hbm>>) dst(%dma_wait3A_51 : memref<640x64xf32, #tpu.memory_space<vmem_shared>>)
          tpu.yield
        }) : () -> ()
      } else {
      }
      %eq3A_38 = arith.constant 1 : i32
      %eq3A_39 = arith.cmpi eq, %arg0, %eq3A_38 : i32
      %convert_element_type3A_40 = arith.extui %eq3A_39 : i1 to i32
      %cond3A_41 = arith.constant 0 : i32
      %cond3A_42 = arith.cmpi ne, %convert_element_type3A_40, %cond3A_41 : i32
      scf.if %cond3A_42 {
        %mul3A_43 = arith.constant 640 : i32
        %mul3A_44 = arith.muli %arg1, %mul3A_43 : i32
        %mul3A_45 = arith.constant 640 : i32
        %mul3A_46 = arith.muli %arg1, %mul3A_45 : i32
        "tpu.region"() ({
          %run_scoped3A = tpu.sem_alloc : memref<!tpu.dma_semaphore, #tpu.memory_space<semaphore_mem>>
          %dma_start3A_47 = arith.constant 0 : i32
          %dma_start3A_48 = tpu.memref_slice %arg8[%mul3A_46, %dma_start3A_47] : memref<10112x64xf32, #tpu.memory_space<vmem_shared>> -> memref<640x64xf32, #tpu.memory_space<vmem_shared>>
          %dma_start3A_49 = arith.constant 0 : i32
          %dma_start3A_50 = tpu.memref_slice %arg3[%mul3A_44, %dma_start3A_49] : memref<10000x64xf32, #tpu.memory_space<hbm>> -> memref<640x64xf32, #tpu.memory_space<hbm>>
          tpu.enqueue_dma source(%dma_start3A_50 : memref<640x64xf32, #tpu.memory_space<hbm>>) target(%dma_start3A_48 : memref<640x64xf32, #tpu.memory_space<vmem_shared>>) target_semaphore(%run_scoped3A : memref<!tpu.dma_semaphore, #tpu.memory_space<semaphore_mem>>)
          %dma_wait3A = arith.constant 0 : i32
          %dma_wait3A_51 = tpu.memref_slice %arg8[%mul3A_46, %dma_wait3A] : memref<10112x64xf32, #tpu.memory_space<vmem_shared>> -> memref<640x64xf32, #tpu.memory_space<vmem_shared>>
          %dma_wait3A_52 = arith.constant 0 : i32
          %dma_wait3A_53 = tpu.memref_slice %arg3[%mul3A_44, %dma_wait3A_52] : memref<10000x64xf32, #tpu.memory_space<hbm>> -> memref<640x64xf32, #tpu.memory_space<hbm>>
          tpu.wait_dma2 semaphore(%run_scoped3A : memref<!tpu.dma_semaphore, #tpu.memory_space<semaphore_mem>>) src(%dma_wait3A_53 : memref<640x64xf32, #tpu.memory_space<hbm>>) dst(%dma_wait3A_51 : memref<640x64xf32, #tpu.memory_space<vmem_shared>>)
          tpu.yield
        }) : () -> ()
      } else {
      }
    } else {
    }
    %eq3A = arith.constant 15 : i32
    %eq3A_3 = arith.cmpi eq, %arg1, %eq3A : i32
    %convert_element_type3A_4 = arith.extui %eq3A_3 : i1 to i32
    %cond3A_5 = arith.constant 0 : i32
    %cond3A_6 = arith.cmpi ne, %convert_element_type3A_4, %cond3A_5 : i32
    scf.if %cond3A_6 {
      "tpu.region"() ({
        %run_scoped3A = tpu.sem_alloc : memref<!tpu.dma_semaphore, #tpu.memory_space<semaphore_mem>>
        %dma_start3A_39 = arith.constant 9600 : i32
        %dma_start3A_40 = arith.constant 0 : i32
        %dma_start3A_41 = tpu.memref_slice %arg7[%dma_start3A_39, %dma_start3A_40] : memref<10000x64xf32, #tpu.memory_space<vmem_shared>> -> memref<400x64xf32, #tpu.memory_space<vmem_shared>>
        %dma_start3A_42 = arith.constant 9600 : i32
        %dma_start3A_43 = arith.constant 0 : i32
        %dma_start3A_44 = tpu.memref_slice %arg2[%dma_start3A_42, %dma_start3A_43] : memref<10000x64xf32, #tpu.memory_space<hbm>> -> memref<400x64xf32, #tpu.memory_space<hbm>>
        tpu.enqueue_dma source(%dma_start3A_44 : memref<400x64xf32, #tpu.memory_space<hbm>>) target(%dma_start3A_41 : memref<400x64xf32, #tpu.memory_space<vmem_shared>>) target_semaphore(%run_scoped3A : memref<!tpu.dma_semaphore, #tpu.memory_space<semaphore_mem>>)
        %dma_wait3A = arith.constant 9600 : i32
        %dma_wait3A_45 = arith.constant 0 : i32
        %dma_wait3A_46 = tpu.memref_slice %arg7[%dma_wait3A, %dma_wait3A_45] : memref<10000x64xf32, #tpu.memory_space<vmem_shared>> -> memref<400x64xf32, #tpu.memory_space<vmem_shared>>
        %dma_wait3A_47 = arith.constant 9600 : i32
        %dma_wait3A_48 = arith.constant 0 : i32
        %dma_wait3A_49 = tpu.memref_slice %arg2[%dma_wait3A_47, %dma_wait3A_48] : memref<10000x64xf32, #tpu.memory_space<hbm>> -> memref<400x64xf32, #tpu.memory_space<hbm>>
        tpu.wait_dma2 semaphore(%run_scoped3A : memref<!tpu.dma_semaphore, #tpu.memory_space<semaphore_mem>>) src(%dma_wait3A_49 : memref<400x64xf32, #tpu.memory_space<hbm>>) dst(%dma_wait3A_46 : memref<400x64xf32, #tpu.memory_space<vmem_shared>>)
        tpu.yield
      }) : () -> ()
      %eq3A_29 = arith.constant 0 : i32
      %eq3A_30 = arith.cmpi eq, %arg0, %eq3A_29 : i32
      %convert_element_type3A_31 = arith.extui %eq3A_30 : i1 to i32
      %cond3A_32 = arith.constant 0 : i32
      %cond3A_33 = arith.cmpi ne, %convert_element_type3A_31, %cond3A_32 : i32
      scf.if %cond3A_33 {
        "tpu.region"() ({
          %run_scoped3A = tpu.sem_alloc : memref<!tpu.dma_semaphore, #tpu.memory_space<semaphore_mem>>
          %dma_start3A_39 = arith.constant 9600 : i32
          %dma_start3A_40 = arith.constant 0 : i32
          %dma_start3A_41 = tpu.memref_slice %arg8[%dma_start3A_39, %dma_start3A_40] : memref<10112x64xf32, #tpu.memory_space<vmem_shared>> -> memref<400x64xf32, #tpu.memory_space<vmem_shared>>
          %dma_start3A_42 = arith.constant 9600 : i32
          %dma_start3A_43 = arith.constant 0 : i32
          %dma_start3A_44 = tpu.memref_slice %arg2[%dma_start3A_42, %dma_start3A_43] : memref<10000x64xf32, #tpu.memory_space<hbm>> -> memref<400x64xf32, #tpu.memory_space<hbm>>
          tpu.enqueue_dma source(%dma_start3A_44 : memref<400x64xf32, #tpu.memory_space<hbm>>) target(%dma_start3A_41 : memref<400x64xf32, #tpu.memory_space<vmem_shared>>) target_semaphore(%run_scoped3A : memref<!tpu.dma_semaphore, #tpu.memory_space<semaphore_mem>>)
          %dma_wait3A = arith.constant 9600 : i32
          %dma_wait3A_45 = arith.constant 0 : i32
          %dma_wait3A_46 = tpu.memref_slice %arg8[%dma_wait3A, %dma_wait3A_45] : memref<10112x64xf32, #tpu.memory_space<vmem_shared>> -> memref<400x64xf32, #tpu.memory_space<vmem_shared>>
          %dma_wait3A_47 = arith.constant 9600 : i32
          %dma_wait3A_48 = arith.constant 0 : i32
          %dma_wait3A_49 = tpu.memref_slice %arg2[%dma_wait3A_47, %dma_wait3A_48] : memref<10000x64xf32, #tpu.memory_space<hbm>> -> memref<400x64xf32, #tpu.memory_space<hbm>>
          tpu.wait_dma2 semaphore(%run_scoped3A : memref<!tpu.dma_semaphore, #tpu.memory_space<semaphore_mem>>) src(%dma_wait3A_49 : memref<400x64xf32, #tpu.memory_space<hbm>>) dst(%dma_wait3A_46 : memref<400x64xf32, #tpu.memory_space<vmem_shared>>)
          tpu.yield
        }) : () -> ()
      } else {
      }
      %eq3A_34 = arith.constant 1 : i32
      %eq3A_35 = arith.cmpi eq, %arg0, %eq3A_34 : i32
      %convert_element_type3A_36 = arith.extui %eq3A_35 : i1 to i32
      %cond3A_37 = arith.constant 0 : i32
      %cond3A_38 = arith.cmpi ne, %convert_element_type3A_36, %cond3A_37 : i32
      scf.if %cond3A_38 {
        "tpu.region"() ({
          %run_scoped3A = tpu.sem_alloc : memref<!tpu.dma_semaphore, #tpu.memory_space<semaphore_mem>>
          %dma_start3A_39 = arith.constant 9600 : i32
          %dma_start3A_40 = arith.constant 0 : i32
          %dma_start3A_41 = tpu.memref_slice %arg8[%dma_start3A_39, %dma_start3A_40] : memref<10112x64xf32, #tpu.memory_space<vmem_shared>> -> memref<400x64xf32, #tpu.memory_space<vmem_shared>>
          %dma_start3A_42 = arith.constant 9600 : i32
          %dma_start3A_43 = arith.constant 0 : i32
          %dma_start3A_44 = tpu.memref_slice %arg3[%dma_start3A_42, %dma_start3A_43] : memref<10000x64xf32, #tpu.memory_space<hbm>> -> memref<400x64xf32, #tpu.memory_space<hbm>>
          tpu.enqueue_dma source(%dma_start3A_44 : memref<400x64xf32, #tpu.memory_space<hbm>>) target(%dma_start3A_41 : memref<400x64xf32, #tpu.memory_space<vmem_shared>>) target_semaphore(%run_scoped3A : memref<!tpu.dma_semaphore, #tpu.memory_space<semaphore_mem>>)
          %dma_wait3A = arith.constant 9600 : i32
          %dma_wait3A_45 = arith.constant 0 : i32
          %dma_wait3A_46 = tpu.memref_slice %arg8[%dma_wait3A, %dma_wait3A_45] : memref<10112x64xf32, #tpu.memory_space<vmem_shared>> -> memref<400x64xf32, #tpu.memory_space<vmem_shared>>
          %dma_wait3A_47 = arith.constant 9600 : i32
          %dma_wait3A_48 = arith.constant 0 : i32
          %dma_wait3A_49 = tpu.memref_slice %arg3[%dma_wait3A_47, %dma_wait3A_48] : memref<10000x64xf32, #tpu.memory_space<hbm>> -> memref<400x64xf32, #tpu.memory_space<hbm>>
          tpu.wait_dma2 semaphore(%run_scoped3A : memref<!tpu.dma_semaphore, #tpu.memory_space<semaphore_mem>>) src(%dma_wait3A_49 : memref<400x64xf32, #tpu.memory_space<hbm>>) dst(%dma_wait3A_46 : memref<400x64xf32, #tpu.memory_space<vmem_shared>>)
          tpu.yield
        }) : () -> ()
      } else {
      }
    } else {
    }
    "tpu.region"() ({
      %run_scoped3A = tpu.sem_alloc : memref<!tpu.dma_semaphore, #tpu.memory_space<semaphore_mem>>
      %dma_start3A_29 = arith.constant 0 : i32
      %dma_start3A_30 = arith.constant 0 : i32
      %dma_start3A_31 = tpu.memref_slice %arg4[%add3A, %dma_start3A_29, %dma_start3A_30] : memref<32x64x160xi32, #tpu.memory_space<hbm>> -> memref<1x64x160xi32, #tpu.memory_space<hbm>>
      %dma_start3A_32 = tpu.memref_squeeze %dma_start3A_31 : memref<1x64x160xi32, #tpu.memory_space<hbm>> -> memref<64x160xi32, #tpu.memory_space<hbm>>
      %dma_start3A_33 = arith.constant 0 : i32
      %dma_start3A_34 = arith.constant 0 : i32
      %dma_start3A_35 = tpu.memref_slice %arg4[%add3A, %dma_start3A_33, %dma_start3A_34] : memref<32x64x160xi32, #tpu.memory_space<hbm>> -> memref<1x64x160xi32, #tpu.memory_space<hbm>>
      %dma_start3A_36 = tpu.memref_squeeze %dma_start3A_35 : memref<1x64x160xi32, #tpu.memory_space<hbm>> -> memref<64x160xi32, #tpu.memory_space<hbm>>
      tpu.enqueue_dma source(%dma_start3A_36 : memref<64x160xi32, #tpu.memory_space<hbm>>) target(%arg9 : memref<64x160xi32, #tpu.memory_space<vmem>>) target_semaphore(%run_scoped3A : memref<!tpu.dma_semaphore, #tpu.memory_space<semaphore_mem>>)
      %dma_wait3A = arith.constant 0 : i32
      %dma_wait3A_37 = arith.constant 0 : i32
      %dma_wait3A_38 = tpu.memref_slice %arg4[%add3A, %dma_wait3A, %dma_wait3A_37] : memref<32x64x160xi32, #tpu.memory_space<hbm>> -> memref<1x64x160xi32, #tpu.memory_space<hbm>>
      %dma_wait3A_39 = tpu.memref_squeeze %dma_wait3A_38 : memref<1x64x160xi32, #tpu.memory_space<hbm>> -> memref<64x160xi32, #tpu.memory_space<hbm>>
      %dma_wait3A_40 = arith.constant 0 : i32
      %dma_wait3A_41 = arith.constant 0 : i32
      %dma_wait3A_42 = tpu.memref_slice %arg4[%add3A, %dma_wait3A_40, %dma_wait3A_41] : memref<32x64x160xi32, #tpu.memory_space<hbm>> -> memref<1x64x160xi32, #tpu.memory_space<hbm>>
      %dma_wait3A_43 = tpu.memref_squeeze %dma_wait3A_42 : memref<1x64x160xi32, #tpu.memory_space<hbm>> -> memref<64x160xi32, #tpu.memory_space<hbm>>
      tpu.wait_dma2 semaphore(%run_scoped3A : memref<!tpu.dma_semaphore, #tpu.memory_space<semaphore_mem>>) src(%dma_wait3A_43 : memref<64x160xi32, #tpu.memory_space<hbm>>) dst(%arg9 : memref<64x160xi32, #tpu.memory_space<vmem>>)
      tpu.yield
    }) : () -> ()
    "tpu.region"() ({
      %run_scoped3A = tpu.sem_alloc : memref<!tpu.dma_semaphore, #tpu.memory_space<semaphore_mem>>
      %dma_start3A_29 = arith.constant 0 : i32
      %dma_start3A_30 = arith.constant 0 : i32
      %dma_start3A_31 = tpu.memref_slice %arg5[%add3A, %dma_start3A_29, %dma_start3A_30] : memref<32x64x160xi32, #tpu.memory_space<hbm>> -> memref<1x64x160xi32, #tpu.memory_space<hbm>>
      %dma_start3A_32 = tpu.memref_squeeze %dma_start3A_31 : memref<1x64x160xi32, #tpu.memory_space<hbm>> -> memref<64x160xi32, #tpu.memory_space<hbm>>
      %dma_start3A_33 = arith.constant 0 : i32
      %dma_start3A_34 = arith.constant 0 : i32
      %dma_start3A_35 = tpu.memref_slice %arg5[%add3A, %dma_start3A_33, %dma_start3A_34] : memref<32x64x160xi32, #tpu.memory_space<hbm>> -> memref<1x64x160xi32, #tpu.memory_space<hbm>>
      %dma_start3A_36 = tpu.memref_squeeze %dma_start3A_35 : memref<1x64x160xi32, #tpu.memory_space<hbm>> -> memref<64x160xi32, #tpu.memory_space<hbm>>
      tpu.enqueue_dma source(%dma_start3A_36 : memref<64x160xi32, #tpu.memory_space<hbm>>) target(%arg10 : memref<64x160xi32, #tpu.memory_space<vmem>>) target_semaphore(%run_scoped3A : memref<!tpu.dma_semaphore, #tpu.memory_space<semaphore_mem>>)
      %dma_wait3A = arith.constant 0 : i32
      %dma_wait3A_37 = arith.constant 0 : i32
      %dma_wait3A_38 = tpu.memref_slice %arg5[%add3A, %dma_wait3A, %dma_wait3A_37] : memref<32x64x160xi32, #tpu.memory_space<hbm>> -> memref<1x64x160xi32, #tpu.memory_space<hbm>>
      %dma_wait3A_39 = tpu.memref_squeeze %dma_wait3A_38 : memref<1x64x160xi32, #tpu.memory_space<hbm>> -> memref<64x160xi32, #tpu.memory_space<hbm>>
      %dma_wait3A_40 = arith.constant 0 : i32
      %dma_wait3A_41 = arith.constant 0 : i32
      %dma_wait3A_42 = tpu.memref_slice %arg5[%add3A, %dma_wait3A_40, %dma_wait3A_41] : memref<32x64x160xi32, #tpu.memory_space<hbm>> -> memref<1x64x160xi32, #tpu.memory_space<hbm>>
      %dma_wait3A_43 = tpu.memref_squeeze %dma_wait3A_42 : memref<1x64x160xi32, #tpu.memory_space<hbm>> -> memref<64x160xi32, #tpu.memory_space<hbm>>
      tpu.wait_dma2 semaphore(%run_scoped3A : memref<!tpu.dma_semaphore, #tpu.memory_space<semaphore_mem>>) src(%dma_wait3A_43 : memref<64x160xi32, #tpu.memory_space<hbm>>) dst(%arg10 : memref<64x160xi32, #tpu.memory_space<vmem>>)
      tpu.yield
    }) : () -> ()
    %barrier3A = arith.constant 0 : index
    tpu.barrier barrier_id(%barrier3A)
    %dma_start3A = arith.constant 0 : i32
    %dma_start3A_7 = arith.constant 0 : i32
    %dma_start3A_8 = tpu.memref_slice %arg9[%dma_start3A, %dma_start3A_7] : memref<64x160xi32, #tpu.memory_space<vmem>> -> memref<1x160xi32, #tpu.memory_space<vmem>>
    %dma_start3A_9 = tpu.memref_squeeze %dma_start3A_8 : memref<1x160xi32, #tpu.memory_space<vmem>> -> memref<160xi32, #tpu.memory_space<vmem>>
    %dma_start3A_10 = arith.constant 0 : i32
    %dma_start3A_11 = arith.constant 0 : i32
    %dma_start3A_12 = tpu.memref_slice %arg7[%dma_start3A_10, %dma_start3A_11] : memref<10000x64xf32, #tpu.memory_space<vmem_shared>> -> memref<10000x64xf32, #tpu.memory_space<vmem_shared>>
    tpu.enqueue_indirect_dma source(%dma_start3A_12 : memref<10000x64xf32, #tpu.memory_space<vmem_shared>>) target(%arg11 : memref<160x64xf32, #tpu.memory_space<vmem>>) offsets(%dma_start3A_9 : memref<160xi32, #tpu.memory_space<vmem>>) semaphore(%arg13 : memref<!tpu.dma_semaphore, #tpu.memory_space<semaphore_mem>>)
    %scan3A = arith.constant 0 : i32
    %scan3A_13 = arith.constant 0 : i32
    %scan3A_14 = arith.constant 32 : i32
    %scan3A_15 = arith.addi %scan3A_13, %scan3A_14 : i32
    %scan3A_16 = arith.constant 1 : i32
    scf.for %scan3A_29 = %scan3A_13 to %scan3A_15 step %scan3A_16  : i32 {
      %mul3A_30 = arith.constant 2 : i32
      %mul3A_31 = arith.muli %mul3A_30, %scan3A_29 : i32
      %dma_wait3A = arith.constant 0 : i32
      %dma_wait3A_32 = tpu.memref_slice %arg9[%mul3A_31, %dma_wait3A] : memref<64x160xi32, #tpu.memory_space<vmem>> -> memref<1x160xi32, #tpu.memory_space<vmem>>
      %dma_wait3A_33 = tpu.memref_squeeze %dma_wait3A_32 : memref<1x160xi32, #tpu.memory_space<vmem>> -> memref<160xi32, #tpu.memory_space<vmem>>
      %dma_wait3A_34 = arith.constant 0 : i32
      %dma_wait3A_35 = arith.constant 0 : i32
      %dma_wait3A_36 = tpu.memref_slice %arg7[%dma_wait3A_34, %dma_wait3A_35] : memref<10000x64xf32, #tpu.memory_space<vmem_shared>> -> memref<10000x64xf32, #tpu.memory_space<vmem_shared>>
      tpu.wait_indirect_dma semaphore(%arg13 : memref<!tpu.dma_semaphore, #tpu.memory_space<semaphore_mem>>) src(%dma_wait3A_36 : memref<10000x64xf32, #tpu.memory_space<vmem_shared>>) dst(%arg11 : memref<160x64xf32, #tpu.memory_space<vmem>>)
      %add3A_37 = arith.constant 1 : i32
      %add3A_38 = arith.addi %mul3A_31, %add3A_37 : i32
      %dma_start3A_39 = arith.constant 0 : i32
      %dma_start3A_40 = tpu.memref_slice %arg9[%add3A_38, %dma_start3A_39] : memref<64x160xi32, #tpu.memory_space<vmem>> -> memref<1x160xi32, #tpu.memory_space<vmem>>
      %dma_start3A_41 = tpu.memref_squeeze %dma_start3A_40 : memref<1x160xi32, #tpu.memory_space<vmem>> -> memref<160xi32, #tpu.memory_space<vmem>>
      %dma_start3A_42 = arith.constant 0 : i32
      %dma_start3A_43 = arith.constant 0 : i32
      %dma_start3A_44 = tpu.memref_slice %arg7[%dma_start3A_42, %dma_start3A_43] : memref<10000x64xf32, #tpu.memory_space<vmem_shared>> -> memref<10000x64xf32, #tpu.memory_space<vmem_shared>>
      tpu.enqueue_indirect_dma source(%dma_start3A_44 : memref<10000x64xf32, #tpu.memory_space<vmem_shared>>) target(%arg12 : memref<160x64xf32, #tpu.memory_space<vmem>>) offsets(%dma_start3A_41 : memref<160xi32, #tpu.memory_space<vmem>>) semaphore(%arg14 : memref<!tpu.dma_semaphore, #tpu.memory_space<semaphore_mem>>)
      "tpu.region"() ({
        %run_scoped3A = tpu.sem_alloc : memref<!tpu.dma_semaphore, #tpu.memory_space<semaphore_mem>>
        %dma_start3A_60 = arith.constant 0 : i32
        %dma_start3A_61 = tpu.memref_slice %arg10[%mul3A_31, %dma_start3A_60] : memref<64x160xi32, #tpu.memory_space<vmem>> -> memref<1x160xi32, #tpu.memory_space<vmem>>
        %dma_start3A_62 = tpu.memref_squeeze %dma_start3A_61 : memref<1x160xi32, #tpu.memory_space<vmem>> -> memref<160xi32, #tpu.memory_space<vmem>>
        %dma_start3A_63 = arith.constant 0 : i32
        %dma_start3A_64 = arith.constant 0 : i32
        %dma_start3A_65 = tpu.memref_slice %arg8[%dma_start3A_63, %dma_start3A_64] : memref<10112x64xf32, #tpu.memory_space<vmem_shared>> -> memref<10112x64xf32, #tpu.memory_space<vmem_shared>>
        tpu.enqueue_indirect_dma source(%arg11 : memref<160x64xf32, #tpu.memory_space<vmem>>) target(%dma_start3A_65 : memref<10112x64xf32, #tpu.memory_space<vmem_shared>>) offsets(%dma_start3A_62 : memref<160xi32, #tpu.memory_space<vmem>>) semaphore(%run_scoped3A : memref<!tpu.dma_semaphore, #tpu.memory_space<semaphore_mem>>) {add = true}
        %dma_wait3A_66 = arith.constant 0 : i32
        %dma_wait3A_67 = tpu.memref_slice %arg10[%mul3A_31, %dma_wait3A_66] : memref<64x160xi32, #tpu.memory_space<vmem>> -> memref<1x160xi32, #tpu.memory_space<vmem>>
        %dma_wait3A_68 = tpu.memref_squeeze %dma_wait3A_67 : memref<1x160xi32, #tpu.memory_space<vmem>> -> memref<160xi32, #tpu.memory_space<vmem>>
        %dma_wait3A_69 = arith.constant 0 : i32
        %dma_wait3A_70 = arith.constant 0 : i32
        %dma_wait3A_71 = tpu.memref_slice %arg8[%dma_wait3A_69, %dma_wait3A_70] : memref<10112x64xf32, #tpu.memory_space<vmem_shared>> -> memref<10112x64xf32, #tpu.memory_space<vmem_shared>>
        tpu.wait_indirect_dma semaphore(%run_scoped3A : memref<!tpu.dma_semaphore, #tpu.memory_space<semaphore_mem>>) src(%arg11 : memref<160x64xf32, #tpu.memory_space<vmem>>) dst(%dma_wait3A_71 : memref<10112x64xf32, #tpu.memory_space<vmem_shared>>)
        tpu.yield
      }) : () -> ()
      %add3A_45 = arith.constant 1 : i32
      %add3A_46 = arith.addi %mul3A_31, %add3A_45 : i32
      %dma_wait3A_47 = arith.constant 0 : i32
      %dma_wait3A_48 = tpu.memref_slice %arg9[%add3A_46, %dma_wait3A_47] : memref<64x160xi32, #tpu.memory_space<vmem>> -> memref<1x160xi32, #tpu.memory_space<vmem>>
      %dma_wait3A_49 = tpu.memref_squeeze %dma_wait3A_48 : memref<1x160xi32, #tpu.memory_space<vmem>> -> memref<160xi32, #tpu.memory_space<vmem>>
      %dma_wait3A_50 = arith.constant 0 : i32
      %dma_wait3A_51 = arith.constant 0 : i32
      %dma_wait3A_52 = tpu.memref_slice %arg7[%dma_wait3A_50, %dma_wait3A_51] : memref<10000x64xf32, #tpu.memory_space<vmem_shared>> -> memref<10000x64xf32, #tpu.memory_space<vmem_shared>>
      tpu.wait_indirect_dma semaphore(%arg14 : memref<!tpu.dma_semaphore, #tpu.memory_space<semaphore_mem>>) src(%dma_wait3A_52 : memref<10000x64xf32, #tpu.memory_space<vmem_shared>>) dst(%arg12 : memref<160x64xf32, #tpu.memory_space<vmem>>)
      %lt3A_53 = arith.constant 31 : i32
      %lt3A_54 = arith.cmpi slt, %scan3A_29, %lt3A_53 : i32
      %convert_element_type3A_55 = arith.extui %lt3A_54 : i1 to i32
      %cond3A_56 = arith.constant 0 : i32
      %cond3A_57 = arith.cmpi ne, %convert_element_type3A_55, %cond3A_56 : i32
      scf.if %cond3A_57 {
        %add3A_60 = arith.constant 2 : i32
        %add3A_61 = arith.addi %mul3A_31, %add3A_60 : i32
        %dma_start3A_62 = arith.constant 0 : i32
        %dma_start3A_63 = tpu.memref_slice %arg9[%add3A_61, %dma_start3A_62] : memref<64x160xi32, #tpu.memory_space<vmem>> -> memref<1x160xi32, #tpu.memory_space<vmem>>
        %dma_start3A_64 = tpu.memref_squeeze %dma_start3A_63 : memref<1x160xi32, #tpu.memory_space<vmem>> -> memref<160xi32, #tpu.memory_space<vmem>>
        %dma_start3A_65 = arith.constant 0 : i32
        %dma_start3A_66 = arith.constant 0 : i32
        %dma_start3A_67 = tpu.memref_slice %arg7[%dma_start3A_65, %dma_start3A_66] : memref<10000x64xf32, #tpu.memory_space<vmem_shared>> -> memref<10000x64xf32, #tpu.memory_space<vmem_shared>>
        tpu.enqueue_indirect_dma source(%dma_start3A_67 : memref<10000x64xf32, #tpu.memory_space<vmem_shared>>) target(%arg11 : memref<160x64xf32, #tpu.memory_space<vmem>>) offsets(%dma_start3A_64 : memref<160xi32, #tpu.memory_space<vmem>>) semaphore(%arg13 : memref<!tpu.dma_semaphore, #tpu.memory_space<semaphore_mem>>)
      } else {
      }
      %add3A_58 = arith.constant 1 : i32
      %add3A_59 = arith.addi %mul3A_31, %add3A_58 : i32
      "tpu.region"() ({
        %run_scoped3A = tpu.sem_alloc : memref<!tpu.dma_semaphore, #tpu.memory_space<semaphore_mem>>
        %dma_start3A_60 = arith.constant 0 : i32
        %dma_start3A_61 = tpu.memref_slice %arg10[%add3A_59, %dma_start3A_60] : memref<64x160xi32, #tpu.memory_space<vmem>> -> memref<1x160xi32, #tpu.memory_space<vmem>>
        %dma_start3A_62 = tpu.memref_squeeze %dma_start3A_61 : memref<1x160xi32, #tpu.memory_space<vmem>> -> memref<160xi32, #tpu.memory_space<vmem>>
        %dma_start3A_63 = arith.constant 0 : i32
        %dma_start3A_64 = arith.constant 0 : i32
        %dma_start3A_65 = tpu.memref_slice %arg8[%dma_start3A_63, %dma_start3A_64] : memref<10112x64xf32, #tpu.memory_space<vmem_shared>> -> memref<10112x64xf32, #tpu.memory_space<vmem_shared>>
        tpu.enqueue_indirect_dma source(%arg12 : memref<160x64xf32, #tpu.memory_space<vmem>>) target(%dma_start3A_65 : memref<10112x64xf32, #tpu.memory_space<vmem_shared>>) offsets(%dma_start3A_62 : memref<160xi32, #tpu.memory_space<vmem>>) semaphore(%run_scoped3A : memref<!tpu.dma_semaphore, #tpu.memory_space<semaphore_mem>>) {add = true}
        %dma_wait3A_66 = arith.constant 0 : i32
        %dma_wait3A_67 = tpu.memref_slice %arg10[%add3A_59, %dma_wait3A_66] : memref<64x160xi32, #tpu.memory_space<vmem>> -> memref<1x160xi32, #tpu.memory_space<vmem>>
        %dma_wait3A_68 = tpu.memref_squeeze %dma_wait3A_67 : memref<1x160xi32, #tpu.memory_space<vmem>> -> memref<160xi32, #tpu.memory_space<vmem>>
        %dma_wait3A_69 = arith.constant 0 : i32
        %dma_wait3A_70 = arith.constant 0 : i32
        %dma_wait3A_71 = tpu.memref_slice %arg8[%dma_wait3A_69, %dma_wait3A_70] : memref<10112x64xf32, #tpu.memory_space<vmem_shared>> -> memref<10112x64xf32, #tpu.memory_space<vmem_shared>>
        tpu.wait_indirect_dma semaphore(%run_scoped3A : memref<!tpu.dma_semaphore, #tpu.memory_space<semaphore_mem>>) src(%arg12 : memref<160x64xf32, #tpu.memory_space<vmem>>) dst(%dma_wait3A_71 : memref<10112x64xf32, #tpu.memory_space<vmem_shared>>)
        tpu.yield
      }) : () -> ()
    }
    %scan3A_17 = arith.constant 32 : i32
    %barrier3A_18 = arith.constant 0 : index
    tpu.barrier barrier_id(%barrier3A_18)
    %lt3A_19 = arith.constant 15 : i32
    %lt3A_20 = arith.cmpi slt, %arg1, %lt3A_19 : i32
    %convert_element_type3A_21 = arith.extui %lt3A_20 : i1 to i32
    %cond3A_22 = arith.constant 0 : i32
    %cond3A_23 = arith.cmpi ne, %convert_element_type3A_21, %cond3A_22 : i32
    scf.if %cond3A_23 {
      %mul3A_29 = arith.constant 640 : i32
      %mul3A_30 = arith.muli %arg1, %mul3A_29 : i32
      %mul3A_31 = arith.constant 640 : i32
      %mul3A_32 = arith.muli %arg1, %mul3A_31 : i32
      "tpu.region"() ({
        %run_scoped3A = tpu.sem_alloc : memref<!tpu.dma_semaphore, #tpu.memory_space<semaphore_mem>>
        %dma_start3A_33 = arith.constant 0 : i32
        %dma_start3A_34 = tpu.memref_slice %arg6[%arg0, %mul3A_32, %dma_start3A_33] : memref<2x10000x64xf32, #tpu.memory_space<hbm>> -> memref<1x640x64xf32, #tpu.memory_space<hbm>>
        %dma_start3A_35 = tpu.memref_squeeze %dma_start3A_34 : memref<1x640x64xf32, #tpu.memory_space<hbm>> -> memref<640x64xf32, #tpu.memory_space<hbm>>
        %dma_start3A_36 = arith.constant 0 : i32
        %dma_start3A_37 = tpu.memref_slice %arg8[%mul3A_30, %dma_start3A_36] : memref<10112x64xf32, #tpu.memory_space<vmem_shared>> -> memref<640x64xf32, #tpu.memory_space<vmem_shared>>
        tpu.enqueue_dma source(%dma_start3A_37 : memref<640x64xf32, #tpu.memory_space<vmem_shared>>) target(%dma_start3A_35 : memref<640x64xf32, #tpu.memory_space<hbm>>) target_semaphore(%run_scoped3A : memref<!tpu.dma_semaphore, #tpu.memory_space<semaphore_mem>>)
        %dma_wait3A = arith.constant 0 : i32
        %dma_wait3A_38 = tpu.memref_slice %arg6[%arg0, %mul3A_32, %dma_wait3A] : memref<2x10000x64xf32, #tpu.memory_space<hbm>> -> memref<1x640x64xf32, #tpu.memory_space<hbm>>
        %dma_wait3A_39 = tpu.memref_squeeze %dma_wait3A_38 : memref<1x640x64xf32, #tpu.memory_space<hbm>> -> memref<640x64xf32, #tpu.memory_space<hbm>>
        %dma_wait3A_40 = arith.constant 0 : i32
        %dma_wait3A_41 = tpu.memref_slice %arg8[%mul3A_30, %dma_wait3A_40] : memref<10112x64xf32, #tpu.memory_space<vmem_shared>> -> memref<640x64xf32, #tpu.memory_space<vmem_shared>>
        tpu.wait_dma2 semaphore(%run_scoped3A : memref<!tpu.dma_semaphore, #tpu.memory_space<semaphore_mem>>) src(%dma_wait3A_41 : memref<640x64xf32, #tpu.memory_space<vmem_shared>>) dst(%dma_wait3A_39 : memref<640x64xf32, #tpu.memory_space<hbm>>)
        tpu.yield
      }) : () -> ()
    } else {
    }
    %eq3A_24 = arith.constant 15 : i32
    %eq3A_25 = arith.cmpi eq, %arg1, %eq3A_24 : i32
    %convert_element_type3A_26 = arith.extui %eq3A_25 : i1 to i32
    %cond3A_27 = arith.constant 0 : i32
    %cond3A_28 = arith.cmpi ne, %convert_element_type3A_26, %cond3A_27 : i32
    scf.if %cond3A_28 {
      "tpu.region"() ({
        %run_scoped3A = tpu.sem_alloc : memref<!tpu.dma_semaphore, #tpu.memory_space<semaphore_mem>>
        %dma_start3A_29 = arith.constant 9600 : i32
        %dma_start3A_30 = arith.constant 0 : i32
        %dma_start3A_31 = tpu.memref_slice %arg6[%arg0, %dma_start3A_29, %dma_start3A_30] : memref<2x10000x64xf32, #tpu.memory_space<hbm>> -> memref<1x400x64xf32, #tpu.memory_space<hbm>>
        %dma_start3A_32 = tpu.memref_squeeze %dma_start3A_31 : memref<1x400x64xf32, #tpu.memory_space<hbm>> -> memref<400x64xf32, #tpu.memory_space<hbm>>
        %dma_start3A_33 = arith.constant 9600 : i32
        %dma_start3A_34 = arith.constant 0 : i32
        %dma_start3A_35 = tpu.memref_slice %arg8[%dma_start3A_33, %dma_start3A_34] : memref<10112x64xf32, #tpu.memory_space<vmem_shared>> -> memref<400x64xf32, #tpu.memory_space<vmem_shared>>
        tpu.enqueue_dma source(%dma_start3A_35 : memref<400x64xf32, #tpu.memory_space<vmem_shared>>) target(%dma_start3A_32 : memref<400x64xf32, #tpu.memory_space<hbm>>) target_semaphore(%run_scoped3A : memref<!tpu.dma_semaphore, #tpu.memory_space<semaphore_mem>>)
        %dma_wait3A = arith.constant 9600 : i32
        %dma_wait3A_36 = arith.constant 0 : i32
        %dma_wait3A_37 = tpu.memref_slice %arg6[%arg0, %dma_wait3A, %dma_wait3A_36] : memref<2x10000x64xf32, #tpu.memory_space<hbm>> -> memref<1x400x64xf32, #tpu.memory_space<hbm>>
        %dma_wait3A_38 = tpu.memref_squeeze %dma_wait3A_37 : memref<1x400x64xf32, #tpu.memory_space<hbm>> -> memref<400x64xf32, #tpu.memory_space<hbm>>
        %dma_wait3A_39 = arith.constant 9600 : i32
        %dma_wait3A_40 = arith.constant 0 : i32
        %dma_wait3A_41 = tpu.memref_slice %arg8[%dma_wait3A_39, %dma_wait3A_40] : memref<10112x64xf32, #tpu.memory_space<vmem_shared>> -> memref<400x64xf32, #tpu.memory_space<vmem_shared>>
        tpu.wait_dma2 semaphore(%run_scoped3A : memref<!tpu.dma_semaphore, #tpu.memory_space<semaphore_mem>>) src(%dma_wait3A_41 : memref<400x64xf32, #tpu.memory_space<vmem_shared>>) dst(%dma_wait3A_38 : memref<400x64xf32, #tpu.memory_space<hbm>>)
        tpu.yield
      }) : () -> ()
    } else {
    }
    return
  }
}

module attributes {stable_mosaic.version = 14 : i64} {
  func.func @_tc1_body(%arg0: memref<5000x4xf32, #tpu.memory_space<vmem>>, %arg1: memref<10000x2xf32, #tpu.memory_space<vmem>>, %arg2: memref<10000x128xf32, #tpu.memory_space<vmem>>, %arg3: memref<128x64xf32, #tpu.memory_space<vmem>>, %arg4: memref<5000x128xf32, #tpu.memory_space<vmem>>, %arg5: memref<10000x64xf32, #tpu.memory_space<vmem>>) attributes {dimension_semantics = [], scalar_prefetch = 0 : i64, scratch_operands = 0 : i64, tpu.core_type = #tpu.core_type<tc>} {
    %get3A = arith.constant 0 : index
    %get3A_0 = arith.constant 0 : index
    %get3A_1 = vector.load %arg0[%get3A, %get3A_0] : memref<5000x4xf32, #tpu.memory_space<vmem>>, vector<5000x4xf32>
    %slice3A = vector.extract_strided_slice %get3A_1 {offsets = [0, 0], sizes = [5000, 1], strides = [1, 1]} : vector<5000x4xf32> to vector<5000x1xf32>
    %slice3A_2 = vector.extract_strided_slice %get3A_1 {offsets = [0, 1], sizes = [5000, 1], strides = [1, 1]} : vector<5000x4xf32> to vector<5000x1xf32>
    %add3A = arith.addf %slice3A, %slice3A_2 : vector<5000x1xf32>
    %add3A_3 = arith.constant 1.000000e+00 : f32
    %add3A_4 = vector.broadcast %add3A_3 : f32 to vector<5000x1xf32>
    %add3A_5 = arith.addf %add3A, %add3A_4 : vector<5000x1xf32>
    %rsqrt3A = math.rsqrt %add3A_5 : vector<5000x1xf32>
    %slice3A_6 = vector.extract_strided_slice %get3A_1 {offsets = [0, 2], sizes = [5000, 1], strides = [1, 1]} : vector<5000x4xf32> to vector<5000x1xf32>
    %slice3A_7 = vector.extract_strided_slice %get3A_1 {offsets = [0, 3], sizes = [5000, 1], strides = [1, 1]} : vector<5000x4xf32> to vector<5000x1xf32>
    %add3A_8 = arith.addf %slice3A_6, %slice3A_7 : vector<5000x1xf32>
    %add3A_9 = arith.constant 1.000000e+00 : f32
    %add3A_10 = vector.broadcast %add3A_9 : f32 to vector<5000x1xf32>
    %add3A_11 = arith.addf %add3A_8, %add3A_10 : vector<5000x1xf32>
    %rsqrt3A_12 = math.rsqrt %add3A_11 : vector<5000x1xf32>
    %iota3A = tpu.iota {dimensions = array<i32: 1>} : vector<1x128xi32>
    %lt3A = arith.constant 64 : i32
    %lt3A_13 = vector.broadcast %lt3A : i32 to vector<1x128xi32>
    %lt3A_14 = arith.cmpi slt, %iota3A, %lt3A_13 : vector<1x128xi32>
    %convert_element_type3A = arith.extui %lt3A_14 : vector<1x128xi1> to vector<1x128xi32>
    %convert_element_type3A_15 = arith.sitofp %convert_element_type3A : vector<1x128xi32> to vector<1x128xf32>
    %mul3A = vector.broadcast %rsqrt3A : vector<5000x1xf32> to vector<5000x128xf32>
    %mul3A_16 = vector.broadcast %convert_element_type3A_15 : vector<1x128xf32> to vector<5000x128xf32>
    %mul3A_17 = arith.mulf %mul3A, %mul3A_16 : vector<5000x128xf32>
    %sub3A = arith.constant 1.000000e+00 : f32
    %sub3A_18 = vector.broadcast %sub3A : f32 to vector<1x128xf32>
    %sub3A_19 = arith.subf %sub3A_18, %convert_element_type3A_15 : vector<1x128xf32>
    %mul3A_20 = vector.broadcast %rsqrt3A_12 : vector<5000x1xf32> to vector<5000x128xf32>
    %mul3A_21 = vector.broadcast %sub3A_19 : vector<1x128xf32> to vector<5000x128xf32>
    %mul3A_22 = arith.mulf %mul3A_20, %mul3A_21 : vector<5000x128xf32>
    %add3A_23 = arith.addf %mul3A_17, %mul3A_22 : vector<5000x128xf32>
    %swap3A = arith.constant 0 : index
    %swap3A_24 = arith.constant 0 : index
    %swap3A_25 = vector.load %arg4[%swap3A, %swap3A_24] : memref<5000x128xf32, #tpu.memory_space<vmem>>, vector<5000x128xf32>
    tpu.vector_store %arg4[%swap3A, %swap3A_24], %add3A_23 {strides = array<i32>} : memref<5000x128xf32, #tpu.memory_space<vmem>>, vector<5000x128xf32>,
    %get3A_26 = arith.constant 0 : index
    %get3A_27 = arith.constant 0 : index
    %get3A_28 = vector.load %arg1[%get3A_26, %get3A_27] : memref<10000x2xf32, #tpu.memory_space<vmem>>, vector<10000x2xf32>
    %reduce_sum3A = arith.constant dense<0.000000e+00> : vector<10000xf32>
    %reduce_sum3A_29 = vector.multi_reduction <add>, %get3A_28, %reduce_sum3A [1] : vector<10000x2xf32> to vector<10000xf32>
    %broadcast_in_dim3A = vector.shape_cast %reduce_sum3A_29 : vector<10000xf32> to vector<10000x1xf32>
    %add3A_30 = arith.constant 1.000000e+00 : f32
    %add3A_31 = vector.broadcast %add3A_30 : f32 to vector<10000x1xf32>
    %add3A_32 = arith.addf %broadcast_in_dim3A, %add3A_31 : vector<10000x1xf32>
    %rsqrt3A_33 = math.rsqrt %add3A_32 : vector<10000x1xf32>
    %get3A_34 = arith.constant 0 : index
    %get3A_35 = arith.constant 0 : index
    %get3A_36 = vector.load %arg2[%get3A_34, %get3A_35] : memref<10000x128xf32, #tpu.memory_space<vmem>>, vector<10000x128xf32>
    %get3A_37 = arith.constant 0 : index
    %get3A_38 = arith.constant 0 : index
    %get3A_39 = vector.load %arg3[%get3A_37, %get3A_38] : memref<128x64xf32, #tpu.memory_space<vmem>>, vector<128x64xf32>
    %dot_general3A = arith.constant dense<0.000000e+00> : vector<10000x64xf32>
    %dot_general3A_40 = tpu.matmul %get3A_36, %get3A_39, %dot_general3A {dimension_numbers = #tpu.dot_dimension_numbers<[1], [0], [0], [1], [0, 0, 1, 1], [], []>, transpose_lhs_hint = false} : vector<10000x128xf32>, vector<128x64xf32>, vector<10000x64xf32> -> vector<10000x64xf32>
    %mul3A_41 = vector.broadcast %rsqrt3A_33 : vector<10000x1xf32> to vector<10000x64xf32>
    %mul3A_42 = arith.mulf %dot_general3A_40, %mul3A_41 : vector<10000x64xf32>
    %swap3A_43 = arith.constant 0 : index
    %swap3A_44 = arith.constant 0 : index
    %swap3A_45 = vector.load %arg5[%swap3A_43, %swap3A_44] : memref<10000x64xf32, #tpu.memory_space<vmem>>, vector<10000x64xf32>
    tpu.vector_store %arg5[%swap3A_43, %swap3A_44], %mul3A_42 {strides = array<i32>} : memref<10000x64xf32, #tpu.memory_space<vmem>>, vector<10000x64xf32>,
    return
  }
}

module attributes {stable_mosaic.version = 14 : i64} {
  func.func @_tcmid_body(%arg0: memref<10000x128xf32, #tpu.memory_space<vmem>>, %arg1: memref<5000x128xf32, #tpu.memory_space<vmem>>, %arg2: memref<1x128xf32, #tpu.memory_space<vmem>>, %arg3: memref<128x128xf32, #tpu.memory_space<vmem>>, %arg4: memref<5000x128xf32, #tpu.memory_space<vmem>>) attributes {dimension_semantics = [], scalar_prefetch = 0 : i64, scratch_operands = 0 : i64, tpu.core_type = #tpu.core_type<tc>} {
    %get3A = arith.constant 0 : index
    %get3A_0 = arith.constant 0 : index
    %get3A_1 = vector.load %arg1[%get3A, %get3A_0] : memref<5000x128xf32, #tpu.memory_space<vmem>>, vector<5000x128xf32>
    %get3A_2 = arith.constant 0 : index
    %get3A_3 = arith.constant 0 : index
    %get3A_4 = vector.load %arg0[%get3A_2, %get3A_3] : memref<10000x128xf32, #tpu.memory_space<vmem>>, vector<5000x128xf32>
    %get3A_5 = arith.constant 5000 : index
    %get3A_6 = arith.constant 0 : index
    %get3A_7 = vector.load %arg0[%get3A_5, %get3A_6] : memref<10000x128xf32, #tpu.memory_space<vmem>>, vector<5000x128xf32>
    %add3A = arith.addf %get3A_4, %get3A_7 : vector<5000x128xf32>
    %mul3A = arith.mulf %add3A, %get3A_1 : vector<5000x128xf32>
    %get3A_8 = arith.constant 0 : index
    %get3A_9 = arith.constant 0 : index
    %get3A_10 = vector.load %arg2[%get3A_8, %get3A_9] : memref<1x128xf32, #tpu.memory_space<vmem>>, vector<1x128xf32>
    %add3A_11 = vector.broadcast %get3A_10 : vector<1x128xf32> to vector<5000x128xf32>
    %add3A_12 = arith.addf %mul3A, %add3A_11 : vector<5000x128xf32>
    %max3A = arith.constant 0.000000e+00 : f32
    %max3A_13 = vector.broadcast %max3A : f32 to vector<5000x128xf32>
    %max3A_14 = arith.maximumf %add3A_12, %max3A_13 : vector<5000x128xf32>
    %get3A_15 = arith.constant 0 : index
    %get3A_16 = arith.constant 0 : index
    %get3A_17 = vector.load %arg3[%get3A_15, %get3A_16] : memref<128x128xf32, #tpu.memory_space<vmem>>, vector<128x128xf32>
    %dot_general3A = arith.constant dense<0.000000e+00> : vector<5000x128xf32>
    %dot_general3A_18 = tpu.matmul %max3A_14, %get3A_17, %dot_general3A {dimension_numbers = #tpu.dot_dimension_numbers<[1], [0], [0], [1], [0, 0, 1, 1], [], []>, transpose_lhs_hint = false} : vector<5000x128xf32>, vector<128x128xf32>, vector<5000x128xf32> -> vector<5000x128xf32>
    %mul3A_19 = arith.mulf %dot_general3A_18, %get3A_1 : vector<5000x128xf32>
    %swap3A = arith.constant 0 : index
    %swap3A_20 = arith.constant 0 : index
    %swap3A_21 = vector.load %arg4[%swap3A, %swap3A_20] : memref<5000x128xf32, #tpu.memory_space<vmem>>, vector<5000x128xf32>
    tpu.vector_store %arg4[%swap3A, %swap3A_20], %mul3A_19 {strides = array<i32>} : memref<5000x128xf32, #tpu.memory_space<vmem>>, vector<5000x128xf32>,
    return
  }
}

module attributes {stable_mosaic.version = 14 : i64} {
  func.func @_tc4_body(%arg0: memref<10000x128xf32, #tpu.memory_space<vmem>>, %arg1: memref<5000x128xf32, #tpu.memory_space<vmem>>, %arg2: memref<1x128xf32, #tpu.memory_space<vmem>>, %arg3: memref<128x2xf32, #tpu.memory_space<vmem>>, %arg4: memref<1x1xf32, #tpu.memory_space<vmem>>, %arg5: memref<5000x1xi32, #tpu.memory_space<vmem>>, %arg6: memref<5000x1xi32, #tpu.memory_space<vmem>>, %arg7: memref<128x1xf32, #tpu.memory_space<vmem>>) attributes {dimension_semantics = [], scalar_prefetch = 0 : i64, scratch_operands = 0 : i64, tpu.core_type = #tpu.core_type<tc>} {
    %get3A = arith.constant 0 : index
    %get3A_0 = arith.constant 0 : index
    %get3A_1 = vector.load %arg0[%get3A, %get3A_0] : memref<10000x128xf32, #tpu.memory_space<vmem>>, vector<5000x128xf32>
    %get3A_2 = arith.constant 5000 : index
    %get3A_3 = arith.constant 0 : index
    %get3A_4 = vector.load %arg0[%get3A_2, %get3A_3] : memref<10000x128xf32, #tpu.memory_space<vmem>>, vector<5000x128xf32>
    %add3A = arith.addf %get3A_1, %get3A_4 : vector<5000x128xf32>
    %get3A_5 = arith.constant 0 : index
    %get3A_6 = arith.constant 0 : index
    %get3A_7 = vector.load %arg1[%get3A_5, %get3A_6] : memref<5000x128xf32, #tpu.memory_space<vmem>>, vector<5000x128xf32>
    %mul3A = arith.mulf %add3A, %get3A_7 : vector<5000x128xf32>
    %get3A_8 = arith.constant 0 : index
    %get3A_9 = arith.constant 0 : index
    %get3A_10 = vector.load %arg2[%get3A_8, %get3A_9] : memref<1x128xf32, #tpu.memory_space<vmem>>, vector<1x128xf32>
    %add3A_11 = vector.broadcast %get3A_10 : vector<1x128xf32> to vector<5000x128xf32>
    %add3A_12 = arith.addf %mul3A, %add3A_11 : vector<5000x128xf32>
    %get3A_13 = arith.constant 0 : index
    %get3A_14 = arith.constant 0 : index
    %get3A_15 = vector.load %arg3[%get3A_13, %get3A_14] : memref<128x2xf32, #tpu.memory_space<vmem>>, vector<128x2xf32>
    %dot_general3A = arith.constant dense<0.000000e+00> : vector<5000x2xf32>
    %dot_general3A_16 = tpu.matmul %add3A_12, %get3A_15, %dot_general3A {dimension_numbers = #tpu.dot_dimension_numbers<[1], [0], [0], [1], [0, 0, 1, 1], [], []>, transpose_lhs_hint = false} : vector<5000x128xf32>, vector<128x2xf32>, vector<5000x2xf32> -> vector<5000x2xf32>
    %iota3A = tpu.iota {dimensions = array<i32: 1>} : vector<5000x128xi32>
    %get3A_17 = arith.constant 0 : index
    %get3A_18 = arith.constant 0 : index
    %get3A_19 = vector.load %arg5[%get3A_17, %get3A_18] : memref<5000x1xi32, #tpu.memory_space<vmem>>, vector<5000x1xi32>
    %eq3A = vector.broadcast %get3A_19 : vector<5000x1xi32> to vector<5000x128xi32>
    %eq3A_20 = arith.cmpi eq, %eq3A, %iota3A : vector<5000x128xi32>
    %convert_element_type3A = arith.extui %eq3A_20 : vector<5000x128xi1> to vector<5000x128xi32>
    %convert_element_type3A_21 = arith.sitofp %convert_element_type3A : vector<5000x128xi32> to vector<5000x128xf32>
    %get3A_22 = arith.constant 0 : index
    %get3A_23 = arith.constant 0 : index
    %get3A_24 = vector.load %arg6[%get3A_22, %get3A_23] : memref<5000x1xi32, #tpu.memory_space<vmem>>, vector<5000x1xi32>
    %eq3A_25 = vector.broadcast %get3A_24 : vector<5000x1xi32> to vector<5000x128xi32>
    %eq3A_26 = arith.cmpi eq, %eq3A_25, %iota3A : vector<5000x128xi32>
    %convert_element_type3A_27 = arith.extui %eq3A_26 : vector<5000x128xi1> to vector<5000x128xi32>
    %convert_element_type3A_28 = arith.sitofp %convert_element_type3A_27 : vector<5000x128xi32> to vector<5000x128xf32>
    %slice3A = vector.extract_strided_slice %dot_general3A_16 {offsets = [0, 0], sizes = [5000, 1], strides = [1, 1]} : vector<5000x2xf32> to vector<5000x1xf32>
    %dot_general3A_29 = arith.constant dense<0.000000e+00> : vector<128x1xf32>
    %dot_general3A_30 = tpu.matmul %convert_element_type3A_21, %slice3A, %dot_general3A_29 {dimension_numbers = #tpu.dot_dimension_numbers<[0], [0], [1], [1], [0, 1, 1, 1], [], []>, precision = #tpu.contract_precision<fp32>, transpose_lhs_hint = false} : vector<5000x128xf32>, vector<5000x1xf32>, vector<128x1xf32> -> vector<128x1xf32>
    %slice3A_31 = vector.extract_strided_slice %dot_general3A_16 {offsets = [0, 1], sizes = [5000, 1], strides = [1, 1]} : vector<5000x2xf32> to vector<5000x1xf32>
    %dot_general3A_32 = arith.constant dense<0.000000e+00> : vector<128x1xf32>
    %dot_general3A_33 = tpu.matmul %convert_element_type3A_28, %slice3A_31, %dot_general3A_32 {dimension_numbers = #tpu.dot_dimension_numbers<[0], [0], [1], [1], [0, 1, 1, 1], [], []>, precision = #tpu.contract_precision<fp32>, transpose_lhs_hint = false} : vector<5000x128xf32>, vector<5000x1xf32>, vector<128x1xf32> -> vector<128x1xf32>
    %add3A_34 = arith.addf %dot_general3A_30, %dot_general3A_33 : vector<128x1xf32>
    %broadcast_in_dim3A = arith.constant 1.000000e+00 : f32
    %broadcast_in_dim3A_35 = vector.broadcast %broadcast_in_dim3A : f32 to vector<5000x1xf32>
    %dot_general3A_36 = arith.constant dense<0.000000e+00> : vector<128x1xf32>
    %dot_general3A_37 = tpu.matmul %convert_element_type3A_21, %broadcast_in_dim3A_35, %dot_general3A_36 {dimension_numbers = #tpu.dot_dimension_numbers<[0], [0], [1], [1], [0, 1, 1, 1], [], []>, transpose_lhs_hint = false} : vector<5000x128xf32>, vector<5000x1xf32>, vector<128x1xf32> -> vector<128x1xf32>
    %dot_general3A_38 = arith.constant dense<0.000000e+00> : vector<128x1xf32>
    %dot_general3A_39 = tpu.matmul %convert_element_type3A_28, %broadcast_in_dim3A_35, %dot_general3A_38 {dimension_numbers = #tpu.dot_dimension_numbers<[0], [0], [1], [1], [0, 1, 1, 1], [], []>, transpose_lhs_hint = false} : vector<5000x128xf32>, vector<5000x1xf32>, vector<128x1xf32> -> vector<128x1xf32>
    %add3A_40 = arith.addf %dot_general3A_37, %dot_general3A_39 : vector<128x1xf32>
    %max3A = arith.constant 1.000000e+00 : f32
    %max3A_41 = vector.broadcast %max3A : f32 to vector<128x1xf32>
    %max3A_42 = arith.maximumf %add3A_40, %max3A_41 : vector<128x1xf32>
    %div3A = arith.divf %add3A_34, %max3A_42 : vector<128x1xf32>
    %get3A_43 = arith.constant 0 : index
    %get3A_44 = arith.constant 0 : index
    %get3A_45 = vector.load %arg4[%get3A_43, %get3A_44] : memref<1x1xf32, #tpu.memory_space<vmem>>, vector<1x1xf32>
    %add3A_46 = vector.broadcast %get3A_45 : vector<1x1xf32> to vector<128x1xf32>
    %add3A_47 = arith.addf %div3A, %add3A_46 : vector<128x1xf32>
    %swap3A = arith.constant 0 : index
    %swap3A_48 = arith.constant 0 : index
    %swap3A_49 = vector.load %arg7[%swap3A, %swap3A_48] : memref<128x1xf32, #tpu.memory_space<vmem>>, vector<128x1xf32>
    tpu.vector_store %arg7[%swap3A, %swap3A_48], %add3A_47 {strides = array<i32>} : memref<128x1xf32, #tpu.memory_space<vmem>>, vector<128x1xf32>,
    return
  }
}

</mosaic_0001>

<sc_bundles>
// kernel: kernel.10.cloned.1.call-start
scs
__scs_entry_jumppad:
0x0: {  	(pc) =	sbr.rel $0x88, $3  }
0x1: {  	(tag) =	ssettag $0x0;
	lr =	simm.s32 $0x1  }
0x2: {  	[smem:$0x3F96] =	sst lr;
	_ =	strace $0xD0000000  }
0x3: {  	_ = 	snop  }
0x4: {  	_ = 	snop  }
0x5: {  	_ = 	snop  }
0x6: {  	_ = 	snop  }
0x7: {  	_ = 	snop  }
__scs_overlays_trampoline_lowered:
0x8: {  	[smem:$0x3FA5] =	sst s0  }
0x9: {  	[smem:$0x3FA6] =	sst s1  }
0xa: {  	[smem:$0x3FA7] =	sst s2  }
0xb: {  	[smem:$0x3FA8] =	sst s3  }
0xc: {  	[smem:$0x3FA9] =	sst s4  }
0xd: {  	[smem:$0x3FAA] =	sst s5  }
0xe: {  	[smem:$0x3FAB] =	sst s6  }
0xf: {  	[smem:$0x3FAC] =	sst s7  }
0x10: {  	[smem:$0x3FAD] =	sst s8  }
0x11: {  	[smem:$0x3FAE] =	sst s9;
	s0 =	simm.s32 @!p0 $0x0  }
0x12: {  	s1 =	sld [smem:$0x3F94];
	s0 =	simm.s32 @p0 $0x1  }
0x13: {  	[smem:$0x3FAF] =	sst s0;
	s0 =	simm.s32 @!p1 $0x0  }
0x14: {  	s2 =	sld [smem:$0x3F93];
	s0 =	simm.s32 @p1 $0x1  }
0x15: {  	[smem:$0x3FB0] =	sst s0;
	s0 =	simm.s32 @!p2 $0x0  }
0x16: {  	s3 =	sld [smem:$0x3FDB];
	s0 =	simm.s32 @p2 $0x1  }
0x17: {  	s4 =	simm.s32 $0x1BF5;
	[smem:$0x3FB2] =	sst s0  }
0x18: {  	s0 =	sld [smem:$0x3F95];
	_ =	swait.ge [sflag:s4], $0x0  }
0x19: {  	s7 =	sld [smem:$0x3F96]  }
0x1a: {  	s8 =	sadd.s32 $0xFFFFE003, lr  }
0x1b: {  	s9 =	sadd.s32 $0xFFFFFEF7, lr;
	s5 =	simm.s32 $0xFFFFFFFF;
	p2 =	slt.u32 s8, $0xFFFFF086  }
0x1c: {  	p1 =	slt.u32 s9, $0xF7A;
	s5 =	simm.s32 @!p2 $0x0  }
0x1d: {  	s5 =	simm.s32 @p1 $0x1;
	p0 =	seq.s32 s7, s2  }
0x1e: {  	s7 =	smul.u32 @!p0 $0xF7A, s2;
	p2 =	seq.s32 @!p0 s5, $0x0  }
0x1f: {  	s9 =	smul.u32 $0xF7A, s1;
	s8 =	simm.s32 @!p0 $0x1BF5;
	p2 =	por !p2, p0  }
0x20: {  	[sflag:s8] =	ssyncset.s32 @!p0 $0xFFFFF086;
	s6 =	sadd.s32 @!p0 s3, s7;
	s7 =	simm.s32 @!p0 $0x108  }
0x21: {  	s3 =	sadd.s32 s3, s9;
	s6 =	sadd.s32 @!p0 $0x88, s6;
	s7 =	simm.s32 @p2 $0x1082  }
0x22: {  	[simem:s7], [sflag:s8] =	dma.local @!p0 [hbm:s6], $0xF7A  }
0x23: {  	s9 =	sor.u32 $0xD0000000, s2;
	s6 =	simm.s32 $0x108;
	_ =	swait.ge @!p0 [sflag:s8], $0x0  }
0x24: {  	s3 =	sadd.s32 $0x88, s3;
	s6 =	simm.s32 @!p1 $0x1082;
	[sflag:s4] =	ssyncset.s32 $0xFFFFF086  }
0x25: {  	[simem:s6], [sflag:s4] =	dma.local [hbm:s3], $0xF7A  }
0x26: {  	[smem:$0x3F96] =	sst s1;
	(tag) =	ssettag s2;
	_ =	strace s9  }
0x27: {  	s1 =	sld [smem:$0x3FA6]  }
0x28: {  	s2 =	sld [smem:$0x3FA7]  }
0x29: {  	s4 =	sld [smem:$0x3FA9]  }
0x2a: {  	p0 =	seq.s32 s5, $0x0;
	s5 =	sld [smem:$0x3FAA]  }
0x2b: {  	s6 =	sld [smem:$0x3FAB]  }
0x2c: {  	s7 =	sld [smem:$0x3FAC]  }
0x2d: {  	s3 =	simm.s32 $0x108;
	s8 =	sld [smem:$0x3FAD]  }
0x2e: {  	s3 =	simm.s32 @!p0 $0x1082;
	s9 =	sld [smem:$0x3FAE]  }
0x2f: {  	lr =	sadd.s32 s0, s3;
	s0 =	sld [smem:$0x3FA5]  }
0x30: {  	s3 =	sld [smem:$0x3FA8]  }
0x31: {  	[smem:$0x3FB1] =	sst s10  }
0x32: {  	s10 =	sld [smem:$0x3FAF];
	_ =	sdelay $0x3  }
0x33: {  	p0 =	seq.s32 s10, $0x1;
	s10 =	sld [smem:$0x3FB1];
	_ =	sdelay $0x3  }
0x34: {  	[smem:$0x3FB1] =	sst s10  }
0x35: {  	s10 =	sld [smem:$0x3FB0];
	_ =	sdelay $0x3  }
0x36: {  	p1 =	seq.s32 s10, $0x1;
	s10 =	sld [smem:$0x3FB1];
	_ =	sdelay $0x3  }
0x37: {  	[smem:$0x3FB1] =	sst s10  }
0x38: {  	s10 =	sld [smem:$0x3FB2]  }
0x39: {  	_ = 	snop;
	(pc) =	sbr.ind lr, $3  }
0x3a: {  	_ = 	snop  }
0x3b: {  	_ = 	snop  }
0x3c: {  	p2 =	seq.s32 s10, $0x1;
	s10 =	sld [smem:$0x3FB1]  }
0x3d: {  	_ =	shalt  }
0x3e: {  	_ =	shalt  }
0x3f: {  	_ =	shalt  }
0x40: {  	_ =	shalt  }
0x41: {  	_ =	shalt  }
0x42: {  	_ =	shalt  }
0x43: {  	_ =	shalt  }
0x44: {  	_ =	shalt  }
0x45: {  	_ =	shalt  }
0x46: {  	_ =	shalt  }
0x47: {  	_ =	shalt  }
0x48: {  	_ =	shalt  }
0x49: {  	_ =	shalt  }
0x4a: {  	_ =	shalt  }
0x4b: {  	_ =	shalt  }
0x4c: {  	_ =	shalt  }
0x4d: {  	_ =	shalt  }
0x4e: {  	_ =	shalt  }
0x4f: {  	_ =	shalt  }
0x50: {  	_ =	shalt  }
0x51: {  	_ =	shalt  }
0x52: {  	_ =	shalt  }
0x53: {  	_ =	shalt  }
0x54: {  	_ =	shalt  }
0x55: {  	_ =	shalt  }
0x56: {  	_ =	shalt  }
0x57: {  	_ =	shalt  }
0x58: {  	_ =	shalt  }
0x59: {  	_ =	shalt  }
0x5a: {  	_ =	shalt  }
0x5b: {  	_ =	shalt  }
0x5c: {  	_ =	shalt  }
0x5d: {  	_ =	shalt  }
0x5e: {  	_ =	shalt  }
0x5f: {  	_ =	shalt  }
0x60: {  	_ =	shalt  }
0x61: {  	_ =	shalt  }
0x62: {  	_ =	shalt  }
0x63: {  	_ =	shalt  }
0x64: {  	_ =	shalt  }
0x65: {  	_ =	shalt  }
0x66: {  	_ =	shalt  }
0x67: {  	_ =	shalt  }
0x68: {  	_ =	shalt  }
0x69: {  	_ =	shalt  }
0x6a: {  	_ =	shalt  }
0x6b: {  	_ =	shalt  }
0x6c: {  	_ =	shalt  }
0x6d: {  	_ =	shalt  }
0x6e: {  	_ =	shalt  }
0x6f: {  	_ =	shalt  }
0x70: {  	_ =	shalt  }
0x71: {  	_ =	shalt  }
0x72: {  	_ =	shalt  }
0x73: {  	_ =	shalt  }
0x74: {  	_ =	shalt  }
0x75: {  	_ =	shalt  }
0x76: {  	_ =	shalt  }
0x77: {  	_ =	shalt  }
0x78: {  	_ =	shalt  }
0x79: {  	_ =	shalt  }
0x7a: {  	_ =	shalt  }
0x7b: {  	_ =	shalt  }
0x7c: {  	_ =	shalt  }
0x7d: {  	_ =	shalt  }
0x7e: {  	_ =	shalt  }
0x7f: {  	_ =	shalt  }
0x80: {  	_ =	shalt  }
0x81: {  	_ =	shalt  }
0x82: {  	_ =	shalt  }
0x83: {  	_ =	shalt  }
0x84: {  	_ =	shalt  }
0x85: {  	_ =	shalt  }
0x86: {  	_ =	shalt  }
0x87: {  	_ =	shalt  }
.Lfunc_end0:
.L_simem_size_0:
called_computation_lowered:
.L_overlay_start_0:
0x88: {  	s2 =	sld [smem:$0x3FD9]  }
0x89: {  	s3 =	sld [smem:$0x3FFE];
	_ =	sdelay $0x1  }
0x8a: {  	s1 =	srdreg.scid  }
0x8b: {  	s0 =	sand.u32 $0x1, s1  }
0x8c: {  	s16 =	sshll.u32 s0, $0xA;
	s2 =	sadd.s32 s3, s2  }
0x8d: {  	s2 =	sadd.s32 s2, s16  }
0x8e: {  	[smem:$0x3FBD] =	sst s2  }
0x8f: {  	_ = 	snop  }
0x90: {  	(tm) =	ssettm $0x1  }
0x91: {  	s17 =	sld [smem:$0x3FFB];
	_ =	sdelay $0x3  }
0x92: {  	_ =	strace s17  }
0x93: {  	s2 =	sld [smem:$0x3FFC];
	_ =	sdelay $0x3  }
0x94: {  	_ =	strace s2  }
0x95: {  	s2 =	sld [smem:$0x3FFD];
	_ =	sdelay $0x3  }
0x96: {  	_ =	strace s2  }
0x97: {  	_ =	strace $0x8FFFFFFF  }
0x98: {  	s18 =	sld [smem:$0x3FDB];
	_ =	sdelay $0x1  }
0x99: {  	s19 =	simm.s32 $_scs_section_size  }
0x9a: {  	s4 =	simm.s32 $_size__tile_overlayer_lowered;
	s5 =	simm.s32 $_tile_overlayer_lowered  }
0x9b: {  	s22 =	simm.s32 $0x1BFF;
	s21 =	sshll.u32 s5, $0x1;
	s2 =	sadd.s32 s19, s18  }
0x9c: {  	s6 =	simm.s32 $0x0;
	s20 =	sshll.u32 s4, $0x1;
	s4 =	sadd.s32 s21, s2  }
0x9d: {  	[timem:s6], [sflag:s22] =	dma.local [hbm:s4], s20  }
0x9e: {  	_ =	swait.ge [sflag:s22], s20  }
0x9f: {  	s3 =	ssub.s32 $0x0, s20;
	[sflag:s22] =	ssyncset.done $0x0  }
0xa0: {  	[sflag:s22] =	ssyncadd.s32 s3;
	_ =	sdelay $0x1  }
0xa1: {  	s23 =	simm.s32 $0x1B8B  }
0xa2: {  	_ =	swait.ge [sflag:s23], $0x1  }
0xa3: {  	[sflag:s23] =	ssyncset.done $0x0  }
0xa4: {  	s25 =	simm.s32 $0x1B8E;
	s24 =	sld [smem:$0x3FFE];
	[sflag:s23] =	ssyncadd.s32 $0xFFFFFFFF  }
0xa5: {  	s26 =	simm.s32 $execute0_lowered;
	[smem:$0x3FD2] =	sst s25  }
0xa6: {  	s4 =	sshll.u32 s26, $0x1;
	_ =	strace $0x80000046;
	[dreg:$0x1] =	wrdreg $0xFFFFFFFF  }
0xa7: {  	s28 =	simm.s32 $_size_execute0_lowered;
	s2 =	sadd.s32 s2, s4;
	[dreg:$0x0] =	wrdreg $0x0  }
0xa8: {  	s4 =	sshll.u32 s28, $0x1;
	[dreg:$0x2] =	wrdreg s2  }
0xa9: {  	[dreg:$0x3] =	wrdreg s4  }
0xaa: {  	[dreg:$0x4] =	wrdreg $0xC0  }
0xab: {  	_ =	task [dreg:s6], $0x5FFFF  }
0xac: {  	[dreg:$0x1] =	wrdreg $0xFFFFFFFF  }
0xad: {  	[dreg:$0x0] =	wrdreg $0x60  }
0xae: {  	[dreg:$0x2] =	wrdreg s24  }
0xaf: {  	[dreg:$0x3] =	wrdreg $0x0  }
0xb0: {  	[dreg:$0x4] =	wrdreg $0x9  }
0xb1: {  	_ =	task.clear_ibuf [dreg:s6], $0x5FFFF;
	_ =	strace $0x90000046  }
0xb2: {  	s29 =	simm.s32 $0x9;
	_ =	strace $0x80000048  }
0xb3: {  	_ =	swait.ge [sflag:s29], $0x1  }
0xb4: {  	[sflag:s29] =	ssyncadd.s32 $0xFFFFFFFF  }
0xb5: {  	_ =	strace $0x90000048  }
0xb6: {  	_ =	sfence  }
0xb7: {  	s30 =	sld [smem:$0x0];
	_ =	sdelay $0x2  }
0xb8: {  	s31 =	sshll.u32 s1, $0xD;
	s1 =	sshrl.u32 s1, $0x2  }
0xb9: {  	s3 =	sand.u32 $0x4000, s31;
	s1 =	sadd.s32 s1, s30  }
0xba: {  	s0 =	sor.u32 s3, s0;
	s1 =	sshll.u32 s1, $0x11  }
0xbb: {  	s0 =	sor.u32 s1, s0  }
0xbc: {  	s0 =	sadd.s32 $0x8F2B, s0  }
0xbd: {  	[sflag:s0] =	ssyncadd.remote.s32 $0x1  }
0xbe: {  	_ =	sfence.sel $0xFFFF  }
0xbf: {  	[dreg:$0x0] =	wrdreg $0xFFFFFFFF;
	(pc) =	sbr.abs _section_cstart, $3  }
0xc0: {  	[dreg:$0x1] =	wrdreg $0xFFFFFFFF  }
0xc1: {  	_ =	task.clear_ibuf [dreg:s6], $0x2FFFF;
	_ =	strace $0x9FFFFFFF  }
0xc2: {  	(tm) =	ssettm $0x7FFFFFFF  }
0xc3: {  	_ =	shalt  }
tec
execute0_lowered:
.L_overlay_start_1:
0x0: {  	(tag) =	ssettag $0x1  }
0x1: {  	s1 =	srdreg.scid  }
0x2: {  	s0 =	stileid.u32;
	s5 =	rddreg [dreg:$0x0]  }
0x3: {  	s2 =	rddreg [dreg:$0x1];
	s3 =	simm.s32 $0x0;
	s12 =	simm.s32 $0xA0  }
0x4: {  	s13 =	simm.s32 $0x2A80;
	s14 =	simm.s32 $0x0;
	s4 =	sand.u32 $0x1, s1  }
0x5: {  	s30 =	sshll.u32 s0, $0x1;
	s7 =	smul.u32 $0x280, s0;
	[smem:$0x7FF] =	sst s3  }
0x6: {  	s31 =	sshll.u32 s0, $0x6;
	s1 =	sor.u32 s4, s30;
	s8 =	smul.u32 $0x2800, s4  }
0x7: {  	s4 =	ssub.s32 $0x2, s4;
	s6 =	smul.u32 $0x500, s1;
	s1 =	rddreg [dreg:$0x2]  }
0x8: {  	_ =	strace $0x80000047;
	s9 =	sshrl.u32 s7, $0x3;
	s10 =	sshrl.u32 s4, $0x1  }
0x9: {  	s11 =	sadd.s32 s7, s2;
	s8 =	sadd.s32 s7, s8;
	s9 =	sadd.s32 s9, s5  }
0xa: {  	s10 =	ssub.s32 s4, s10;
	s6 =	sadd.s32 s6, s5;
	s8 =	sshrl.u32 s8, $0x3  }
0xb: {  	s4 =	sadd.s32 $0xCC00, s9;
	s9 =	sshrl.u32 s11, $0x3;
	s11 =	simm.s32 $0x280  }
0xc: {  	s8 =	sadd.s32 s8, s5;
	s5 =	sor.u32 $0x1C01, s31;
	s6 =	sadd.s32 $0x2C00, s6  }
0xd: {  	v0 =	vimm.f32 $1.000000000e+00;
	s7 =	sadd.s32 $0xD200, s8;
	s8 =	smax.u32 s10, $0x1;
	s10 =	simm.s32 $0x1  }
.LBB2_1:
0xe: {  	[spmem:s9], [sflag:s5] =	dma.local [hbm:s4], $0x50  }
0xf: {  	_ =	swait.ge [sflag:s10], $0x50  }
0x10: {  	[sflag:s10] =	ssyncset.done $0x0  }
0x11: {  	[sflag:s10] =	ssyncadd.s32 $0xFFFFFFB0  }
0x12: {  	[tilespmem:s11], [sflag:$0x1] =	stream.linear.gather [hbm4b:s6+s3], $0x2800, $0x38;
	[tilespmem:$0x2B20] =	vst v63  }
0x13: {  	_ =	swait.ge [sflag:s10], $0x2800  }
0x14: {  	[sflag:s10] =	ssyncset.done $0x0  }
0x15: {  	[sflag:s10] =	ssyncadd.s32 $0xFFFFD800  }
0x16: {  	[tilespmem:$0x2A80] =	vst v0  }
0x17: {  	[tilespmem:$0x2A90] =	vst v0  }
0x18: {  	[tilespmem:$0x2AA0] =	vst v0  }
0x19: {  	[tilespmem:$0x2AB0] =	vst v0  }
0x1a: {  	[tilespmem:$0x2AC0] =	vst v0  }
0x1b: {  	[tilespmem:$0x2AD0] =	vst v0  }
0x1c: {  	[tilespmem:$0x2AE0] =	vst v0  }
0x1d: {  	[tilespmem:$0x2AF0] =	vst v0  }
0x1e: {  	[tilespmem:$0x2B00] =	vst v0  }
0x1f: {  	[tilespmem:$0x2B10] =	vst v0  }
0x20: {  	s15 =	simm.s32 $0x280;
	[bflag:$0x0] =	sbarrier.arrive $0xFFFF  }
0x21: {  	[spmem:s2] =	stream.indirect.scatter.add.f32 [tilespmem:s13], [sflag:$0x1], $0x1, s15, s12, $0xb8;
	[tilespmem:$0x2B20] =	vst v63  }
0x22: {  	s15 =	simm.s32 $0x280;
	_ =	swait.ge [sflag:s10], $0xA0  }
.LBB2_2:
0x23: {  	s16 =	sshra.s32 s15, $0x2;
	[sflag:s10] =	ssyncset.done $0x0;
	p0 =	sne.s32 s15, $0x9D80  }
.Ltmp0:
0x24: {  	s16 =	sadd.s32 $0x280, s16;
	[sflag:s10] =	ssyncadd.s32 $0xFFFFFF60;
	(pc) =	sbr.rel @p0 .LBB2_2-.Ltmp0, $3  }
0x25: {  	[spmem:s2] =	stream.indirect.scatter.add.f32 [tilespmem:s13], [sflag:$0x1], $0x1, s16, s12, $0xb8;
	[tilespmem:$0x2B20] =	vst v63  }
0x26: {  	s15 =	sadd.s32 $0x280, s15;
	_ =	sdelay $0x1  }
0x27: {  	_ =	swait.ge [sflag:s10], $0xA0  }
0x28: {  	[sflag:s10] =	ssyncset.done $0x0;
	s14 =	sadd.s32 $0x1, s14  }
0x29: {  	[sflag:s10] =	ssyncadd.s32 $0xFFFFFF60;
	p0 =	sne.s32 s14, s8  }
.Ltmp1:
0x2a: {  	[bflag:$0x0] =	sbarrier.arrive $0xFFFF;
	(pc) =	sbr.rel @p0 .LBB2_1-.Ltmp1, $4  }
0x2b: {  	[hbm:s7], [sflag:s5] =	dma.local [spmem:s9], $0x50  }
0x2c: {  	_ =	swait.ge [sflag:s10], $0x50  }
0x2d: {  	[sflag:s10] =	ssyncset.done $0x0  }
0x2e: {  	[sflag:s10] =	ssyncadd.s32 $0xFFFFFFB0  }
0x2f: {  	_ =	sfence.sel $0x180000  }
0x30: {  	[bflag:$0x0] =	sbarrier.arrive $0xFFFF  }
0x31: {  	p0 =	sne.s32 s0, $0x0;
	_ =	strace $0x90000047  }
0x32: {  	s0 =	sadd.s32 @!p0 $0x100000, s1;
	[bflag:$0x2] =	sbarrier.arrive $0xFFFF  }
0x33: {  	[sflag:s0] =	ssyncadd.tile.s32 @!p0 $0x1;
	_ =	shalt  }
.Lfunc_end2:
_tile_overlayer_lowered:
.L_overlay_start_2:
0x34: {  	(tag) =	ssettag $0x2  }
0x35: {  	s0 =	rddreg [dreg:$0x0];
	s2 =	stileid.u32  }
0x36: {  	s1 =	rddreg [dreg:$0x1];
	p0 =	sne.s32 s2, $0x0  }
0x37: {  	s3 =	rddreg [dreg:$0x2];
	[bflag:$0x3] =	sbarrier.arrive $0xFFFF;
	s2 =	simm.s32 @!p0 $0x1C01  }
0x38: {  	[timem:s3], [sflag:s2] =	dma.local @!p0 [hbm:s0], s1  }
0x39: {  	s0 =	simm.s32 @!p0 $0x1  }
0x3a: {  	_ =	swait.ge @!p0 [sflag:s0], s1  }
0x3b: {  	s1 =	ssub.s32 @!p0 $0x0, s1;
	[sflag:s0] =	ssyncset.done @!p0 $0x0  }
0x3c: {  	[sflag:s0] =	ssyncadd.s32 @!p0 s1  }
0x3d: {  	[bflag:$0x3] =	sbarrier.arrive $0xFFFF  }
0x3e: {  	_ =	shalt  }

// kernel: kernel.13.cloned.1.call-start
scs
__scs_entry_jumppad:
0x0: {  	(pc) =	sbr.rel $0x88, $3  }
0x1: {  	(tag) =	ssettag $0x0;
	lr =	simm.s32 $0x1  }
0x2: {  	[smem:$0x3F96] =	sst lr;
	_ =	strace $0xD0000000  }
0x3: {  	_ = 	snop  }
0x4: {  	_ = 	snop  }
0x5: {  	_ = 	snop  }
0x6: {  	_ = 	snop  }
0x7: {  	_ = 	snop  }
__scs_overlays_trampoline_lowered:
0x8: {  	[smem:$0x3FA5] =	sst s0  }
0x9: {  	[smem:$0x3FA6] =	sst s1  }
0xa: {  	[smem:$0x3FA7] =	sst s2  }
0xb: {  	[smem:$0x3FA8] =	sst s3  }
0xc: {  	[smem:$0x3FA9] =	sst s4  }
0xd: {  	[smem:$0x3FAA] =	sst s5  }
0xe: {  	[smem:$0x3FAB] =	sst s6  }
0xf: {  	[smem:$0x3FAC] =	sst s7  }
0x10: {  	[smem:$0x3FAD] =	sst s8  }
0x11: {  	[smem:$0x3FAE] =	sst s9;
	s0 =	simm.s32 @!p0 $0x0  }
0x12: {  	s1 =	sld [smem:$0x3F94];
	s0 =	simm.s32 @p0 $0x1  }
0x13: {  	[smem:$0x3FAF] =	sst s0;
	s0 =	simm.s32 @!p1 $0x0  }
0x14: {  	s2 =	sld [smem:$0x3F93];
	s0 =	simm.s32 @p1 $0x1  }
0x15: {  	[smem:$0x3FB0] =	sst s0;
	s0 =	simm.s32 @!p2 $0x0  }
0x16: {  	s3 =	sld [smem:$0x3FDB];
	s0 =	simm.s32 @p2 $0x1  }
0x17: {  	s4 =	simm.s32 $0x1BF5;
	[smem:$0x3FB2] =	sst s0  }
0x18: {  	s0 =	sld [smem:$0x3F95];
	_ =	swait.ge [sflag:s4], $0x0  }
0x19: {  	s7 =	sld [smem:$0x3F96]  }
0x1a: {  	s8 =	sadd.s32 $0xFFFFE003, lr  }
0x1b: {  	s9 =	sadd.s32 $0xFFFFFEF7, lr;
	s5 =	simm.s32 $0xFFFFFFFF;
	p2 =	slt.u32 s8, $0xFFFFF086  }
0x1c: {  	p1 =	slt.u32 s9, $0xF7A;
	s5 =	simm.s32 @!p2 $0x0  }
0x1d: {  	s5 =	simm.s32 @p1 $0x1;
	p0 =	seq.s32 s7, s2  }
0x1e: {  	s7 =	smul.u32 @!p0 $0xF7A, s2;
	p2 =	seq.s32 @!p0 s5, $0x0  }
0x1f: {  	s9 =	smul.u32 $0xF7A, s1;
	s8 =	simm.s32 @!p0 $0x1BF5;
	p2 =	por !p2, p0  }
0x20: {  	[sflag:s8] =	ssyncset.s32 @!p0 $0xFFFFF086;
	s6 =	sadd.s32 @!p0 s3, s7;
	s7 =	simm.s32 @!p0 $0x108  }
0x21: {  	s3 =	sadd.s32 s3, s9;
	s6 =	sadd.s32 @!p0 $0x88, s6;
	s7 =	simm.s32 @p2 $0x1082  }
0x22: {  	[simem:s7], [sflag:s8] =	dma.local @!p0 [hbm:s6], $0xF7A  }
0x23: {  	s9 =	sor.u32 $0xD0000000, s2;
	s6 =	simm.s32 $0x108;
	_ =	swait.ge @!p0 [sflag:s8], $0x0  }
0x24: {  	s3 =	sadd.s32 $0x88, s3;
	s6 =	simm.s32 @!p1 $0x1082;
	[sflag:s4] =	ssyncset.s32 $0xFFFFF086  }
0x25: {  	[simem:s6], [sflag:s4] =	dma.local [hbm:s3], $0xF7A  }
0x26: {  	[smem:$0x3F96] =	sst s1;
	(tag) =	ssettag s2;
	_ =	strace s9  }
0x27: {  	s1 =	sld [smem:$0x3FA6]  }
0x28: {  	s2 =	sld [smem:$0x3FA7]  }
0x29: {  	s4 =	sld [smem:$0x3FA9]  }
0x2a: {  	p0 =	seq.s32 s5, $0x0;
	s5 =	sld [smem:$0x3FAA]  }
0x2b: {  	s6 =	sld [smem:$0x3FAB]  }
0x2c: {  	s7 =	sld [smem:$0x3FAC]  }
0x2d: {  	s3 =	simm.s32 $0x108;
	s8 =	sld [smem:$0x3FAD]  }
0x2e: {  	s3 =	simm.s32 @!p0 $0x1082;
	s9 =	sld [smem:$0x3FAE]  }
0x2f: {  	lr =	sadd.s32 s0, s3;
	s0 =	sld [smem:$0x3FA5]  }
0x30: {  	s3 =	sld [smem:$0x3FA8]  }
0x31: {  	[smem:$0x3FB1] =	sst s10  }
0x32: {  	s10 =	sld [smem:$0x3FAF];
	_ =	sdelay $0x3  }
0x33: {  	p0 =	seq.s32 s10, $0x1;
	s10 =	sld [smem:$0x3FB1];
	_ =	sdelay $0x3  }
0x34: {  	[smem:$0x3FB1] =	sst s10  }
0x35: {  	s10 =	sld [smem:$0x3FB0];
	_ =	sdelay $0x3  }
0x36: {  	p1 =	seq.s32 s10, $0x1;
	s10 =	sld [smem:$0x3FB1];
	_ =	sdelay $0x3  }
0x37: {  	[smem:$0x3FB1] =	sst s10  }
0x38: {  	s10 =	sld [smem:$0x3FB2]  }
0x39: {  	_ = 	snop;
	(pc) =	sbr.ind lr, $3  }
0x3a: {  	_ = 	snop  }
0x3b: {  	_ = 	snop  }
0x3c: {  	p2 =	seq.s32 s10, $0x1;
	s10 =	sld [smem:$0x3FB1]  }
0x3d: {  	_ =	shalt  }
0x3e: {  	_ =	shalt  }
0x3f: {  	_ =	shalt  }
0x40: {  	_ =	shalt  }
0x41: {  	_ =	shalt  }
0x42: {  	_ =	shalt  }
0x43: {  	_ =	shalt  }
0x44: {  	_ =	shalt  }
0x45: {  	_ =	shalt  }
0x46: {  	_ =	shalt  }
0x47: {  	_ =	shalt  }
0x48: {  	_ =	shalt  }
0x49: {  	_ =	shalt  }
0x4a: {  	_ =	shalt  }
0x4b: {  	_ =	shalt  }
0x4c: {  	_ =	shalt  }
0x4d: {  	_ =	shalt  }
0x4e: {  	_ =	shalt  }
0x4f: {  	_ =	shalt  }
0x50: {  	_ =	shalt  }
0x51: {  	_ =	shalt  }
0x52: {  	_ =	shalt  }
0x53: {  	_ =	shalt  }
0x54: {  	_ =	shalt  }
0x55: {  	_ =	shalt  }
0x56: {  	_ =	shalt  }
0x57: {  	_ =	shalt  }
0x58: {  	_ =	shalt  }
0x59: {  	_ =	shalt  }
0x5a: {  	_ =	shalt  }
0x5b: {  	_ =	shalt  }
0x5c: {  	_ =	shalt  }
0x5d: {  	_ =	shalt  }
0x5e: {  	_ =	shalt  }
0x5f: {  	_ =	shalt  }
0x60: {  	_ =	shalt  }
0x61: {  	_ =	shalt  }
0x62: {  	_ =	shalt  }
0x63: {  	_ =	shalt  }
0x64: {  	_ =	shalt  }
0x65: {  	_ =	shalt  }
0x66: {  	_ =	shalt  }
0x67: {  	_ =	shalt  }
0x68: {  	_ =	shalt  }
0x69: {  	_ =	shalt  }
0x6a: {  	_ =	shalt  }
0x6b: {  	_ =	shalt  }
0x6c: {  	_ =	shalt  }
0x6d: {  	_ =	shalt  }
0x6e: {  	_ =	shalt  }
0x6f: {  	_ =	shalt  }
0x70: {  	_ =	shalt  }
0x71: {  	_ =	shalt  }
0x72: {  	_ =	shalt  }
0x73: {  	_ =	shalt  }
0x74: {  	_ =	shalt  }
0x75: {  	_ =	shalt  }
0x76: {  	_ =	shalt  }
0x77: {  	_ =	shalt  }
0x78: {  	_ =	shalt  }
0x79: {  	_ =	shalt  }
0x7a: {  	_ =	shalt  }
0x7b: {  	_ =	shalt  }
0x7c: {  	_ =	shalt  }
0x7d: {  	_ =	shalt  }
0x7e: {  	_ =	shalt  }
0x7f: {  	_ =	shalt  }
0x80: {  	_ =	shalt  }
0x81: {  	_ =	shalt  }
0x82: {  	_ =	shalt  }
0x83: {  	_ =	shalt  }
0x84: {  	_ =	shalt  }
0x85: {  	_ =	shalt  }
0x86: {  	_ =	shalt  }
0x87: {  	_ =	shalt  }
.Lfunc_end0:
.L_simem_size_0:
called_computation.1_lowered:
.L_overlay_start_0:
0x88: {  	s2 =	sld [smem:$0x3FD9]  }
0x89: {  	s3 =	sld [smem:$0x3FFE];
	_ =	sdelay $0x1  }
0x8a: {  	s1 =	srdreg.scid  }
0x8b: {  	s0 =	sand.u32 $0x1, s1  }
0x8c: {  	s16 =	sshll.u32 s0, $0xA;
	s2 =	sadd.s32 s3, s2  }
0x8d: {  	s2 =	sadd.s32 s2, s16  }
0x8e: {  	[smem:$0x3FBD] =	sst s2  }
0x8f: {  	_ = 	snop  }
0x90: {  	(tm) =	ssettm $0x1  }
0x91: {  	s17 =	sld [smem:$0x3FFB];
	_ =	sdelay $0x3  }
0x92: {  	_ =	strace s17  }
0x93: {  	s2 =	sld [smem:$0x3FFC];
	_ =	sdelay $0x3  }
0x94: {  	_ =	strace s2  }
0x95: {  	s2 =	sld [smem:$0x3FFD];
	_ =	sdelay $0x3  }
0x96: {  	_ =	strace s2  }
0x97: {  	_ =	strace $0x8FFFFFFF  }
0x98: {  	s18 =	sld [smem:$0x3FDB];
	_ =	sdelay $0x1  }
0x99: {  	s19 =	simm.s32 $_scs_section_size  }
0x9a: {  	s4 =	simm.s32 $_size__tile_overlayer_lowered;
	s5 =	simm.s32 $_tile_overlayer_lowered  }
0x9b: {  	s22 =	simm.s32 $0x1BFF;
	s21 =	sshll.u32 s5, $0x1;
	s2 =	sadd.s32 s19, s18  }
0x9c: {  	s6 =	simm.s32 $0x0;
	s20 =	sshll.u32 s4, $0x1;
	s4 =	sadd.s32 s21, s2  }
0x9d: {  	[timem:s6], [sflag:s22] =	dma.local [hbm:s4], s20  }
0x9e: {  	_ =	swait.ge [sflag:s22], s20  }
0x9f: {  	s3 =	ssub.s32 $0x0, s20;
	[sflag:s22] =	ssyncset.done $0x0  }
0xa0: {  	[sflag:s22] =	ssyncadd.s32 s3;
	_ =	sdelay $0x1  }
0xa1: {  	s23 =	simm.s32 $0x1B8B  }
0xa2: {  	_ =	swait.ge [sflag:s23], $0x1  }
0xa3: {  	[sflag:s23] =	ssyncset.done $0x0  }
0xa4: {  	s25 =	simm.s32 $0x1B8E;
	s24 =	sld [smem:$0x3FFE];
	[sflag:s23] =	ssyncadd.s32 $0xFFFFFFFF  }
0xa5: {  	s26 =	simm.s32 $execute0_lowered;
	[smem:$0x3FD2] =	sst s25  }
0xa6: {  	s4 =	sshll.u32 s26, $0x1;
	_ =	strace $0x80000049;
	[dreg:$0x1] =	wrdreg $0xFFFFFFFF  }
0xa7: {  	s28 =	simm.s32 $_size_execute0_lowered;
	s2 =	sadd.s32 s2, s4;
	[dreg:$0x0] =	wrdreg $0x0  }
0xa8: {  	s4 =	sshll.u32 s28, $0x1;
	[dreg:$0x2] =	wrdreg s2  }
0xa9: {  	[dreg:$0x3] =	wrdreg s4  }
0xaa: {  	[dreg:$0x4] =	wrdreg $0xC0  }
0xab: {  	_ =	task [dreg:s6], $0x5FFFF  }
0xac: {  	[dreg:$0x1] =	wrdreg $0xFFFFFFFF  }
0xad: {  	[dreg:$0x0] =	wrdreg $0x60  }
0xae: {  	[dreg:$0x2] =	wrdreg s24  }
0xaf: {  	[dreg:$0x3] =	wrdreg $0x0  }
0xb0: {  	[dreg:$0x4] =	wrdreg $0x9C400  }
0xb1: {  	[dreg:$0x5] =	wrdreg $0x9  }
0xb2: {  	_ =	task.clear_ibuf [dreg:s6], $0x6FFFF;
	_ =	strace $0x90000049  }
0xb3: {  	s29 =	simm.s32 $0x9;
	_ =	strace $0x8000004B  }
0xb4: {  	_ =	swait.ge [sflag:s29], $0x1  }
0xb5: {  	[sflag:s29] =	ssyncadd.s32 $0xFFFFFFFF  }
0xb6: {  	_ =	strace $0x9000004B  }
0xb7: {  	_ =	sfence  }
0xb8: {  	s30 =	sld [smem:$0x0];
	_ =	sdelay $0x2  }
0xb9: {  	s31 =	sshll.u32 s1, $0xD;
	s1 =	sshrl.u32 s1, $0x2  }
0xba: {  	s3 =	sand.u32 $0x4000, s31;
	s1 =	sadd.s32 s1, s30  }
0xbb: {  	s0 =	sor.u32 s3, s0;
	s1 =	sshll.u32 s1, $0x11  }
0xbc: {  	s0 =	sor.u32 s1, s0  }
0xbd: {  	s0 =	sadd.s32 $0x8F2B, s0  }
0xbe: {  	[sflag:s0] =	ssyncadd.remote.s32 $0x1  }
0xbf: {  	_ =	sfence.sel $0xFFFF  }
0xc0: {  	[dreg:$0x0] =	wrdreg $0xFFFFFFFF;
	(pc) =	sbr.abs _section_cstart, $3  }
0xc1: {  	[dreg:$0x1] =	wrdreg $0xFFFFFFFF  }
0xc2: {  	_ =	task.clear_ibuf [dreg:s6], $0x2FFFF;
	_ =	strace $0x9FFFFFFF  }
0xc3: {  	(tm) =	ssettm $0x7FFFFFFF  }
tec
execute0_lowered:
.L_overlay_start_1:
0x0: {  	(tag) =	ssettag $0x1  }
0x1: {  	s0 =	rddreg [dreg:$0x0]  }
0x2: {  	s2 =	rddreg [dreg:$0x1]  }
0x3: {  	s3 =	rddreg [dreg:$0x2]  }
0x4: {  	s18 =	stileid.u32;
	s1 =	srdreg.scid  }
0x5: {  	s4 =	simm.s32 $0x0;
	s22 =	simm.s32 $0x13A40;
	s23 =	simm.s32 $0x3  }
0x6: {  	s25 =	simm.s32 $0xA0;
	s28 =	simm.s32 $0x1;
	s29 =	simm.s32 $0x1B240  }
0x7: {  	s30 =	simm.s32 $0x2;
	s24 =	simm.s32 $0x0;
	s1 =	sand.u32 $0x1, s1  }
0x8: {  	s5 =	sshll.u32 s18, $0x1;
	s12 =	smul.u32 $0xA000, s18;
	[smem:$0x7FF] =	sst s4  }
0x9: {  	s14 =	sadd.s32 $0x3F000, s0;
	s16 =	sadd.s32 $0x96000, s2;
	s9 =	sadd.s32 $0x96000, s3  }
0xa: {  	s10 =	sadd.s32 $0x3E200, s0;
	p0 =	seq.s32 s18, $0xF;
	s5 =	sor.u32 s1, s5  }
0xb: {  	s7 =	ssub.s32 $0x2, s1;
	p4 =	seq.s32 s1, $0x1;
	s1 =	smul.u32 $0x9C400, s1  }
0xc: {  	_ =	strace $0x8000004A;
	s16 =	sshrl.u32 @p0 s16, $0x3;
	s5 =	smul.u32 $0x500, s5  }
0xd: {  	s6 =	sshrl.u32 s12, $0x3;
	s26 =	sshrl.u32 s7, $0x1;
	s20 =	sadd.s32 s12, s2  }
0xe: {  	p1 =	por !p4, !p0;
	p2 =	por p4, !p0;
	p3 =	por !p4, p0  }
0xf: {  	p4 =	por p4, p0;
	s8 =	sadd.s32 s6, s0;
	s15 =	ssub.s32 s7, s26  }
0x10: {  	s6 =	sadd.s32 s12, s3;
	s31 =	sadd.s32 s12, s1;
	s1 =	sshrl.u32 s1, $0x3  }
0x11: {  	s17 =	sshrl.u32 @!p1 s9, $0x3;
	s20 =	sshrl.u32 @!p0 s20, $0x3;
	s26 =	simm.s32 $0x18A40  }
0x12: {  	s13 =	sadd.s32 s5, s0;
	s5 =	sadd.s32 $0x17C00, s8;
	s7 =	sadd.s32 $0x2B600, s8  }
0x13: {  	s8 =	sadd.s32 $0x2A800, s0;
	s0 =	sshrl.u32 s31, $0x3;
	s1 =	sadd.s32 s14, s1  }
0x14: {  	s15 =	smax.u32 s15, $0x1;
	s21 =	sshrl.u32 @!p3 s6, $0x3;
	s11 =	sadd.s32 $0xDC00, s13  }
0x15: {  	s12 =	sadd.s32 $0x2C00, s13;
	s13 =	sadd.s32 s14, s0;
	s0 =	sshll.u32 @!p0 s18, $0x6  }
0x16: {  	s14 =	sadd.s32 $0x12C00, s1;
	s18 =	sshrl.u32 @!p2 s9, $0x3;
	s19 =	sor.u32 @!p0 $0x1C03, s0  }
.LBB2_1:
0x17: {  	s31 =	simm.s32 @p0 $0x1FC3;
	s0 =	simm.s32 @p0 $0x3  }
0x18: {  	[spmem:s16], [sflag:s31] =	dma.local @p0 [hbm:s8], $0xC80  }
0x19: {  	_ =	swait.ge @p0 [sflag:s0], $0xC80  }
0x1a: {  	[sflag:s0] =	ssyncset.done @p0 $0x0  }
0x1b: {  	[sflag:s0] =	ssyncadd.s32 @p0 $0xFFFFF380;
	s0 =	simm.s32 @!p1 $0x3  }
0x1c: {  	[spmem:s17], [sflag:s31] =	dma.local @!p1 [hbm:s10], $0xC80  }
0x1d: {  	_ =	swait.ge @!p1 [sflag:s0], $0xC80  }
0x1e: {  	[sflag:s0] =	ssyncset.done @!p1 $0x0  }
0x1f: {  	[sflag:s0] =	ssyncadd.s32 @!p1 $0xFFFFF380;
	s0 =	simm.s32 @!p2 $0x3  }
0x20: {  	[spmem:s18], [sflag:s31] =	dma.local @!p2 [hbm:s8], $0xC80  }
0x21: {  	_ =	swait.ge @!p2 [sflag:s0], $0xC80  }
0x22: {  	[sflag:s0] =	ssyncset.done @!p2 $0x0  }
0x23: {  	[sflag:s0] =	ssyncadd.s32 @!p2 $0xFFFFF380;
	s0 =	simm.s32 @!p0 $0x3  }
0x24: {  	[spmem:s20], [sflag:s19] =	dma.local @!p0 [hbm:s5], $0x1400  }
0x25: {  	_ =	swait.ge @!p0 [sflag:s0], $0x1400  }
0x26: {  	[sflag:s0] =	ssyncset.done @!p0 $0x0  }
0x27: {  	[sflag:s0] =	ssyncadd.s32 @!p0 $0xFFFFEC00;
	s0 =	simm.s32 @!p3 $0x3  }
0x28: {  	[spmem:s21], [sflag:s19] =	dma.local @!p3 [hbm:s7], $0x1400  }
0x29: {  	_ =	swait.ge @!p3 [sflag:s0], $0x1400  }
0x2a: {  	[sflag:s0] =	ssyncset.done @!p3 $0x0  }
0x2b: {  	[sflag:s0] =	ssyncadd.s32 @!p3 $0xFFFFEC00;
	s0 =	sshrl.u32 @!p4 s6, $0x3  }
0x2c: {  	[spmem:s0], [sflag:s19] =	dma.local @!p4 [hbm:s5], $0x1400  }
0x2d: {  	s0 =	simm.s32 @!p4 $0x3  }
0x2e: {  	_ =	swait.ge @!p4 [sflag:s0], $0x1400  }
0x2f: {  	[sflag:s0] =	ssyncset.done @!p4 $0x0  }
0x30: {  	[sflag:s0] =	ssyncadd.s32 @!p4 $0xFFFFEC00  }
0x31: {  	[tilespmem:s22], [sflag:$0x3] =	stream.linear.gather [hbm4b:s11+s4], $0x2800, $0x38;
	[tilespmem:$0x1DA40] =	vst v63  }
0x32: {  	_ =	swait.ge [sflag:s23], $0x2800  }
0x33: {  	[sflag:s23] =	ssyncset.done $0x0  }
0x34: {  	s1 =	simm.s32 $0x16240;
	[sflag:s23] =	ssyncadd.s32 $0xFFFFD800  }
0x35: {  	[tilespmem:s1], [sflag:$0x3] =	stream.linear.gather [hbm4b:s12+s4], $0x2800, $0x38;
	[tilespmem:$0x1DA40] =	vst v63  }
0x36: {  	_ =	swait.ge [sflag:s23], $0x2800  }
0x37: {  	[sflag:s23] =	ssyncset.done $0x0  }
0x38: {  	[sflag:s23] =	ssyncadd.s32 $0xFFFFD800  }
0x39: {  	[bflag:$0x0] =	sbarrier.arrive $0xFFFF  }
0x3a: {  	[tilespmem:s26], [sflag:$0x1] =	stream.indirect.gather [spmem:s2], $0x40, s22, s25, $0xb8;
	[tilespmem:$0x1DA40] =	vst v63  }
0x3b: {  	_ =	swait.ge [sflag:s28], $0x2800  }
0x3c: {  	[sflag:s28] =	ssyncset.done $0x0  }
0x3d: {  	s1 =	simm.s32 $0x13AE0;
	[sflag:s28] =	ssyncadd.s32 $0xFFFFD800  }
0x3e: {  	[tilespmem:s29], [sflag:$0x2] =	stream.indirect.gather [spmem:s2], $0x40, s1, s25, $0xb8;
	[tilespmem:$0x1DA40] =	vst v63  }
0x3f: {  	s1 =	simm.s32 $0x16240  }
0x40: {  	[spmem:s3] =	stream.indirect.scatter.add.f32 [tilespmem:s26], [sflag:$0x3], $0x40, s1, s25, $0xb8;
	[tilespmem:$0x1DA40] =	vst v63  }
0x41: {  	_ =	swait.ge [sflag:s23], $0x2800  }
0x42: {  	[sflag:s23] =	ssyncset.done $0x0  }
0x43: {  	[sflag:s23] =	ssyncadd.s32 $0xFFFFD800  }
0x44: {  	_ =	swait.ge [sflag:s30], $0x2800  }
0x45: {  	[sflag:s30] =	ssyncset.done $0x0  }
0x46: {  	s1 =	simm.s32 $0x13B80;
	[sflag:s30] =	ssyncadd.s32 $0xFFFFD800  }
0x47: {  	[tilespmem:s26], [sflag:$0x1] =	stream.indirect.gather [spmem:s2], $0x40, s1, s25, $0xb8;
	[tilespmem:$0x1DA40] =	vst v63  }
0x48: {  	s1 =	simm.s32 $0x162E0  }
0x49: {  	[spmem:s3] =	stream.indirect.scatter.add.f32 [tilespmem:s29], [sflag:$0x3], $0x40, s1, s25, $0xb8;
	[tilespmem:$0x1DA40] =	vst v63  }
0x4a: {  	_ =	swait.ge [sflag:s23], $0x2800  }
0x4b: {  	s31 =	simm.s32 $0x500;
	[sflag:s23] =	ssyncset.done $0x0  }
.LBB2_2:
0x4c: {  	p5 =	sne.s32 s31, $0x9600  }
0x4d: {  	[sflag:s23] =	ssyncadd.s32 $0xFFFFD800;
	s0 =	smov.u32 s31;
	s31 =	sadd.s32 $0x500, s31  }
0x4e: {  	_ = 	snop  }
0x4f: {  	_ =	swait.ge [sflag:s28], $0x2800  }
0x50: {  	s0 =	sshra.s32 s0, $0x2;
	[sflag:s28] =	ssyncset.done $0x0  }
0x51: {  	s1 =	sadd.s32 $0x13AE0, s0;
	[sflag:s28] =	ssyncadd.s32 $0xFFFFD800  }
0x52: {  	[tilespmem:s29], [sflag:$0x2] =	stream.indirect.gather [spmem:s2], $0x40, s1, s25, $0xb8;
	[tilespmem:$0x1DA40] =	vst v63  }
0x53: {  	s1 =	sadd.s32 $0x16240, s0  }
0x54: {  	[spmem:s3] =	stream.indirect.scatter.add.f32 [tilespmem:s26], [sflag:$0x3], $0x40, s1, s25, $0xb8;
	[tilespmem:$0x1DA40] =	vst v63  }
0x55: {  	_ =	swait.ge [sflag:s23], $0x2800  }
0x56: {  	[sflag:s23] =	ssyncset.done $0x0  }
0x57: {  	[sflag:s23] =	ssyncadd.s32 $0xFFFFD800  }
0x58: {  	_ =	swait.ge [sflag:s30], $0x2800  }
0x59: {  	[sflag:s30] =	ssyncset.done $0x0  }
0x5a: {  	s1 =	sadd.s32 $0x13B80, s0;
	[sflag:s30] =	ssyncadd.s32 $0xFFFFD800  }
0x5b: {  	[tilespmem:s26], [sflag:$0x1] =	stream.indirect.gather [spmem:s2], $0x40, s1, s25, $0xb8;
	[tilespmem:$0x1DA40] =	vst v63  }
.Ltmp0:
0x5c: {  	_ = 	snop;
	(pc) =	sbr.rel @p5 .LBB2_2-.Ltmp0, $4  }
0x5d: {  	s0 =	sadd.s32 $0x162E0, s0  }
0x5e: {  	[spmem:s3] =	stream.indirect.scatter.add.f32 [tilespmem:s29], [sflag:$0x3], $0x40, s0, s25, $0xb8;
	[tilespmem:$0x1DA40] =	vst v63  }
0x5f: {  	_ =	swait.ge [sflag:s23], $0x2800  }
0x60: {  	[sflag:s23] =	ssyncset.done $0x0  }
0x61: {  	[sflag:s23] =	ssyncadd.s32 $0xFFFFD800  }
0x62: {  	_ =	swait.ge [sflag:s28], $0x2800  }
0x63: {  	[sflag:s28] =	ssyncset.done $0x0  }
0x64: {  	s0 =	simm.s32 $0x161A0;
	[sflag:s28] =	ssyncadd.s32 $0xFFFFD800  }
0x65: {  	[tilespmem:s29], [sflag:$0x2] =	stream.indirect.gather [spmem:s2], $0x40, s0, s25, $0xb8;
	[tilespmem:$0x1DA40] =	vst v63  }
0x66: {  	s1 =	simm.s32 $0x18900  }
0x67: {  	[spmem:s3] =	stream.indirect.scatter.add.f32 [tilespmem:s26], [sflag:$0x3], $0x40, s1, s25, $0xb8;
	[tilespmem:$0x1DA40] =	vst v63  }
0x68: {  	_ =	swait.ge [sflag:s23], $0x2800  }
0x69: {  	[sflag:s23] =	ssyncset.done $0x0  }
0x6a: {  	[sflag:s23] =	ssyncadd.s32 $0xFFFFD800  }
0x6b: {  	_ =	swait.ge [sflag:s30], $0x2800  }
0x6c: {  	[sflag:s30] =	ssyncset.done $0x0  }
0x6d: {  	s31 =	simm.s32 $0x189A0;
	[sflag:s30] =	ssyncadd.s32 $0xFFFFD800  }
0x6e: {  	[spmem:s3] =	stream.indirect.scatter.add.f32 [tilespmem:s29], [sflag:$0x3], $0x40, s31, s25, $0xb8;
	[tilespmem:$0x1DA40] =	vst v63  }
0x6f: {  	_ =	swait.ge [sflag:s23], $0x2800  }
0x70: {  	[sflag:s23] =	ssyncset.done $0x0  }
0x71: {  	[sflag:s23] =	ssyncadd.s32 $0xFFFFD800  }
0x72: {  	s0 =	sshrl.u32 @p0 s9, $0x3;
	s1 =	simm.s32 @p0 $0x1FC3;
	[bflag:$0x0] =	sbarrier.arrive $0xFFFF  }
0x73: {  	[hbm:s14], [sflag:s1] =	dma.local @p0 [spmem:s0], $0xC80  }
0x74: {  	s0 =	simm.s32 @p0 $0x3  }
0x75: {  	_ =	swait.ge @p0 [sflag:s0], $0xC80  }
0x76: {  	s24 =	sadd.s32 $0x1, s24;
	[sflag:s0] =	ssyncset.done @p0 $0x0  }
0x77: {  	p5 =	sne.s32 s24, s15;
	[sflag:s0] =	ssyncadd.s32 @p0 $0xFFFFF380;
	s0 =	sshrl.u32 @!p0 s6, $0x3  }
0x78: {  	[hbm:s13], [sflag:s19] =	dma.local @!p0 [spmem:s0], $0x1400  }
.Ltmp1:
0x79: {  	_ = 	snop;
	(pc) =	sbr.rel @p5 .LBB2_1-.Ltmp1, $4  }
0x7a: {  	s0 =	simm.s32 @!p0 $0x3  }
0x7b: {  	_ =	swait.ge @!p0 [sflag:s0], $0x1400  }
0x7c: {  	[sflag:s0] =	ssyncset.done @!p0 $0x0  }
0x7d: {  	[sflag:s0] =	ssyncadd.s32 @!p0 $0xFFFFEC00  }
0x7e: {  	_ =	sfence.sel $0x180000  }
0x7f: {  	[bflag:$0x0] =	sbarrier.arrive $0xFFFF  }
0x80: {  	_ =	strace $0x9000004A  }
0x81: {  	s0 =	stileid.u32;
	[bflag:$0x2] =	sbarrier.arrive $0xFFFF  }
0x82: {  	p0 =	sne.s32 s0, $0x0;
	s0 =	rddreg [dreg:$0x3]  }
0x83: {  	s0 =	sadd.s32 @!p0 $0x100000, s0  }
0x84: {  	[sflag:s0] =	ssyncadd.tile.s32 @!p0 $0x1;
	_ =	shalt  }
.Lfunc_end2:
_tile_overlayer_lowered:
.L_overlay_start_2:
0x85: {  	(tag) =	ssettag $0x2  }
0x86: {  	s0 =	rddreg [dreg:$0x0];
	s2 =	stileid.u32  }
0x87: {  	s1 =	rddreg [dreg:$0x1];
	p0 =	sne.s32 s2, $0x0  }
0x88: {  	s3 =	rddreg [dreg:$0x2];
	[bflag:$0x3] =	sbarrier.arrive $0xFFFF;
	s2 =	simm.s32 @!p0 $0x1C03  }
0x89: {  	[timem:s3], [sflag:s2] =	dma.local @!p0 [hbm:s0], s1  }
0x8a: {  	s0 =	simm.s32 @!p0 $0x3  }
0x8b: {  	_ =	swait.ge @!p0 [sflag:s0], s1  }
0x8c: {  	s1 =	ssub.s32 @!p0 $0x0, s1;
	[sflag:s0] =	ssyncset.done @!p0 $0x0  }
0x8d: {  	[sflag:s0] =	ssyncadd.s32 @!p0 s1  }
0x8e: {  	[bflag:$0x3] =	sbarrier.arrive $0xFFFF  }
0x8f: {  	_ =	shalt  }

// kernel: kernel.16.cloned.1.call-start
scs
__scs_entry_jumppad:
0x0: {  	(pc) =	sbr.rel $0x88, $3  }
0x1: {  	(tag) =	ssettag $0x0;
	lr =	simm.s32 $0x1  }
0x2: {  	[smem:$0x3F96] =	sst lr;
	_ =	strace $0xD0000000  }
0x3: {  	_ = 	snop  }
0x4: {  	_ = 	snop  }
0x5: {  	_ = 	snop  }
0x6: {  	_ = 	snop  }
0x7: {  	_ = 	snop  }
__scs_overlays_trampoline_lowered:
0x8: {  	[smem:$0x3FA5] =	sst s0  }
0x9: {  	[smem:$0x3FA6] =	sst s1  }
0xa: {  	[smem:$0x3FA7] =	sst s2  }
0xb: {  	[smem:$0x3FA8] =	sst s3  }
0xc: {  	[smem:$0x3FA9] =	sst s4  }
0xd: {  	[smem:$0x3FAA] =	sst s5  }
0xe: {  	[smem:$0x3FAB] =	sst s6  }
0xf: {  	[smem:$0x3FAC] =	sst s7  }
0x10: {  	[smem:$0x3FAD] =	sst s8  }
0x11: {  	[smem:$0x3FAE] =	sst s9;
	s0 =	simm.s32 @!p0 $0x0  }
0x12: {  	s1 =	sld [smem:$0x3F94];
	s0 =	simm.s32 @p0 $0x1  }
0x13: {  	[smem:$0x3FAF] =	sst s0;
	s0 =	simm.s32 @!p1 $0x0  }
0x14: {  	s2 =	sld [smem:$0x3F93];
	s0 =	simm.s32 @p1 $0x1  }
0x15: {  	[smem:$0x3FB0] =	sst s0;
	s0 =	simm.s32 @!p2 $0x0  }
0x16: {  	s3 =	sld [smem:$0x3FDB];
	s0 =	simm.s32 @p2 $0x1  }
0x17: {  	s4 =	simm.s32 $0x1BF5;
	[smem:$0x3FB2] =	sst s0  }
0x18: {  	s0 =	sld [smem:$0x3F95];
	_ =	swait.ge [sflag:s4], $0x0  }
0x19: {  	s7 =	sld [smem:$0x3F96]  }
0x1a: {  	s8 =	sadd.s32 $0xFFFFE003, lr  }
0x1b: {  	s9 =	sadd.s32 $0xFFFFFEF7, lr;
	s5 =	simm.s32 $0xFFFFFFFF;
	p2 =	slt.u32 s8, $0xFFFFF086  }
0x1c: {  	p1 =	slt.u32 s9, $0xF7A;
	s5 =	simm.s32 @!p2 $0x0  }
0x1d: {  	s5 =	simm.s32 @p1 $0x1;
	p0 =	seq.s32 s7, s2  }
0x1e: {  	s7 =	smul.u32 @!p0 $0xF7A, s2;
	p2 =	seq.s32 @!p0 s5, $0x0  }
0x1f: {  	s9 =	smul.u32 $0xF7A, s1;
	s8 =	simm.s32 @!p0 $0x1BF5;
	p2 =	por !p2, p0  }
0x20: {  	[sflag:s8] =	ssyncset.s32 @!p0 $0xFFFFF086;
	s6 =	sadd.s32 @!p0 s3, s7;
	s7 =	simm.s32 @!p0 $0x108  }
0x21: {  	s3 =	sadd.s32 s3, s9;
	s6 =	sadd.s32 @!p0 $0x88, s6;
	s7 =	simm.s32 @p2 $0x1082  }
0x22: {  	[simem:s7], [sflag:s8] =	dma.local @!p0 [hbm:s6], $0xF7A  }
0x23: {  	s9 =	sor.u32 $0xD0000000, s2;
	s6 =	simm.s32 $0x108;
	_ =	swait.ge @!p0 [sflag:s8], $0x0  }
0x24: {  	s3 =	sadd.s32 $0x88, s3;
	s6 =	simm.s32 @!p1 $0x1082;
	[sflag:s4] =	ssyncset.s32 $0xFFFFF086  }
0x25: {  	[simem:s6], [sflag:s4] =	dma.local [hbm:s3], $0xF7A  }
0x26: {  	[smem:$0x3F96] =	sst s1;
	(tag) =	ssettag s2;
	_ =	strace s9  }
0x27: {  	s1 =	sld [smem:$0x3FA6]  }
0x28: {  	s2 =	sld [smem:$0x3FA7]  }
0x29: {  	s4 =	sld [smem:$0x3FA9]  }
0x2a: {  	p0 =	seq.s32 s5, $0x0;
	s5 =	sld [smem:$0x3FAA]  }
0x2b: {  	s6 =	sld [smem:$0x3FAB]  }
0x2c: {  	s7 =	sld [smem:$0x3FAC]  }
0x2d: {  	s3 =	simm.s32 $0x108;
	s8 =	sld [smem:$0x3FAD]  }
0x2e: {  	s3 =	simm.s32 @!p0 $0x1082;
	s9 =	sld [smem:$0x3FAE]  }
0x2f: {  	lr =	sadd.s32 s0, s3;
	s0 =	sld [smem:$0x3FA5]  }
0x30: {  	s3 =	sld [smem:$0x3FA8]  }
0x31: {  	[smem:$0x3FB1] =	sst s10  }
0x32: {  	s10 =	sld [smem:$0x3FAF];
	_ =	sdelay $0x3  }
0x33: {  	p0 =	seq.s32 s10, $0x1;
	s10 =	sld [smem:$0x3FB1];
	_ =	sdelay $0x3  }
0x34: {  	[smem:$0x3FB1] =	sst s10  }
0x35: {  	s10 =	sld [smem:$0x3FB0];
	_ =	sdelay $0x3  }
0x36: {  	p1 =	seq.s32 s10, $0x1;
	s10 =	sld [smem:$0x3FB1];
	_ =	sdelay $0x3  }
0x37: {  	[smem:$0x3FB1] =	sst s10  }
0x38: {  	s10 =	sld [smem:$0x3FB2]  }
0x39: {  	_ = 	snop;
	(pc) =	sbr.ind lr, $3  }
0x3a: {  	_ = 	snop  }
0x3b: {  	_ = 	snop  }
0x3c: {  	p2 =	seq.s32 s10, $0x1;
	s10 =	sld [smem:$0x3FB1]  }
0x3d: {  	_ =	shalt  }
0x3e: {  	_ =	shalt  }
0x3f: {  	_ =	shalt  }
0x40: {  	_ =	shalt  }
0x41: {  	_ =	shalt  }
0x42: {  	_ =	shalt  }
0x43: {  	_ =	shalt  }
0x44: {  	_ =	shalt  }
0x45: {  	_ =	shalt  }
0x46: {  	_ =	shalt  }
0x47: {  	_ =	shalt  }
0x48: {  	_ =	shalt  }
0x49: {  	_ =	shalt  }
0x4a: {  	_ =	shalt  }
0x4b: {  	_ =	shalt  }
0x4c: {  	_ =	shalt  }
0x4d: {  	_ =	shalt  }
0x4e: {  	_ =	shalt  }
0x4f: {  	_ =	shalt  }
0x50: {  	_ =	shalt  }
0x51: {  	_ =	shalt  }
0x52: {  	_ =	shalt  }
0x53: {  	_ =	shalt  }
0x54: {  	_ =	shalt  }
0x55: {  	_ =	shalt  }
0x56: {  	_ =	shalt  }
0x57: {  	_ =	shalt  }
0x58: {  	_ =	shalt  }
0x59: {  	_ =	shalt  }
0x5a: {  	_ =	shalt  }
0x5b: {  	_ =	shalt  }
0x5c: {  	_ =	shalt  }
0x5d: {  	_ =	shalt  }
0x5e: {  	_ =	shalt  }
0x5f: {  	_ =	shalt  }
0x60: {  	_ =	shalt  }
0x61: {  	_ =	shalt  }
0x62: {  	_ =	shalt  }
0x63: {  	_ =	shalt  }
0x64: {  	_ =	shalt  }
0x65: {  	_ =	shalt  }
0x66: {  	_ =	shalt  }
0x67: {  	_ =	shalt  }
0x68: {  	_ =	shalt  }
0x69: {  	_ =	shalt  }
0x6a: {  	_ =	shalt  }
0x6b: {  	_ =	shalt  }
0x6c: {  	_ =	shalt  }
0x6d: {  	_ =	shalt  }
0x6e: {  	_ =	shalt  }
0x6f: {  	_ =	shalt  }
0x70: {  	_ =	shalt  }
0x71: {  	_ =	shalt  }
0x72: {  	_ =	shalt  }
0x73: {  	_ =	shalt  }
0x74: {  	_ =	shalt  }
0x75: {  	_ =	shalt  }
0x76: {  	_ =	shalt  }
0x77: {  	_ =	shalt  }
0x78: {  	_ =	shalt  }
0x79: {  	_ =	shalt  }
0x7a: {  	_ =	shalt  }
0x7b: {  	_ =	shalt  }
0x7c: {  	_ =	shalt  }
0x7d: {  	_ =	shalt  }
0x7e: {  	_ =	shalt  }
0x7f: {  	_ =	shalt  }
0x80: {  	_ =	shalt  }
0x81: {  	_ =	shalt  }
0x82: {  	_ =	shalt  }
0x83: {  	_ =	shalt  }
0x84: {  	_ =	shalt  }
0x85: {  	_ =	shalt  }
0x86: {  	_ =	shalt  }
0x87: {  	_ =	shalt  }
.Lfunc_end0:
.L_simem_size_0:
called_computation.2_lowered:
.L_overlay_start_0:
0x88: {  	s2 =	sld [smem:$0x3FD9]  }
0x89: {  	s3 =	sld [smem:$0x3FFE];
	_ =	sdelay $0x1  }
0x8a: {  	s1 =	srdreg.scid  }
0x8b: {  	s0 =	sand.u32 $0x1, s1  }
0x8c: {  	s16 =	sshll.u32 s0, $0xA;
	s2 =	sadd.s32 s3, s2  }
0x8d: {  	s2 =	sadd.s32 s2, s16  }
0x8e: {  	[smem:$0x3FBD] =	sst s2  }
0x8f: {  	_ = 	snop  }
0x90: {  	(tm) =	ssettm $0x1  }
0x91: {  	s17 =	sld [smem:$0x3FFB];
	_ =	sdelay $0x3  }
0x92: {  	_ =	strace s17  }
0x93: {  	s2 =	sld [smem:$0x3FFC];
	_ =	sdelay $0x3  }
0x94: {  	_ =	strace s2  }
0x95: {  	s2 =	sld [smem:$0x3FFD];
	_ =	sdelay $0x3  }
0x96: {  	_ =	strace s2  }
0x97: {  	_ =	strace $0x8FFFFFFF  }
0x98: {  	s18 =	sld [smem:$0x3FDB];
	_ =	sdelay $0x1  }
0x99: {  	s19 =	simm.s32 $_scs_section_size  }
0x9a: {  	s4 =	simm.s32 $_size__tile_overlayer_lowered;
	s5 =	simm.s32 $_tile_overlayer_lowered  }
0x9b: {  	s22 =	simm.s32 $0x1BFF;
	s21 =	sshll.u32 s5, $0x1;
	s2 =	sadd.s32 s19, s18  }
0x9c: {  	s6 =	simm.s32 $0x0;
	s20 =	sshll.u32 s4, $0x1;
	s4 =	sadd.s32 s21, s2  }
0x9d: {  	[timem:s6], [sflag:s22] =	dma.local [hbm:s4], s20  }
0x9e: {  	_ =	swait.ge [sflag:s22], s20  }
0x9f: {  	s3 =	ssub.s32 $0x0, s20;
	[sflag:s22] =	ssyncset.done $0x0  }
0xa0: {  	[sflag:s22] =	ssyncadd.s32 s3;
	_ =	sdelay $0x1  }
0xa1: {  	s23 =	simm.s32 $0x1B8B  }
0xa2: {  	_ =	swait.ge [sflag:s23], $0x1  }
0xa3: {  	[sflag:s23] =	ssyncset.done $0x0  }
0xa4: {  	s25 =	simm.s32 $0x1B8E;
	s24 =	sld [smem:$0x3FFE];
	[sflag:s23] =	ssyncadd.s32 $0xFFFFFFFF  }
0xa5: {  	s26 =	simm.s32 $execute0_lowered;
	[smem:$0x3FD2] =	sst s25  }
0xa6: {  	s4 =	sshll.u32 s26, $0x1;
	_ =	strace $0x8000004C;
	[dreg:$0x1] =	wrdreg $0xFFFFFFFF  }
0xa7: {  	s28 =	simm.s32 $_size_execute0_lowered;
	s2 =	sadd.s32 s2, s4;
	[dreg:$0x0] =	wrdreg $0x0  }
0xa8: {  	s4 =	sshll.u32 s28, $0x1;
	[dreg:$0x2] =	wrdreg s2  }
0xa9: {  	[dreg:$0x3] =	wrdreg s4  }
0xaa: {  	[dreg:$0x4] =	wrdreg $0xC0  }
0xab: {  	_ =	task [dreg:s6], $0x5FFFF  }
0xac: {  	[dreg:$0x1] =	wrdreg $0xFFFFFFFF  }
0xad: {  	[dreg:$0x0] =	wrdreg $0x60  }
0xae: {  	[dreg:$0x2] =	wrdreg s24  }
0xaf: {  	[dreg:$0x3] =	wrdreg $0x0  }
0xb0: {  	[dreg:$0x4] =	wrdreg $0x9C400  }
0xb1: {  	[dreg:$0x5] =	wrdreg $0x9  }
0xb2: {  	_ =	task.clear_ibuf [dreg:s6], $0x6FFFF;
	_ =	strace $0x9000004C  }
0xb3: {  	s29 =	simm.s32 $0x9;
	_ =	strace $0x8000004E  }
0xb4: {  	_ =	swait.ge [sflag:s29], $0x1  }
0xb5: {  	[sflag:s29] =	ssyncadd.s32 $0xFFFFFFFF  }
0xb6: {  	_ =	strace $0x9000004E  }
0xb7: {  	_ =	sfence  }
0xb8: {  	s30 =	sld [smem:$0x0];
	_ =	sdelay $0x2  }
0xb9: {  	s31 =	sshll.u32 s1, $0xD;
	s1 =	sshrl.u32 s1, $0x2  }
0xba: {  	s3 =	sand.u32 $0x4000, s31;
	s1 =	sadd.s32 s1, s30  }
0xbb: {  	s0 =	sor.u32 s3, s0;
	s1 =	sshll.u32 s1, $0x11  }
0xbc: {  	s0 =	sor.u32 s1, s0  }
0xbd: {  	s0 =	sadd.s32 $0x8F2B, s0  }
0xbe: {  	[sflag:s0] =	ssyncadd.remote.s32 $0x1  }
0xbf: {  	_ =	sfence.sel $0xFFFF  }
0xc0: {  	[dreg:$0x0] =	wrdreg $0xFFFFFFFF;
	(pc) =	sbr.abs _section_cstart, $3  }
0xc1: {  	[dreg:$0x1] =	wrdreg $0xFFFFFFFF  }
0xc2: {  	_ =	task.clear_ibuf [dreg:s6], $0x2FFFF;
	_ =	strace $0x9FFFFFFF  }
0xc3: {  	(tm) =	ssettm $0x7FFFFFFF  }
tec
execute0_lowered:
.L_overlay_start_1:
0x0: {  	(tag) =	ssettag $0x1  }
0x1: {  	s0 =	rddreg [dreg:$0x0]  }
0x2: {  	s2 =	rddreg [dreg:$0x1]  }
0x3: {  	s3 =	rddreg [dreg:$0x2]  }
0x4: {  	s18 =	stileid.u32;
	s1 =	srdreg.scid  }
0x5: {  	s4 =	simm.s32 $0x0;
	s22 =	simm.s32 $0x13A40;
	s23 =	simm.s32 $0x3  }
0x6: {  	s25 =	simm.s32 $0xA0;
	s28 =	simm.s32 $0x1;
	s29 =	simm.s32 $0x1B240  }
0x7: {  	s30 =	simm.s32 $0x2;
	s24 =	simm.s32 $0x0;
	s1 =	sand.u32 $0x1, s1  }
0x8: {  	s5 =	sshll.u32 s18, $0x1;
	s12 =	smul.u32 $0xA000, s18;
	[smem:$0x7FF] =	sst s4  }
0x9: {  	s14 =	sadd.s32 $0x3F000, s0;
	s16 =	sadd.s32 $0x96000, s2;
	s9 =	sadd.s32 $0x96000, s3  }
0xa: {  	s10 =	sadd.s32 $0x3E200, s0;
	p0 =	seq.s32 s18, $0xF;
	s5 =	sor.u32 s1, s5  }
0xb: {  	s7 =	ssub.s32 $0x2, s1;
	p4 =	seq.s32 s1, $0x1;
	s1 =	smul.u32 $0x9C400, s1  }
0xc: {  	_ =	strace $0x8000004D;
	s16 =	sshrl.u32 @p0 s16, $0x3;
	s5 =	smul.u32 $0x500, s5  }
0xd: {  	s6 =	sshrl.u32 s12, $0x3;
	s26 =	sshrl.u32 s7, $0x1;
	s20 =	sadd.s32 s12, s2  }
0xe: {  	p1 =	por !p4, !p0;
	p2 =	por p4, !p0;
	p3 =	por !p4, p0  }
0xf: {  	p4 =	por p4, p0;
	s8 =	sadd.s32 s6, s0;
	s15 =	ssub.s32 s7, s26  }
0x10: {  	s6 =	sadd.s32 s12, s3;
	s31 =	sadd.s32 s12, s1;
	s1 =	sshrl.u32 s1, $0x3  }
0x11: {  	s17 =	sshrl.u32 @!p1 s9, $0x3;
	s20 =	sshrl.u32 @!p0 s20, $0x3;
	s26 =	simm.s32 $0x18A40  }
0x12: {  	s13 =	sadd.s32 s5, s0;
	s5 =	sadd.s32 $0x17C00, s8;
	s7 =	sadd.s32 $0x2B600, s8  }
0x13: {  	s8 =	sadd.s32 $0x2A800, s0;
	s0 =	sshrl.u32 s31, $0x3;
	s1 =	sadd.s32 s14, s1  }
0x14: {  	s15 =	smax.u32 s15, $0x1;
	s21 =	sshrl.u32 @!p3 s6, $0x3;
	s11 =	sadd.s32 $0xDC00, s13  }
0x15: {  	s12 =	sadd.s32 $0x2C00, s13;
	s13 =	sadd.s32 s14, s0;
	s0 =	sshll.u32 @!p0 s18, $0x6  }
0x16: {  	s14 =	sadd.s32 $0x12C00, s1;
	s18 =	sshrl.u32 @!p2 s9, $0x3;
	s19 =	sor.u32 @!p0 $0x1C03, s0  }
.LBB2_1:
0x17: {  	s31 =	simm.s32 @p0 $0x1FC3;
	s0 =	simm.s32 @p0 $0x3  }
0x18: {  	[spmem:s16], [sflag:s31] =	dma.local @p0 [hbm:s8], $0xC80  }
0x19: {  	_ =	swait.ge @p0 [sflag:s0], $0xC80  }
0x1a: {  	[sflag:s0] =	ssyncset.done @p0 $0x0  }
0x1b: {  	[sflag:s0] =	ssyncadd.s32 @p0 $0xFFFFF380;
	s0 =	simm.s32 @!p1 $0x3  }
0x1c: {  	[spmem:s17], [sflag:s31] =	dma.local @!p1 [hbm:s10], $0xC80  }
0x1d: {  	_ =	swait.ge @!p1 [sflag:s0], $0xC80  }
0x1e: {  	[sflag:s0] =	ssyncset.done @!p1 $0x0  }
0x1f: {  	[sflag:s0] =	ssyncadd.s32 @!p1 $0xFFFFF380;
	s0 =	simm.s32 @!p2 $0x3  }
0x20: {  	[spmem:s18], [sflag:s31] =	dma.local @!p2 [hbm:s8], $0xC80  }
0x21: {  	_ =	swait.ge @!p2 [sflag:s0], $0xC80  }
0x22: {  	[sflag:s0] =	ssyncset.done @!p2 $0x0  }
0x23: {  	[sflag:s0] =	ssyncadd.s32 @!p2 $0xFFFFF380;
	s0 =	simm.s32 @!p0 $0x3  }
0x24: {  	[spmem:s20], [sflag:s19] =	dma.local @!p0 [hbm:s5], $0x1400  }
0x25: {  	_ =	swait.ge @!p0 [sflag:s0], $0x1400  }
0x26: {  	[sflag:s0] =	ssyncset.done @!p0 $0x0  }
0x27: {  	[sflag:s0] =	ssyncadd.s32 @!p0 $0xFFFFEC00;
	s0 =	simm.s32 @!p3 $0x3  }
0x28: {  	[spmem:s21], [sflag:s19] =	dma.local @!p3 [hbm:s7], $0x1400  }
0x29: {  	_ =	swait.ge @!p3 [sflag:s0], $0x1400  }
0x2a: {  	[sflag:s0] =	ssyncset.done @!p3 $0x0  }
0x2b: {  	[sflag:s0] =	ssyncadd.s32 @!p3 $0xFFFFEC00;
	s0 =	sshrl.u32 @!p4 s6, $0x3  }
0x2c: {  	[spmem:s0], [sflag:s19] =	dma.local @!p4 [hbm:s5], $0x1400  }
0x2d: {  	s0 =	simm.s32 @!p4 $0x3  }
0x2e: {  	_ =	swait.ge @!p4 [sflag:s0], $0x1400  }
0x2f: {  	[sflag:s0] =	ssyncset.done @!p4 $0x0  }
0x30: {  	[sflag:s0] =	ssyncadd.s32 @!p4 $0xFFFFEC00  }
0x31: {  	[tilespmem:s22], [sflag:$0x3] =	stream.linear.gather [hbm4b:s11+s4], $0x2800, $0x38;
	[tilespmem:$0x1DA40] =	vst v63  }
0x32: {  	_ =	swait.ge [sflag:s23], $0x2800  }
0x33: {  	[sflag:s23] =	ssyncset.done $0x0  }
0x34: {  	s1 =	simm.s32 $0x16240;
	[sflag:s23] =	ssyncadd.s32 $0xFFFFD800  }
0x35: {  	[tilespmem:s1], [sflag:$0x3] =	stream.linear.gather [hbm4b:s12+s4], $0x2800, $0x38;
	[tilespmem:$0x1DA40] =	vst v63  }
0x36: {  	_ =	swait.ge [sflag:s23], $0x2800  }
0x37: {  	[sflag:s23] =	ssyncset.done $0x0  }
0x38: {  	[sflag:s23] =	ssyncadd.s32 $0xFFFFD800  }
0x39: {  	[bflag:$0x0] =	sbarrier.arrive $0xFFFF  }
0x3a: {  	[tilespmem:s26], [sflag:$0x1] =	stream.indirect.gather [spmem:s2], $0x40, s22, s25, $0xb8;
	[tilespmem:$0x1DA40] =	vst v63  }
0x3b: {  	_ =	swait.ge [sflag:s28], $0x2800  }
0x3c: {  	[sflag:s28] =	ssyncset.done $0x0  }
0x3d: {  	s1 =	simm.s32 $0x13AE0;
	[sflag:s28] =	ssyncadd.s32 $0xFFFFD800  }
0x3e: {  	[tilespmem:s29], [sflag:$0x2] =	stream.indirect.gather [spmem:s2], $0x40, s1, s25, $0xb8;
	[tilespmem:$0x1DA40] =	vst v63  }
0x3f: {  	s1 =	simm.s32 $0x16240  }
0x40: {  	[spmem:s3] =	stream.indirect.scatter.add.f32 [tilespmem:s26], [sflag:$0x3], $0x40, s1, s25, $0xb8;
	[tilespmem:$0x1DA40] =	vst v63  }
0x41: {  	_ =	swait.ge [sflag:s23], $0x2800  }
0x42: {  	[sflag:s23] =	ssyncset.done $0x0  }
0x43: {  	[sflag:s23] =	ssyncadd.s32 $0xFFFFD800  }
0x44: {  	_ =	swait.ge [sflag:s30], $0x2800  }
0x45: {  	[sflag:s30] =	ssyncset.done $0x0  }
0x46: {  	s1 =	simm.s32 $0x13B80;
	[sflag:s30] =	ssyncadd.s32 $0xFFFFD800  }
0x47: {  	[tilespmem:s26], [sflag:$0x1] =	stream.indirect.gather [spmem:s2], $0x40, s1, s25, $0xb8;
	[tilespmem:$0x1DA40] =	vst v63  }
0x48: {  	s1 =	simm.s32 $0x162E0  }
0x49: {  	[spmem:s3] =	stream.indirect.scatter.add.f32 [tilespmem:s29], [sflag:$0x3], $0x40, s1, s25, $0xb8;
	[tilespmem:$0x1DA40] =	vst v63  }
0x4a: {  	_ =	swait.ge [sflag:s23], $0x2800  }
0x4b: {  	s31 =	simm.s32 $0x500;
	[sflag:s23] =	ssyncset.done $0x0  }
.LBB2_2:
0x4c: {  	p5 =	sne.s32 s31, $0x9600  }
0x4d: {  	[sflag:s23] =	ssyncadd.s32 $0xFFFFD800;
	s0 =	smov.u32 s31;
	s31 =	sadd.s32 $0x500, s31  }
0x4e: {  	_ = 	snop  }
0x4f: {  	_ =	swait.ge [sflag:s28], $0x2800  }
0x50: {  	s0 =	sshra.s32 s0, $0x2;
	[sflag:s28] =	ssyncset.done $0x0  }
0x51: {  	s1 =	sadd.s32 $0x13AE0, s0;
	[sflag:s28] =	ssyncadd.s32 $0xFFFFD800  }
0x52: {  	[tilespmem:s29], [sflag:$0x2] =	stream.indirect.gather [spmem:s2], $0x40, s1, s25, $0xb8;
	[tilespmem:$0x1DA40] =	vst v63  }
0x53: {  	s1 =	sadd.s32 $0x16240, s0  }
0x54: {  	[spmem:s3] =	stream.indirect.scatter.add.f32 [tilespmem:s26], [sflag:$0x3], $0x40, s1, s25, $0xb8;
	[tilespmem:$0x1DA40] =	vst v63  }
0x55: {  	_ =	swait.ge [sflag:s23], $0x2800  }
0x56: {  	[sflag:s23] =	ssyncset.done $0x0  }
0x57: {  	[sflag:s23] =	ssyncadd.s32 $0xFFFFD800  }
0x58: {  	_ =	swait.ge [sflag:s30], $0x2800  }
0x59: {  	[sflag:s30] =	ssyncset.done $0x0  }
0x5a: {  	s1 =	sadd.s32 $0x13B80, s0;
	[sflag:s30] =	ssyncadd.s32 $0xFFFFD800  }
0x5b: {  	[tilespmem:s26], [sflag:$0x1] =	stream.indirect.gather [spmem:s2], $0x40, s1, s25, $0xb8;
	[tilespmem:$0x1DA40] =	vst v63  }
.Ltmp0:
0x5c: {  	_ = 	snop;
	(pc) =	sbr.rel @p5 .LBB2_2-.Ltmp0, $4  }
0x5d: {  	s0 =	sadd.s32 $0x162E0, s0  }
0x5e: {  	[spmem:s3] =	stream.indirect.scatter.add.f32 [tilespmem:s29], [sflag:$0x3], $0x40, s0, s25, $0xb8;
	[tilespmem:$0x1DA40] =	vst v63  }
0x5f: {  	_ =	swait.ge [sflag:s23], $0x2800  }
0x60: {  	[sflag:s23] =	ssyncset.done $0x0  }
0x61: {  	[sflag:s23] =	ssyncadd.s32 $0xFFFFD800  }
0x62: {  	_ =	swait.ge [sflag:s28], $0x2800  }
0x63: {  	[sflag:s28] =	ssyncset.done $0x0  }
0x64: {  	s0 =	simm.s32 $0x161A0;
	[sflag:s28] =	ssyncadd.s32 $0xFFFFD800  }
0x65: {  	[tilespmem:s29], [sflag:$0x2] =	stream.indirect.gather [spmem:s2], $0x40, s0, s25, $0xb8;
	[tilespmem:$0x1DA40] =	vst v63  }
0x66: {  	s1 =	simm.s32 $0x18900  }
0x67: {  	[spmem:s3] =	stream.indirect.scatter.add.f32 [tilespmem:s26], [sflag:$0x3], $0x40, s1, s25, $0xb8;
	[tilespmem:$0x1DA40] =	vst v63  }
0x68: {  	_ =	swait.ge [sflag:s23], $0x2800  }
0x69: {  	[sflag:s23] =	ssyncset.done $0x0  }
0x6a: {  	[sflag:s23] =	ssyncadd.s32 $0xFFFFD800  }
0x6b: {  	_ =	swait.ge [sflag:s30], $0x2800  }
0x6c: {  	[sflag:s30] =	ssyncset.done $0x0  }
0x6d: {  	s31 =	simm.s32 $0x189A0;
	[sflag:s30] =	ssyncadd.s32 $0xFFFFD800  }
0x6e: {  	[spmem:s3] =	stream.indirect.scatter.add.f32 [tilespmem:s29], [sflag:$0x3], $0x40, s31, s25, $0xb8;
	[tilespmem:$0x1DA40] =	vst v63  }
0x6f: {  	_ =	swait.ge [sflag:s23], $0x2800  }
0x70: {  	[sflag:s23] =	ssyncset.done $0x0  }
0x71: {  	[sflag:s23] =	ssyncadd.s32 $0xFFFFD800  }
0x72: {  	s0 =	sshrl.u32 @p0 s9, $0x3;
	s1 =	simm.s32 @p0 $0x1FC3;
	[bflag:$0x0] =	sbarrier.arrive $0xFFFF  }
0x73: {  	[hbm:s14], [sflag:s1] =	dma.local @p0 [spmem:s0], $0xC80  }
0x74: {  	s0 =	simm.s32 @p0 $0x3  }
0x75: {  	_ =	swait.ge @p0 [sflag:s0], $0xC80  }
0x76: {  	s24 =	sadd.s32 $0x1, s24;
	[sflag:s0] =	ssyncset.done @p0 $0x0  }
0x77: {  	p5 =	sne.s32 s24, s15;
	[sflag:s0] =	ssyncadd.s32 @p0 $0xFFFFF380;
	s0 =	sshrl.u32 @!p0 s6, $0x3  }
0x78: {  	[hbm:s13], [sflag:s19] =	dma.local @!p0 [spmem:s0], $0x1400  }
.Ltmp1:
0x79: {  	_ = 	snop;
	(pc) =	sbr.rel @p5 .LBB2_1-.Ltmp1, $4  }
0x7a: {  	s0 =	simm.s32 @!p0 $0x3  }
0x7b: {  	_ =	swait.ge @!p0 [sflag:s0], $0x1400  }
0x7c: {  	[sflag:s0] =	ssyncset.done @!p0 $0x0  }
0x7d: {  	[sflag:s0] =	ssyncadd.s32 @!p0 $0xFFFFEC00  }
0x7e: {  	_ =	sfence.sel $0x180000  }
0x7f: {  	[bflag:$0x0] =	sbarrier.arrive $0xFFFF  }
0x80: {  	_ =	strace $0x9000004D  }
0x81: {  	s0 =	stileid.u32;
	[bflag:$0x2] =	sbarrier.arrive $0xFFFF  }
0x82: {  	p0 =	sne.s32 s0, $0x0;
	s0 =	rddreg [dreg:$0x3]  }
0x83: {  	s0 =	sadd.s32 @!p0 $0x100000, s0  }
0x84: {  	[sflag:s0] =	ssyncadd.tile.s32 @!p0 $0x1;
	_ =	shalt  }
.Lfunc_end2:
_tile_overlayer_lowered:
.L_overlay_start_2:
0x85: {  	(tag) =	ssettag $0x2  }
0x86: {  	s0 =	rddreg [dreg:$0x0];
	s2 =	stileid.u32  }
0x87: {  	s1 =	rddreg [dreg:$0x1];
	p0 =	sne.s32 s2, $0x0  }
0x88: {  	s3 =	rddreg [dreg:$0x2];
	[bflag:$0x3] =	sbarrier.arrive $0xFFFF;
	s2 =	simm.s32 @!p0 $0x1C03  }
0x89: {  	[timem:s3], [sflag:s2] =	dma.local @!p0 [hbm:s0], s1  }
0x8a: {  	s0 =	simm.s32 @!p0 $0x3  }
0x8b: {  	_ =	swait.ge @!p0 [sflag:s0], s1  }
0x8c: {  	s1 =	ssub.s32 @!p0 $0x0, s1;
	[sflag:s0] =	ssyncset.done @!p0 $0x0  }
0x8d: {  	[sflag:s0] =	ssyncadd.s32 @!p0 s1  }
0x8e: {  	[bflag:$0x3] =	sbarrier.arrive $0xFFFF  }
0x8f: {  	_ =	shalt  }

// kernel: kernel.19.cloned.1.call-start
scs
__scs_entry_jumppad:
0x0: {  	(pc) =	sbr.rel $0x88, $3  }
0x1: {  	(tag) =	ssettag $0x0;
	lr =	simm.s32 $0x1  }
0x2: {  	[smem:$0x3F96] =	sst lr;
	_ =	strace $0xD0000000  }
0x3: {  	_ = 	snop  }
0x4: {  	_ = 	snop  }
0x5: {  	_ = 	snop  }
0x6: {  	_ = 	snop  }
0x7: {  	_ = 	snop  }
__scs_overlays_trampoline_lowered:
0x8: {  	[smem:$0x3FA5] =	sst s0  }
0x9: {  	[smem:$0x3FA6] =	sst s1  }
0xa: {  	[smem:$0x3FA7] =	sst s2  }
0xb: {  	[smem:$0x3FA8] =	sst s3  }
0xc: {  	[smem:$0x3FA9] =	sst s4  }
0xd: {  	[smem:$0x3FAA] =	sst s5  }
0xe: {  	[smem:$0x3FAB] =	sst s6  }
0xf: {  	[smem:$0x3FAC] =	sst s7  }
0x10: {  	[smem:$0x3FAD] =	sst s8  }
0x11: {  	[smem:$0x3FAE] =	sst s9;
	s0 =	simm.s32 @!p0 $0x0  }
0x12: {  	s1 =	sld [smem:$0x3F94];
	s0 =	simm.s32 @p0 $0x1  }
0x13: {  	[smem:$0x3FAF] =	sst s0;
	s0 =	simm.s32 @!p1 $0x0  }
0x14: {  	s2 =	sld [smem:$0x3F93];
	s0 =	simm.s32 @p1 $0x1  }
0x15: {  	[smem:$0x3FB0] =	sst s0;
	s0 =	simm.s32 @!p2 $0x0  }
0x16: {  	s3 =	sld [smem:$0x3FDB];
	s0 =	simm.s32 @p2 $0x1  }
0x17: {  	s4 =	simm.s32 $0x1BF5;
	[smem:$0x3FB2] =	sst s0  }
0x18: {  	s0 =	sld [smem:$0x3F95];
	_ =	swait.ge [sflag:s4], $0x0  }
0x19: {  	s7 =	sld [smem:$0x3F96]  }
0x1a: {  	s8 =	sadd.s32 $0xFFFFE003, lr  }
0x1b: {  	s9 =	sadd.s32 $0xFFFFFEF7, lr;
	s5 =	simm.s32 $0xFFFFFFFF;
	p2 =	slt.u32 s8, $0xFFFFF086  }
0x1c: {  	p1 =	slt.u32 s9, $0xF7A;
	s5 =	simm.s32 @!p2 $0x0  }
0x1d: {  	s5 =	simm.s32 @p1 $0x1;
	p0 =	seq.s32 s7, s2  }
0x1e: {  	s7 =	smul.u32 @!p0 $0xF7A, s2;
	p2 =	seq.s32 @!p0 s5, $0x0  }
0x1f: {  	s9 =	smul.u32 $0xF7A, s1;
	s8 =	simm.s32 @!p0 $0x1BF5;
	p2 =	por !p2, p0  }
0x20: {  	[sflag:s8] =	ssyncset.s32 @!p0 $0xFFFFF086;
	s6 =	sadd.s32 @!p0 s3, s7;
	s7 =	simm.s32 @!p0 $0x108  }
0x21: {  	s3 =	sadd.s32 s3, s9;
	s6 =	sadd.s32 @!p0 $0x88, s6;
	s7 =	simm.s32 @p2 $0x1082  }
0x22: {  	[simem:s7], [sflag:s8] =	dma.local @!p0 [hbm:s6], $0xF7A  }
0x23: {  	s9 =	sor.u32 $0xD0000000, s2;
	s6 =	simm.s32 $0x108;
	_ =	swait.ge @!p0 [sflag:s8], $0x0  }
0x24: {  	s3 =	sadd.s32 $0x88, s3;
	s6 =	simm.s32 @!p1 $0x1082;
	[sflag:s4] =	ssyncset.s32 $0xFFFFF086  }
0x25: {  	[simem:s6], [sflag:s4] =	dma.local [hbm:s3], $0xF7A  }
0x26: {  	[smem:$0x3F96] =	sst s1;
	(tag) =	ssettag s2;
	_ =	strace s9  }
0x27: {  	s1 =	sld [smem:$0x3FA6]  }
0x28: {  	s2 =	sld [smem:$0x3FA7]  }
0x29: {  	s4 =	sld [smem:$0x3FA9]  }
0x2a: {  	p0 =	seq.s32 s5, $0x0;
	s5 =	sld [smem:$0x3FAA]  }
0x2b: {  	s6 =	sld [smem:$0x3FAB]  }
0x2c: {  	s7 =	sld [smem:$0x3FAC]  }
0x2d: {  	s3 =	simm.s32 $0x108;
	s8 =	sld [smem:$0x3FAD]  }
0x2e: {  	s3 =	simm.s32 @!p0 $0x1082;
	s9 =	sld [smem:$0x3FAE]  }
0x2f: {  	lr =	sadd.s32 s0, s3;
	s0 =	sld [smem:$0x3FA5]  }
0x30: {  	s3 =	sld [smem:$0x3FA8]  }
0x31: {  	[smem:$0x3FB1] =	sst s10  }
0x32: {  	s10 =	sld [smem:$0x3FAF];
	_ =	sdelay $0x3  }
0x33: {  	p0 =	seq.s32 s10, $0x1;
	s10 =	sld [smem:$0x3FB1];
	_ =	sdelay $0x3  }
0x34: {  	[smem:$0x3FB1] =	sst s10  }
0x35: {  	s10 =	sld [smem:$0x3FB0];
	_ =	sdelay $0x3  }
0x36: {  	p1 =	seq.s32 s10, $0x1;
	s10 =	sld [smem:$0x3FB1];
	_ =	sdelay $0x3  }
0x37: {  	[smem:$0x3FB1] =	sst s10  }
0x38: {  	s10 =	sld [smem:$0x3FB2]  }
0x39: {  	_ = 	snop;
	(pc) =	sbr.ind lr, $3  }
0x3a: {  	_ = 	snop  }
0x3b: {  	_ = 	snop  }
0x3c: {  	p2 =	seq.s32 s10, $0x1;
	s10 =	sld [smem:$0x3FB1]  }
0x3d: {  	_ =	shalt  }
0x3e: {  	_ =	shalt  }
0x3f: {  	_ =	shalt  }
0x40: {  	_ =	shalt  }
0x41: {  	_ =	shalt  }
0x42: {  	_ =	shalt  }
0x43: {  	_ =	shalt  }
0x44: {  	_ =	shalt  }
0x45: {  	_ =	shalt  }
0x46: {  	_ =	shalt  }
0x47: {  	_ =	shalt  }
0x48: {  	_ =	shalt  }
0x49: {  	_ =	shalt  }
0x4a: {  	_ =	shalt  }
0x4b: {  	_ =	shalt  }
0x4c: {  	_ =	shalt  }
0x4d: {  	_ =	shalt  }
0x4e: {  	_ =	shalt  }
0x4f: {  	_ =	shalt  }
0x50: {  	_ =	shalt  }
0x51: {  	_ =	shalt  }
0x52: {  	_ =	shalt  }
0x53: {  	_ =	shalt  }
0x54: {  	_ =	shalt  }
0x55: {  	_ =	shalt  }
0x56: {  	_ =	shalt  }
0x57: {  	_ =	shalt  }
0x58: {  	_ =	shalt  }
0x59: {  	_ =	shalt  }
0x5a: {  	_ =	shalt  }
0x5b: {  	_ =	shalt  }
0x5c: {  	_ =	shalt  }
0x5d: {  	_ =	shalt  }
0x5e: {  	_ =	shalt  }
0x5f: {  	_ =	shalt  }
0x60: {  	_ =	shalt  }
0x61: {  	_ =	shalt  }
0x62: {  	_ =	shalt  }
0x63: {  	_ =	shalt  }
0x64: {  	_ =	shalt  }
0x65: {  	_ =	shalt  }
0x66: {  	_ =	shalt  }
0x67: {  	_ =	shalt  }
0x68: {  	_ =	shalt  }
0x69: {  	_ =	shalt  }
0x6a: {  	_ =	shalt  }
0x6b: {  	_ =	shalt  }
0x6c: {  	_ =	shalt  }
0x6d: {  	_ =	shalt  }
0x6e: {  	_ =	shalt  }
0x6f: {  	_ =	shalt  }
0x70: {  	_ =	shalt  }
0x71: {  	_ =	shalt  }
0x72: {  	_ =	shalt  }
0x73: {  	_ =	shalt  }
0x74: {  	_ =	shalt  }
0x75: {  	_ =	shalt  }
0x76: {  	_ =	shalt  }
0x77: {  	_ =	shalt  }
0x78: {  	_ =	shalt  }
0x79: {  	_ =	shalt  }
0x7a: {  	_ =	shalt  }
0x7b: {  	_ =	shalt  }
0x7c: {  	_ =	shalt  }
0x7d: {  	_ =	shalt  }
0x7e: {  	_ =	shalt  }
0x7f: {  	_ =	shalt  }
0x80: {  	_ =	shalt  }
0x81: {  	_ =	shalt  }
0x82: {  	_ =	shalt  }
0x83: {  	_ =	shalt  }
0x84: {  	_ =	shalt  }
0x85: {  	_ =	shalt  }
0x86: {  	_ =	shalt  }
0x87: {  	_ =	shalt  }
.Lfunc_end0:
.L_simem_size_0:
called_computation.3_lowered:
.L_overlay_start_0:
0x88: {  	s2 =	sld [smem:$0x3FD9]  }
0x89: {  	s3 =	sld [smem:$0x3FFE];
	_ =	sdelay $0x1  }
0x8a: {  	s1 =	srdreg.scid  }
0x8b: {  	s0 =	sand.u32 $0x1, s1  }
0x8c: {  	s16 =	sshll.u32 s0, $0xA;
	s2 =	sadd.s32 s3, s2  }
0x8d: {  	s2 =	sadd.s32 s2, s16  }
0x8e: {  	[smem:$0x3FBD] =	sst s2  }
0x8f: {  	_ = 	snop  }
0x90: {  	(tm) =	ssettm $0x1  }
0x91: {  	s17 =	sld [smem:$0x3FFB];
	_ =	sdelay $0x3  }
0x92: {  	_ =	strace s17  }
0x93: {  	s2 =	sld [smem:$0x3FFC];
	_ =	sdelay $0x3  }
0x94: {  	_ =	strace s2  }
0x95: {  	s2 =	sld [smem:$0x3FFD];
	_ =	sdelay $0x3  }
0x96: {  	_ =	strace s2  }
0x97: {  	_ =	strace $0x8FFFFFFF  }
0x98: {  	s18 =	sld [smem:$0x3FDB];
	_ =	sdelay $0x1  }
0x99: {  	s19 =	simm.s32 $_scs_section_size  }
0x9a: {  	s4 =	simm.s32 $_size__tile_overlayer_lowered;
	s5 =	simm.s32 $_tile_overlayer_lowered  }
0x9b: {  	s22 =	simm.s32 $0x1BFF;
	s21 =	sshll.u32 s5, $0x1;
	s2 =	sadd.s32 s19, s18  }
0x9c: {  	s6 =	simm.s32 $0x0;
	s20 =	sshll.u32 s4, $0x1;
	s4 =	sadd.s32 s21, s2  }
0x9d: {  	[timem:s6], [sflag:s22] =	dma.local [hbm:s4], s20  }
0x9e: {  	_ =	swait.ge [sflag:s22], s20  }
0x9f: {  	s3 =	ssub.s32 $0x0, s20;
	[sflag:s22] =	ssyncset.done $0x0  }
0xa0: {  	[sflag:s22] =	ssyncadd.s32 s3;
	_ =	sdelay $0x1  }
0xa1: {  	s23 =	simm.s32 $0x1B8B  }
0xa2: {  	_ =	swait.ge [sflag:s23], $0x1  }
0xa3: {  	[sflag:s23] =	ssyncset.done $0x0  }
0xa4: {  	s25 =	simm.s32 $0x1B8E;
	s24 =	sld [smem:$0x3FFE];
	[sflag:s23] =	ssyncadd.s32 $0xFFFFFFFF  }
0xa5: {  	s26 =	simm.s32 $execute0_lowered;
	[smem:$0x3FD2] =	sst s25  }
0xa6: {  	s4 =	sshll.u32 s26, $0x1;
	_ =	strace $0x8000004F;
	[dreg:$0x1] =	wrdreg $0xFFFFFFFF  }
0xa7: {  	s28 =	simm.s32 $_size_execute0_lowered;
	s2 =	sadd.s32 s2, s4;
	[dreg:$0x0] =	wrdreg $0x0  }
0xa8: {  	s4 =	sshll.u32 s28, $0x1;
	[dreg:$0x2] =	wrdreg s2  }
0xa9: {  	[dreg:$0x3] =	wrdreg s4  }
0xaa: {  	[dreg:$0x4] =	wrdreg $0xC0  }
0xab: {  	_ =	task [dreg:s6], $0x5FFFF  }
0xac: {  	[dreg:$0x1] =	wrdreg $0xFFFFFFFF  }
0xad: {  	[dreg:$0x0] =	wrdreg $0x60  }
0xae: {  	[dreg:$0x2] =	wrdreg s24  }
0xaf: {  	[dreg:$0x3] =	wrdreg $0x0  }
0xb0: {  	[dreg:$0x4] =	wrdreg $0x9C400  }
0xb1: {  	[dreg:$0x5] =	wrdreg $0x9  }
0xb2: {  	_ =	task.clear_ibuf [dreg:s6], $0x6FFFF;
	_ =	strace $0x9000004F  }
0xb3: {  	s29 =	simm.s32 $0x9;
	_ =	strace $0x80000051  }
0xb4: {  	_ =	swait.ge [sflag:s29], $0x1  }
0xb5: {  	[sflag:s29] =	ssyncadd.s32 $0xFFFFFFFF  }
0xb6: {  	_ =	strace $0x90000051  }
0xb7: {  	_ =	sfence  }
0xb8: {  	s30 =	sld [smem:$0x0];
	_ =	sdelay $0x2  }
0xb9: {  	s31 =	sshll.u32 s1, $0xD;
	s1 =	sshrl.u32 s1, $0x2  }
0xba: {  	s3 =	sand.u32 $0x4000, s31;
	s1 =	sadd.s32 s1, s30  }
0xbb: {  	s0 =	sor.u32 s3, s0;
	s1 =	sshll.u32 s1, $0x11  }
0xbc: {  	s0 =	sor.u32 s1, s0  }
0xbd: {  	s0 =	sadd.s32 $0x8F2B, s0  }
0xbe: {  	[sflag:s0] =	ssyncadd.remote.s32 $0x1  }
0xbf: {  	_ =	sfence.sel $0xFFFF  }
0xc0: {  	[dreg:$0x0] =	wrdreg $0xFFFFFFFF;
	(pc) =	sbr.abs _section_cstart, $3  }
0xc1: {  	[dreg:$0x1] =	wrdreg $0xFFFFFFFF  }
0xc2: {  	_ =	task.clear_ibuf [dreg:s6], $0x2FFFF;
	_ =	strace $0x9FFFFFFF  }
0xc3: {  	(tm) =	ssettm $0x7FFFFFFF  }
tec
execute0_lowered:
.L_overlay_start_1:
0x0: {  	(tag) =	ssettag $0x1  }
0x1: {  	s0 =	rddreg [dreg:$0x0]  }
0x2: {  	s2 =	rddreg [dreg:$0x1]  }
0x3: {  	s3 =	rddreg [dreg:$0x2]  }
0x4: {  	s18 =	stileid.u32;
	s1 =	srdreg.scid  }
0x5: {  	s4 =	simm.s32 $0x0;
	s22 =	simm.s32 $0x13A40;
	s23 =	simm.s32 $0x3  }
0x6: {  	s25 =	simm.s32 $0xA0;
	s28 =	simm.s32 $0x1;
	s29 =	simm.s32 $0x1B240  }
0x7: {  	s30 =	simm.s32 $0x2;
	s24 =	simm.s32 $0x0;
	s1 =	sand.u32 $0x1, s1  }
0x8: {  	s5 =	sshll.u32 s18, $0x1;
	s12 =	smul.u32 $0xA000, s18;
	[smem:$0x7FF] =	sst s4  }
0x9: {  	s14 =	sadd.s32 $0x3F000, s0;
	s16 =	sadd.s32 $0x96000, s2;
	s9 =	sadd.s32 $0x96000, s3  }
0xa: {  	s10 =	sadd.s32 $0x3E200, s0;
	p0 =	seq.s32 s18, $0xF;
	s5 =	sor.u32 s1, s5  }
0xb: {  	s7 =	ssub.s32 $0x2, s1;
	p4 =	seq.s32 s1, $0x1;
	s1 =	smul.u32 $0x9C400, s1  }
0xc: {  	_ =	strace $0x80000050;
	s16 =	sshrl.u32 @p0 s16, $0x3;
	s5 =	smul.u32 $0x500, s5  }
0xd: {  	s6 =	sshrl.u32 s12, $0x3;
	s26 =	sshrl.u32 s7, $0x1;
	s20 =	sadd.s32 s12, s2  }
0xe: {  	p1 =	por !p4, !p0;
	p2 =	por p4, !p0;
	p3 =	por !p4, p0  }
0xf: {  	p4 =	por p4, p0;
	s8 =	sadd.s32 s6, s0;
	s15 =	ssub.s32 s7, s26  }
0x10: {  	s6 =	sadd.s32 s12, s3;
	s31 =	sadd.s32 s12, s1;
	s1 =	sshrl.u32 s1, $0x3  }
0x11: {  	s17 =	sshrl.u32 @!p1 s9, $0x3;
	s20 =	sshrl.u32 @!p0 s20, $0x3;
	s26 =	simm.s32 $0x18A40  }
0x12: {  	s13 =	sadd.s32 s5, s0;
	s5 =	sadd.s32 $0x17C00, s8;
	s7 =	sadd.s32 $0x2B600, s8  }
0x13: {  	s8 =	sadd.s32 $0x2A800, s0;
	s0 =	sshrl.u32 s31, $0x3;
	s1 =	sadd.s32 s14, s1  }
0x14: {  	s15 =	smax.u32 s15, $0x1;
	s21 =	sshrl.u32 @!p3 s6, $0x3;
	s11 =	sadd.s32 $0xDC00, s13  }
0x15: {  	s12 =	sadd.s32 $0x2C00, s13;
	s13 =	sadd.s32 s14, s0;
	s0 =	sshll.u32 @!p0 s18, $0x6  }
0x16: {  	s14 =	sadd.s32 $0x12C00, s1;
	s18 =	sshrl.u32 @!p2 s9, $0x3;
	s19 =	sor.u32 @!p0 $0x1C03, s0  }
.LBB2_1:
0x17: {  	s31 =	simm.s32 @p0 $0x1FC3;
	s0 =	simm.s32 @p0 $0x3  }
0x18: {  	[spmem:s16], [sflag:s31] =	dma.local @p0 [hbm:s8], $0xC80  }
0x19: {  	_ =	swait.ge @p0 [sflag:s0], $0xC80  }
0x1a: {  	[sflag:s0] =	ssyncset.done @p0 $0x0  }
0x1b: {  	[sflag:s0] =	ssyncadd.s32 @p0 $0xFFFFF380;
	s0 =	simm.s32 @!p1 $0x3  }
0x1c: {  	[spmem:s17], [sflag:s31] =	dma.local @!p1 [hbm:s10], $0xC80  }
0x1d: {  	_ =	swait.ge @!p1 [sflag:s0], $0xC80  }
0x1e: {  	[sflag:s0] =	ssyncset.done @!p1 $0x0  }
0x1f: {  	[sflag:s0] =	ssyncadd.s32 @!p1 $0xFFFFF380;
	s0 =	simm.s32 @!p2 $0x3  }
0x20: {  	[spmem:s18], [sflag:s31] =	dma.local @!p2 [hbm:s8], $0xC80  }
0x21: {  	_ =	swait.ge @!p2 [sflag:s0], $0xC80  }
0x22: {  	[sflag:s0] =	ssyncset.done @!p2 $0x0  }
0x23: {  	[sflag:s0] =	ssyncadd.s32 @!p2 $0xFFFFF380;
	s0 =	simm.s32 @!p0 $0x3  }
0x24: {  	[spmem:s20], [sflag:s19] =	dma.local @!p0 [hbm:s5], $0x1400  }
0x25: {  	_ =	swait.ge @!p0 [sflag:s0], $0x1400  }
0x26: {  	[sflag:s0] =	ssyncset.done @!p0 $0x0  }
0x27: {  	[sflag:s0] =	ssyncadd.s32 @!p0 $0xFFFFEC00;
	s0 =	simm.s32 @!p3 $0x3  }
0x28: {  	[spmem:s21], [sflag:s19] =	dma.local @!p3 [hbm:s7], $0x1400  }
0x29: {  	_ =	swait.ge @!p3 [sflag:s0], $0x1400  }
0x2a: {  	[sflag:s0] =	ssyncset.done @!p3 $0x0  }
0x2b: {  	[sflag:s0] =	ssyncadd.s32 @!p3 $0xFFFFEC00;
	s0 =	sshrl.u32 @!p4 s6, $0x3  }
0x2c: {  	[spmem:s0], [sflag:s19] =	dma.local @!p4 [hbm:s5], $0x1400  }
0x2d: {  	s0 =	simm.s32 @!p4 $0x3  }
0x2e: {  	_ =	swait.ge @!p4 [sflag:s0], $0x1400  }
0x2f: {  	[sflag:s0] =	ssyncset.done @!p4 $0x0  }
0x30: {  	[sflag:s0] =	ssyncadd.s32 @!p4 $0xFFFFEC00  }
0x31: {  	[tilespmem:s22], [sflag:$0x3] =	stream.linear.gather [hbm4b:s11+s4], $0x2800, $0x38;
	[tilespmem:$0x1DA40] =	vst v63  }
0x32: {  	_ =	swait.ge [sflag:s23], $0x2800  }
0x33: {  	[sflag:s23] =	ssyncset.done $0x0  }
0x34: {  	s1 =	simm.s32 $0x16240;
	[sflag:s23] =	ssyncadd.s32 $0xFFFFD800  }
0x35: {  	[tilespmem:s1], [sflag:$0x3] =	stream.linear.gather [hbm4b:s12+s4], $0x2800, $0x38;
	[tilespmem:$0x1DA40] =	vst v63  }
0x36: {  	_ =	swait.ge [sflag:s23], $0x2800  }
0x37: {  	[sflag:s23] =	ssyncset.done $0x0  }
0x38: {  	[sflag:s23] =	ssyncadd.s32 $0xFFFFD800  }
0x39: {  	[bflag:$0x0] =	sbarrier.arrive $0xFFFF  }
0x3a: {  	[tilespmem:s26], [sflag:$0x1] =	stream.indirect.gather [spmem:s2], $0x40, s22, s25, $0xb8;
	[tilespmem:$0x1DA40] =	vst v63  }
0x3b: {  	_ =	swait.ge [sflag:s28], $0x2800  }
0x3c: {  	[sflag:s28] =	ssyncset.done $0x0  }
0x3d: {  	s1 =	simm.s32 $0x13AE0;
	[sflag:s28] =	ssyncadd.s32 $0xFFFFD800  }
0x3e: {  	[tilespmem:s29], [sflag:$0x2] =	stream.indirect.gather [spmem:s2], $0x40, s1, s25, $0xb8;
	[tilespmem:$0x1DA40] =	vst v63  }
0x3f: {  	s1 =	simm.s32 $0x16240  }
0x40: {  	[spmem:s3] =	stream.indirect.scatter.add.f32 [tilespmem:s26], [sflag:$0x3], $0x40, s1, s25, $0xb8;
	[tilespmem:$0x1DA40] =	vst v63  }
0x41: {  	_ =	swait.ge [sflag:s23], $0x2800  }
0x42: {  	[sflag:s23] =	ssyncset.done $0x0  }
0x43: {  	[sflag:s23] =	ssyncadd.s32 $0xFFFFD800  }
0x44: {  	_ =	swait.ge [sflag:s30], $0x2800  }
0x45: {  	[sflag:s30] =	ssyncset.done $0x0  }
0x46: {  	s1 =	simm.s32 $0x13B80;
	[sflag:s30] =	ssyncadd.s32 $0xFFFFD800  }
0x47: {  	[tilespmem:s26], [sflag:$0x1] =	stream.indirect.gather [spmem:s2], $0x40, s1, s25, $0xb8;
	[tilespmem:$0x1DA40] =	vst v63  }
0x48: {  	s1 =	simm.s32 $0x162E0  }
0x49: {  	[spmem:s3] =	stream.indirect.scatter.add.f32 [tilespmem:s29], [sflag:$0x3], $0x40, s1, s25, $0xb8;
	[tilespmem:$0x1DA40] =	vst v63  }
0x4a: {  	_ =	swait.ge [sflag:s23], $0x2800  }
0x4b: {  	s31 =	simm.s32 $0x500;
	[sflag:s23] =	ssyncset.done $0x0  }
.LBB2_2:
0x4c: {  	p5 =	sne.s32 s31, $0x9600  }
0x4d: {  	[sflag:s23] =	ssyncadd.s32 $0xFFFFD800;
	s0 =	smov.u32 s31;
	s31 =	sadd.s32 $0x500, s31  }
0x4e: {  	_ = 	snop  }
0x4f: {  	_ =	swait.ge [sflag:s28], $0x2800  }
0x50: {  	s0 =	sshra.s32 s0, $0x2;
	[sflag:s28] =	ssyncset.done $0x0  }
0x51: {  	s1 =	sadd.s32 $0x13AE0, s0;
	[sflag:s28] =	ssyncadd.s32 $0xFFFFD800  }
0x52: {  	[tilespmem:s29], [sflag:$0x2] =	stream.indirect.gather [spmem:s2], $0x40, s1, s25, $0xb8;
	[tilespmem:$0x1DA40] =	vst v63  }
0x53: {  	s1 =	sadd.s32 $0x16240, s0  }
0x54: {  	[spmem:s3] =	stream.indirect.scatter.add.f32 [tilespmem:s26], [sflag:$0x3], $0x40, s1, s25, $0xb8;
	[tilespmem:$0x1DA40] =	vst v63  }
0x55: {  	_ =	swait.ge [sflag:s23], $0x2800  }
0x56: {  	[sflag:s23] =	ssyncset.done $0x0  }
0x57: {  	[sflag:s23] =	ssyncadd.s32 $0xFFFFD800  }
0x58: {  	_ =	swait.ge [sflag:s30], $0x2800  }
0x59: {  	[sflag:s30] =	ssyncset.done $0x0  }
0x5a: {  	s1 =	sadd.s32 $0x13B80, s0;
	[sflag:s30] =	ssyncadd.s32 $0xFFFFD800  }
0x5b: {  	[tilespmem:s26], [sflag:$0x1] =	stream.indirect.gather [spmem:s2], $0x40, s1, s25, $0xb8;
	[tilespmem:$0x1DA40] =	vst v63  }
.Ltmp0:
0x5c: {  	_ = 	snop;
	(pc) =	sbr.rel @p5 .LBB2_2-.Ltmp0, $4  }
0x5d: {  	s0 =	sadd.s32 $0x162E0, s0  }
0x5e: {  	[spmem:s3] =	stream.indirect.scatter.add.f32 [tilespmem:s29], [sflag:$0x3], $0x40, s0, s25, $0xb8;
	[tilespmem:$0x1DA40] =	vst v63  }
0x5f: {  	_ =	swait.ge [sflag:s23], $0x2800  }
0x60: {  	[sflag:s23] =	ssyncset.done $0x0  }
0x61: {  	[sflag:s23] =	ssyncadd.s32 $0xFFFFD800  }
0x62: {  	_ =	swait.ge [sflag:s28], $0x2800  }
0x63: {  	[sflag:s28] =	ssyncset.done $0x0  }
0x64: {  	s0 =	simm.s32 $0x161A0;
	[sflag:s28] =	ssyncadd.s32 $0xFFFFD800  }
0x65: {  	[tilespmem:s29], [sflag:$0x2] =	stream.indirect.gather [spmem:s2], $0x40, s0, s25, $0xb8;
	[tilespmem:$0x1DA40] =	vst v63  }
0x66: {  	s1 =	simm.s32 $0x18900  }
0x67: {  	[spmem:s3] =	stream.indirect.scatter.add.f32 [tilespmem:s26], [sflag:$0x3], $0x40, s1, s25, $0xb8;
	[tilespmem:$0x1DA40] =	vst v63  }
0x68: {  	_ =	swait.ge [sflag:s23], $0x2800  }
0x69: {  	[sflag:s23] =	ssyncset.done $0x0  }
0x6a: {  	[sflag:s23] =	ssyncadd.s32 $0xFFFFD800  }
0x6b: {  	_ =	swait.ge [sflag:s30], $0x2800  }
0x6c: {  	[sflag:s30] =	ssyncset.done $0x0  }
0x6d: {  	s31 =	simm.s32 $0x189A0;
	[sflag:s30] =	ssyncadd.s32 $0xFFFFD800  }
0x6e: {  	[spmem:s3] =	stream.indirect.scatter.add.f32 [tilespmem:s29], [sflag:$0x3], $0x40, s31, s25, $0xb8;
	[tilespmem:$0x1DA40] =	vst v63  }
0x6f: {  	_ =	swait.ge [sflag:s23], $0x2800  }
0x70: {  	[sflag:s23] =	ssyncset.done $0x0  }
0x71: {  	[sflag:s23] =	ssyncadd.s32 $0xFFFFD800  }
0x72: {  	s0 =	sshrl.u32 @p0 s9, $0x3;
	s1 =	simm.s32 @p0 $0x1FC3;
	[bflag:$0x0] =	sbarrier.arrive $0xFFFF  }
0x73: {  	[hbm:s14], [sflag:s1] =	dma.local @p0 [spmem:s0], $0xC80  }
0x74: {  	s0 =	simm.s32 @p0 $0x3  }
0x75: {  	_ =	swait.ge @p0 [sflag:s0], $0xC80  }
0x76: {  	s24 =	sadd.s32 $0x1, s24;
	[sflag:s0] =	ssyncset.done @p0 $0x0  }
0x77: {  	p5 =	sne.s32 s24, s15;
	[sflag:s0] =	ssyncadd.s32 @p0 $0xFFFFF380;
	s0 =	sshrl.u32 @!p0 s6, $0x3  }
0x78: {  	[hbm:s13], [sflag:s19] =	dma.local @!p0 [spmem:s0], $0x1400  }
.Ltmp1:
0x79: {  	_ = 	snop;
	(pc) =	sbr.rel @p5 .LBB2_1-.Ltmp1, $4  }
0x7a: {  	s0 =	simm.s32 @!p0 $0x3  }
0x7b: {  	_ =	swait.ge @!p0 [sflag:s0], $0x1400  }
0x7c: {  	[sflag:s0] =	ssyncset.done @!p0 $0x0  }
0x7d: {  	[sflag:s0] =	ssyncadd.s32 @!p0 $0xFFFFEC00  }
0x7e: {  	_ =	sfence.sel $0x180000  }
0x7f: {  	[bflag:$0x0] =	sbarrier.arrive $0xFFFF  }
0x80: {  	_ =	strace $0x90000050  }
0x81: {  	s0 =	stileid.u32;
	[bflag:$0x2] =	sbarrier.arrive $0xFFFF  }
0x82: {  	p0 =	sne.s32 s0, $0x0;
	s0 =	rddreg [dreg:$0x3]  }
0x83: {  	s0 =	sadd.s32 @!p0 $0x100000, s0  }
0x84: {  	[sflag:s0] =	ssyncadd.tile.s32 @!p0 $0x1;
	_ =	shalt  }
.Lfunc_end2:
_tile_overlayer_lowered:
.L_overlay_start_2:
0x85: {  	(tag) =	ssettag $0x2  }
0x86: {  	s0 =	rddreg [dreg:$0x0];
	s2 =	stileid.u32  }
0x87: {  	s1 =	rddreg [dreg:$0x1];
	p0 =	sne.s32 s2, $0x0  }
0x88: {  	s3 =	rddreg [dreg:$0x2];
	[bflag:$0x3] =	sbarrier.arrive $0xFFFF;
	s2 =	simm.s32 @!p0 $0x1C03  }
0x89: {  	[timem:s3], [sflag:s2] =	dma.local @!p0 [hbm:s0], s1  }
0x8a: {  	s0 =	simm.s32 @!p0 $0x3  }
0x8b: {  	_ =	swait.ge @!p0 [sflag:s0], s1  }
0x8c: {  	s1 =	ssub.s32 @!p0 $0x0, s1;
	[sflag:s0] =	ssyncset.done @!p0 $0x0  }
0x8d: {  	[sflag:s0] =	ssyncadd.s32 @!p0 s1  }
0x8e: {  	[bflag:$0x3] =	sbarrier.arrive $0xFFFF  }
0x8f: {  	_ =	shalt  }

</sc_bundles>
